<compile_context>
chip_gen: v7x
topology: tpu7x:2x2x1
jax: 0.10.2.dev20260603
libtpu: 0.0.44.dev20260713+nightly
codegen_flags: <defaults>
</compile_context>

<pallas_src>
import functools
import math

import jax
import jax.numpy as jnp
from jax import lax
from jax.experimental import pallas as pl
from jax.experimental.pallas import tpu as pltpu
from jax.experimental.pallas import tpu_sc as plsc

N = 10000
NP = 10240
E = 320000
IN_DIM = 128
HID = 256
HALF = 128
G = 16
NS = 16
ROWS_PER = NP // NS
BLK = 640
GRID = NP // BLK
K = 80
NB = 2
E_PER_SUB = E // NS
E_PER_SUB_DEG = E // (2 * NS)
BNC = 1.0 / math.sqrt(1.0 + 1e-5)

_f32 = jnp.float32



def _propagate(s_lo, s_hi, src, dst):
    mesh = plsc.VectorSubcoreMesh(core_axis_name="c", subcore_axis_name="s")

    @functools.partial(
        pl.kernel,
        out_type=(jax.ShapeDtypeStruct((NP, HALF), _f32),
                  jax.ShapeDtypeStruct((NP, HALF), _f32)),
        mesh=mesh,
        scratch_types=[
            pltpu.VMEM((K,), jnp.int32),
            pltpu.VMEM((K,), jnp.int32),
            pltpu.VMEM((K, HALF), _f32),
            pltpu.VMEM_SHARED((NP, HALF), _f32),
            pltpu.SemaphoreType.DMA,
        ],
    )
    def prop_kernel(slo_hbm, shi_hbm, src_hbm, dst_hbm, olo_hbm, ohi_hbm,
                    sv0, dv0, buf0, acc, sg0):
        c = lax.axis_index("c")
        s = lax.axis_index("s")
        r0 = s * ROWS_PER
        e0 = s * E_PER_SUB

        @pl.when(c == 0)
        def _():
            pltpu.sync_copy(slo_hbm.at[pl.ds(r0, ROWS_PER)],
                            acc.at[pl.ds(r0, ROWS_PER)])

        @pl.when(c == 1)
        def _():
            pltpu.sync_copy(shi_hbm.at[pl.ds(r0, ROWS_PER)],
                            acc.at[pl.ds(r0, ROWS_PER)])

        plsc.subcore_barrier()

        def body(j, carry):
            b = e0 + j * K
            pltpu.sync_copy(src_hbm.at[pl.ds(b, K)], sv0)
            pltpu.sync_copy(dst_hbm.at[pl.ds(b, K)], dv0)

            @pl.when(c == 0)
            def _():
                pltpu.async_copy(slo_hbm.at[sv0], buf0, sg0).wait()

            @pl.when(c == 1)
            def _():
                pltpu.async_copy(shi_hbm.at[sv0], buf0, sg0).wait()

            pltpu.async_copy(buf0, acc.at[dv0], sg0, add=True).wait()
            return carry

        lax.fori_loop(0, E_PER_SUB // K, body, 0)
        plsc.subcore_barrier()

        @pl.when(c == 0)
        def _():
            pltpu.sync_copy(acc.at[pl.ds(r0, ROWS_PER)],
                            olo_hbm.at[pl.ds(r0, ROWS_PER)])

        @pl.when(c == 1)
        def _():
            pltpu.sync_copy(acc.at[pl.ds(r0, ROWS_PER)],
                            ohi_hbm.at[pl.ds(r0, ROWS_PER)])

    return prop_kernel(s_lo, s_hi, src, dst)



def _lin_in(x_p, dg, W_in, b_in, Wg0):

    def body(x_ref, c0_ref, win_ref, bin_ref, wg0_ref,
             slo_ref, shi_ref, dinv_ref):
        t = jnp.dot(x_ref[...], win_ref[...], preferred_element_type=_f32)
        t = jnp.maximum(t + bin_ref[...], 0.0)
        deg = c0_ref[...][:, :1]
        dinv = lax.rsqrt(deg)
        sarr = jnp.dot(t, wg0_ref[...], preferred_element_type=_f32) * dinv
        slo_ref[...] = sarr[:, :HALF]
        shi_ref[...] = sarr[:, HALF:]
        dinv_ref[...] = jnp.broadcast_to(dinv, (BLK, 16))

    return pl.pallas_call(
        body,
        grid=(GRID,),
        in_specs=[
            pl.BlockSpec((BLK, IN_DIM), lambda j: (j, 0)),
            pl.BlockSpec((BLK, HALF), lambda j: (j, 0)),
            pl.BlockSpec((IN_DIM, HID), lambda j: (0, 0)),
            pl.BlockSpec((1, HID), lambda j: (0, 0)),
            pl.BlockSpec((HID, HID), lambda j: (0, 0)),
        ],
        out_specs=[
            pl.BlockSpec((BLK, HALF), lambda j: (j, 0)),
            pl.BlockSpec((BLK, HALF), lambda j: (j, 0)),
            pl.BlockSpec((BLK, 16), lambda j: (j, 0)),
        ],
        out_shape=[
            jax.ShapeDtypeStruct((NP, HALF), _f32),
            jax.ShapeDtypeStruct((NP, HALF), _f32),
            jax.ShapeDtypeStruct((NP, 16), _f32),
        ],
    )(x_p, dg, W_in, b_in, Wg0)


def _post_layer(a_lo, a_hi, dinv16, h_prev, b_l, gamma, beta, W_next):
    res = h_prev is not None

    def body(*refs):
        if res:
            (alo_ref, ahi_ref, dv_ref, hp_ref, b_ref, g_ref, bt_ref, wn_ref,
             h_ref, slo_ref, shi_ref) = refs
        else:
            (alo_ref, ahi_ref, dv_ref, b_ref, g_ref, bt_ref, wn_ref,
             h_ref, slo_ref, shi_ref) = refs
        dinv = dv_ref[...][:, :1]
        a = jnp.concatenate([alo_ref[...], ahi_ref[...]], axis=1)
        h = (a * dinv + b_ref[...]) * (g_ref[...] * BNC) + bt_ref[...]
        h = jnp.maximum(h, 0.0)
        if res:
            h = h + hp_ref[...]
        h_ref[...] = h
        sarr = jnp.dot(h, wn_ref[...], preferred_element_type=_f32) * dinv
        slo_ref[...] = sarr[:, :HALF]
        shi_ref[...] = sarr[:, HALF:]

    in_specs = [
        pl.BlockSpec((BLK, HALF), lambda j: (j, 0)),
        pl.BlockSpec((BLK, HALF), lambda j: (j, 0)),
        pl.BlockSpec((BLK, 16), lambda j: (j, 0)),
    ]
    args = [a_lo, a_hi, dinv16]
    if res:
        in_specs.append(pl.BlockSpec((BLK, HID), lambda j: (j, 0)))
        args.append(h_prev)
    in_specs += [
        pl.BlockSpec((1, HID), lambda j: (0, 0)),
        pl.BlockSpec((1, HID), lambda j: (0, 0)),
        pl.BlockSpec((1, HID), lambda j: (0, 0)),
        pl.BlockSpec((HID, HID), lambda j: (0, 0)),
    ]
    args += [b_l, gamma, beta, W_next]

    return pl.pallas_call(
        body,
        grid=(GRID,),
        in_specs=in_specs,
        out_specs=[
            pl.BlockSpec((BLK, HID), lambda j: (j, 0)),
            pl.BlockSpec((BLK, HALF), lambda j: (j, 0)),
            pl.BlockSpec((BLK, HALF), lambda j: (j, 0)),
        ],
        out_shape=[
            jax.ShapeDtypeStruct((NP, HID), _f32),
            jax.ShapeDtypeStruct((NP, HALF), _f32),
            jax.ShapeDtypeStruct((NP, HALF), _f32),
        ],
    )(*args)


def _pool_head(a_lo, a_hi, dinv16, h1, batch16, b_l, gamma, beta,
               Wa1, ba1, Wa2, ba2, Wo1, bo1, Wo2, bo2):

    def body(alo_ref, ahi_ref, dv_ref, h1_ref, bt_ref,
             b_ref, g_ref, btt_ref, wa1_ref, ba1_ref, wa2_ref, ba2_ref,
             wo1_ref, bo1_ref, wo2_ref, bo2_ref, out_ref,
             sum_acc, mid_acc, attn_acc, max_acc, cnt_acc, z_acc):
        j = pl.program_id(0)

        @pl.when(j == 0)
        def _():
            sum_acc[...] = jnp.zeros((G, HID), _f32)
            mid_acc[...] = jnp.zeros((G, HID), _f32)
            attn_acc[...] = jnp.zeros((G, HID), _f32)
            cnt_acc[...] = jnp.zeros((G, HID), _f32)
            max_acc[...] = jnp.full((G, HID), -jnp.inf, _f32)
            z_acc[0] = 0.0

        dinv = dv_ref[...][:, :1]
        a = jnp.concatenate([alo_ref[...], ahi_ref[...]], axis=1)
        h2 = (a * dinv + b_ref[...]) * (g_ref[...] * BNC) + btt_ref[...]
        h2 = jnp.maximum(h2, 0.0) + h1_ref[...]
        h1b = h1_ref[...]

        bt = bt_ref[...][:, :1]
        validf = (bt < G).astype(_f32)
        iota_g = lax.broadcasted_iota(jnp.int32, (BLK, G), 1)
        Pt = (iota_g == bt).astype(_f32)

        dn = (((0,), (0,)), ((), ()))
        sum_acc[...] += lax.dot_general(Pt, h2, dn,
                                        preferred_element_type=_f32)
        mid_acc[...] += lax.dot_general(Pt, h1b, dn,
                                        preferred_element_type=_f32)

        th = jnp.tanh(jnp.dot(h2, wa1_ref[...],
                              preferred_element_type=_f32) + ba1_ref[...])
        aw = jnp.dot(th, wa2_ref[...], preferred_element_type=_f32) + ba2_ref[...]
        e = jnp.exp(aw) * validf
        attn_acc[...] += lax.dot_general(Pt, h2 * e, dn,
                                         preferred_element_type=_f32)
        z_acc[0] += jnp.sum(e)

        cnt_col = lax.dot_general(Pt, validf, dn,
                                  preferred_element_type=_f32)
        cnt_acc[...] += jnp.broadcast_to(cnt_col, (G, HID))

        rows = []
        for g_idx in range(G):
            mg = jnp.max(jnp.where(bt == g_idx, h2, -jnp.inf),
                         axis=0, keepdims=True)
            rows.append(mg)
        max_acc[...] = jnp.maximum(max_acc[...], jnp.concatenate(rows, axis=0))

        @pl.when(j == GRID - 1)
        def _():
            cnt = jnp.maximum(cnt_acc[...], 1.0)
            mean_p = sum_acc[...] / cnt
            mid_p = mid_acc[...] / cnt
            attn_p = attn_acc[...] / z_acc[0]
            combined = jnp.concatenate(
                [mean_p, max_acc[...], attn_p, mid_p], axis=1)
            r = jnp.maximum(
                jnp.dot(combined, wo1_ref[...], preferred_element_type=_f32)
                + bo1_ref[...], 0.0)
            out_ref[...] = (jnp.dot(r, wo2_ref[...],
                                    preferred_element_type=_f32)
                            + bo2_ref[...])

    return pl.pallas_call(
        body,
        grid=(GRID,),
        in_specs=[
            pl.BlockSpec((BLK, HALF), lambda j: (j, 0)),
            pl.BlockSpec((BLK, HALF), lambda j: (j, 0)),
            pl.BlockSpec((BLK, 16), lambda j: (j, 0)),
            pl.BlockSpec((BLK, HID), lambda j: (j, 0)),
            pl.BlockSpec((BLK, 16), lambda j: (j, 0)),
            pl.BlockSpec((1, HID), lambda j: (0, 0)),
            pl.BlockSpec((1, HID), lambda j: (0, 0)),
            pl.BlockSpec((1, HID), lambda j: (0, 0)),
            pl.BlockSpec((HID, HID), lambda j: (0, 0)),
            pl.BlockSpec((1, HID), lambda j: (0, 0)),
            pl.BlockSpec((HID, 1), lambda j: (0, 0)),
            pl.BlockSpec((1, 1), lambda j: (0, 0)),
            pl.BlockSpec((4 * HID, HID), lambda j: (0, 0)),
            pl.BlockSpec((1, HID), lambda j: (0, 0)),
            pl.BlockSpec((HID, HID), lambda j: (0, 0)),
            pl.BlockSpec((1, HID), lambda j: (0, 0)),
        ],
        out_specs=pl.BlockSpec((G, HID), lambda j: (0, 0)),
        out_shape=jax.ShapeDtypeStruct((G, HID), _f32),
        scratch_shapes=[
            pltpu.VMEM((G, HID), _f32),
            pltpu.VMEM((G, HID), _f32),
            pltpu.VMEM((G, HID), _f32),
            pltpu.VMEM((G, HID), _f32),
            pltpu.VMEM((G, HID), _f32),
            pltpu.SMEM((1,), _f32),
        ],
    )(a_lo, a_hi, dinv16, h1, batch16, b_l, gamma, beta,
      Wa1, ba1, Wa2, ba2, Wo1, bo1, Wo2, bo2)



def kernel(x, edge_index, batch, W_in, b_in, Wg0, bg0, Wg1, bg1, Wg2, bg2,
           gamma0, beta0, gamma1, beta1, gamma2, beta2,
           Wa1, ba1, Wa2, ba2, Wo1, bo1, Wo2, bo2):
    edge = edge_index.astype(jnp.int32)
    src_e, dst_e = edge[0], edge[1]
    x_p = jnp.pad(x, ((0, NP - N), (0, 0)))
    batch_p = jnp.pad(batch.astype(jnp.int32), (0, NP - N),
                      constant_values=G)
    batch16 = jnp.broadcast_to(batch_p[:, None], (NP, 16))

    ones_feat = jnp.ones((NP, HALF), _f32)
    dg, _unused = _propagate(ones_feat, ones_feat, src_e, dst_e)

    r2 = lambda v: v.reshape(1, -1)
    s0_lo, s0_hi, dinv16 = _lin_in(x_p, dg, W_in, r2(b_in), Wg0)

    a_lo, a_hi = _propagate(s0_lo, s0_hi, src_e, dst_e)
    h0, s1_lo, s1_hi = _post_layer(a_lo, a_hi, dinv16, None,
                                   r2(bg0), r2(gamma0), r2(beta0), Wg1)

    a_lo, a_hi = _propagate(s1_lo, s1_hi, src_e, dst_e)
    h1, s2_lo, s2_hi = _post_layer(a_lo, a_hi, dinv16, h0,
                                   r2(bg1), r2(gamma1), r2(beta1), Wg2)

    a_lo, a_hi = _propagate(s2_lo, s2_hi, src_e, dst_e)
    out = _pool_head(a_lo, a_hi, dinv16, h1, batch16,
                     r2(bg2), r2(gamma2), r2(beta2),
                     Wa1, r2(ba1), Wa2.reshape(HID, 1), ba2.reshape(1, 1),
                     Wo1, r2(bo1), Wo2, r2(bo2))
    return out

# --- scband reference (transcript-rebuilt; emitter-appended) ---
"""Pipeline reference for scband-gnnencoder-11355893530633 (READ-ONLY COPY).

The authoritative reference and input builder live on the scoring server;
editing this copy changes nothing except your own understanding.
"""

import jax, jax.numpy as jnp
import numpy as np

N_NODES = 10000
N_EDGES = 320000
IN_DIM = 128
HID = 256
OUT = 256
N_GRAPHS = 16


def _lin(key, fan_in, fan_out):
    k1, k2 = jax.random.split(key)
    s = 1.0 / np.sqrt(fan_in)
    W = jax.random.uniform(k1, (fan_in, fan_out), minval=-s, maxval=s, dtype=jnp.float32)
    b = jax.random.uniform(k2, (fan_out,), minval=-s, maxval=s, dtype=jnp.float32)
    return W, b


def setup_inputs(seed: int = 0) -> dict:
    key = jax.random.key(seed)
    ks = jax.random.split(key, 16)
    x = jax.random.normal(ks[0], (N_NODES, IN_DIM), dtype=jnp.float32)
    edge_index = jax.random.randint(ks[1], (2, N_EDGES), 0, N_NODES, dtype=jnp.int64)
    batch = jnp.sort(jax.random.randint(ks[2], (N_NODES,), 0, N_GRAPHS, dtype=jnp.int64))
    W_in, b_in = _lin(ks[3], IN_DIM, HID)
    Wg0, bg0 = _lin(ks[4], HID, HID)
    Wg1, bg1 = _lin(ks[5], HID, HID)
    Wg2, bg2 = _lin(ks[6], HID, HID)
    gamma0 = jnp.ones((HID,), jnp.float32); beta0 = jnp.zeros((HID,), jnp.float32)
    gamma1 = jnp.ones((HID,), jnp.float32); beta1 = jnp.zeros((HID,), jnp.float32)
    gamma2 = jnp.ones((HID,), jnp.float32); beta2 = jnp.zeros((HID,), jnp.float32)
    Wa1, ba1 = _lin(ks[7], HID, OUT)
    Wa2, ba2 = _lin(ks[8], OUT, 1)
    Wo1, bo1 = _lin(ks[9], 4 * HID, OUT)
    Wo2, bo2 = _lin(ks[10], OUT, OUT)
    return dict(x=x, edge_index=edge_index, batch=batch, W_in=W_in, b_in=b_in,
                Wg0=Wg0, bg0=bg0, Wg1=Wg1, bg1=bg1, Wg2=Wg2, bg2=bg2,
                gamma0=gamma0, beta0=beta0, gamma1=gamma1, beta1=beta1,
                gamma2=gamma2, beta2=beta2, Wa1=Wa1, ba1=ba1, Wa2=Wa2, ba2=ba2,
                Wo1=Wo1, bo1=bo1, Wo2=Wo2, bo2=bo2)


def _gcn_conv(x, src, dst, norm, W, b, num_nodes):
    h = x @ W
    msg = h[src] * norm[:, None]
    out = jnp.zeros((num_nodes, h.shape[1]), h.dtype).at[dst].add(msg)
    return out + b


def _bn_eval(h, gamma, beta):
    # eval-mode BatchNorm1d with fresh running stats (mean=0, var=1)
    return h / jnp.sqrt(1.0 + 1e-5) * gamma + beta


def reference(x, edge_index, batch, W_in, b_in, Wg0, bg0, Wg1, bg1, Wg2, bg2,
              gamma0, beta0, gamma1, beta1, gamma2, beta2,
              Wa1, ba1, Wa2, ba2, Wo1, bo1, Wo2, bo2):
    n = x.shape[0]
    loop = jnp.arange(n, dtype=edge_index.dtype)
    src = jnp.concatenate([edge_index[0], loop])
    dst = jnp.concatenate([edge_index[1], loop])
    deg = jnp.zeros((n,), jnp.float32).at[dst].add(1.0)
    dinv = 1.0 / jnp.sqrt(jnp.clip(deg, 1.0))
    norm = dinv[src] * dinv[dst]

    h = jax.nn.relu(x @ W_in + b_in)
    Ws = [(Wg0, bg0, gamma0, beta0), (Wg1, bg1, gamma1, beta1), (Wg2, bg2, gamma2, beta2)]
    layer_outputs = []
    for i, (W, b, g, bt) in enumerate(Ws):
        h_prev = h
        h = _gcn_conv(h, src, dst, norm, W, b, n)
        h = _bn_eval(h, g, bt)
        h = jax.nn.relu(h)
        if i > 0:
            h = h + h_prev
        layer_outputs.append(h)

    B = N_GRAPHS
    ones = jnp.ones((n,), jnp.float32)
    counts = jnp.clip(jax.ops.segment_sum(ones, batch, num_segments=B), 1.0)
    mean_pool = jax.ops.segment_sum(h, batch, num_segments=B) / counts[:, None]
    max_pool = jax.ops.segment_max(h, batch, num_segments=B)
    aw = jnp.tanh(h @ Wa1 + ba1) @ Wa2 + ba2
    aw = jax.nn.softmax(aw, axis=0)
    attn_pool = jax.ops.segment_sum(h * aw, batch, num_segments=B)
    mid = layer_outputs[len(layer_outputs) // 2]
    mid_pool = jax.ops.segment_sum(mid, batch, num_segments=B) / counts[:, None]
    combined = jnp.concatenate([mean_pool, max_pool, attn_pool, mid_pool], axis=1)
    out = jax.nn.relu(combined @ Wo1 + bo1) @ Wo2 + bo2
    return out

if __name__ == "__main__":
    import jax
    _d = setup_inputs()
    print(jax.jit(kernel)(*tuple(_d.values())))

</pallas_src>

<mosaic_0001>
#map = affine_map<(d0, d1) -> (0, 0)>
#map1 = affine_map<(d0, d1) -> (0)>
module attributes {stable_mosaic.version = 14 : i64} {
  func.func @prop_kernel(%arg0: i32, %arg1: i32, %arg2: memref<10240x128xf32, #tpu.memory_space<hbm>>, %arg3: memref<10240x128xf32, #tpu.memory_space<hbm>>, %arg4: memref<320000xi32, #tpu.memory_space<hbm>>, %arg5: memref<320000xi32, #tpu.memory_space<hbm>>, %arg6: memref<10240x128xf32, #tpu.memory_space<hbm>>, %arg7: memref<10240x128xf32, #tpu.memory_space<hbm>>, %arg8: memref<80xi32, #tpu.memory_space<vmem>>, %arg9: memref<80xi32, #tpu.memory_space<vmem>>, %arg10: memref<80x128xf32, #tpu.memory_space<vmem>>, %arg11: memref<10240x128xf32, #tpu.memory_space<vmem_shared>>, %arg12: memref<!tpu.dma_semaphore, #tpu.memory_space<semaphore_mem>>) attributes {dimension_semantics = [#tpu.dimension_semantics<core_parallel>, #tpu.dimension_semantics<subcore_parallel>], iteration_bounds = array<i64: 2, 16>, scalar_prefetch = 0 : i64, scratch_operands = 5 : i64, tpu.core_type = #tpu.core_type<sc_vector_subcore>, window_params = [{transform_indices = #map}, {transform_indices = #map}, {transform_indices = #map1}, {transform_indices = #map1}, {transform_indices = #map}, {transform_indices = #map}]} {
    %mul3A = arith.constant 640 : i32
    %mul3A_0 = arith.muli %arg1, %mul3A : i32
    %mul3A_1 = arith.constant 20000 : i32
    %mul3A_2 = arith.muli %arg1, %mul3A_1 : i32
    %eq3A = arith.constant 0 : i32
    %eq3A_3 = arith.cmpi eq, %arg0, %eq3A : i32
    %convert_element_type3A = arith.extui %eq3A_3 : i1 to i32
    %cond3A = arith.constant 0 : i32
    %cond3A_4 = arith.cmpi ne, %convert_element_type3A, %cond3A : i32
    scf.if %cond3A_4 {
      "tpu.region"() ({
        %run_scoped3A = tpu.sem_alloc : memref<!tpu.dma_semaphore, #tpu.memory_space<semaphore_mem>>
        %dma_start3A = arith.constant 0 : i32
        %dma_start3A_26 = tpu.memref_slice %arg11[%mul3A_0, %dma_start3A] : memref<10240x128xf32, #tpu.memory_space<vmem_shared>> -> memref<640x128xf32, #tpu.memory_space<vmem_shared>>
        %dma_start3A_27 = arith.constant 0 : i32
        %dma_start3A_28 = tpu.memref_slice %arg2[%mul3A_0, %dma_start3A_27] : memref<10240x128xf32, #tpu.memory_space<hbm>> -> memref<640x128xf32, #tpu.memory_space<hbm>>
        tpu.enqueue_dma source(%dma_start3A_28 : memref<640x128xf32, #tpu.memory_space<hbm>>) target(%dma_start3A_26 : memref<640x128xf32, #tpu.memory_space<vmem_shared>>) target_semaphore(%run_scoped3A : memref<!tpu.dma_semaphore, #tpu.memory_space<semaphore_mem>>)
        %dma_wait3A = arith.constant 0 : i32
        %dma_wait3A_29 = tpu.memref_slice %arg11[%mul3A_0, %dma_wait3A] : memref<10240x128xf32, #tpu.memory_space<vmem_shared>> -> memref<640x128xf32, #tpu.memory_space<vmem_shared>>
        %dma_wait3A_30 = arith.constant 0 : i32
        %dma_wait3A_31 = tpu.memref_slice %arg2[%mul3A_0, %dma_wait3A_30] : memref<10240x128xf32, #tpu.memory_space<hbm>> -> memref<640x128xf32, #tpu.memory_space<hbm>>
        tpu.wait_dma2 semaphore(%run_scoped3A : memref<!tpu.dma_semaphore, #tpu.memory_space<semaphore_mem>>) src(%dma_wait3A_31 : memref<640x128xf32, #tpu.memory_space<hbm>>) dst(%dma_wait3A_29 : memref<640x128xf32, #tpu.memory_space<vmem_shared>>)
        tpu.yield
      }) : () -> ()
    } else {
    }
    %eq3A_5 = arith.constant 1 : i32
    %eq3A_6 = arith.cmpi eq, %arg0, %eq3A_5 : i32
    %convert_element_type3A_7 = arith.extui %eq3A_6 : i1 to i32
    %cond3A_8 = arith.constant 0 : i32
    %cond3A_9 = arith.cmpi ne, %convert_element_type3A_7, %cond3A_8 : i32
    scf.if %cond3A_9 {
      "tpu.region"() ({
        %run_scoped3A = tpu.sem_alloc : memref<!tpu.dma_semaphore, #tpu.memory_space<semaphore_mem>>
        %dma_start3A = arith.constant 0 : i32
        %dma_start3A_26 = tpu.memref_slice %arg11[%mul3A_0, %dma_start3A] : memref<10240x128xf32, #tpu.memory_space<vmem_shared>> -> memref<640x128xf32, #tpu.memory_space<vmem_shared>>
        %dma_start3A_27 = arith.constant 0 : i32
        %dma_start3A_28 = tpu.memref_slice %arg3[%mul3A_0, %dma_start3A_27] : memref<10240x128xf32, #tpu.memory_space<hbm>> -> memref<640x128xf32, #tpu.memory_space<hbm>>
        tpu.enqueue_dma source(%dma_start3A_28 : memref<640x128xf32, #tpu.memory_space<hbm>>) target(%dma_start3A_26 : memref<640x128xf32, #tpu.memory_space<vmem_shared>>) target_semaphore(%run_scoped3A : memref<!tpu.dma_semaphore, #tpu.memory_space<semaphore_mem>>)
        %dma_wait3A = arith.constant 0 : i32
        %dma_wait3A_29 = tpu.memref_slice %arg11[%mul3A_0, %dma_wait3A] : memref<10240x128xf32, #tpu.memory_space<vmem_shared>> -> memref<640x128xf32, #tpu.memory_space<vmem_shared>>
        %dma_wait3A_30 = arith.constant 0 : i32
        %dma_wait3A_31 = tpu.memref_slice %arg3[%mul3A_0, %dma_wait3A_30] : memref<10240x128xf32, #tpu.memory_space<hbm>> -> memref<640x128xf32, #tpu.memory_space<hbm>>
        tpu.wait_dma2 semaphore(%run_scoped3A : memref<!tpu.dma_semaphore, #tpu.memory_space<semaphore_mem>>) src(%dma_wait3A_31 : memref<640x128xf32, #tpu.memory_space<hbm>>) dst(%dma_wait3A_29 : memref<640x128xf32, #tpu.memory_space<vmem_shared>>)
        tpu.yield
      }) : () -> ()
    } else {
    }
    %barrier3A = arith.constant 0 : index
    tpu.barrier barrier_id(%barrier3A)
    %scan3A = arith.constant 0 : i32
    %scan3A_10 = arith.constant 0 : i32
    %scan3A_11 = arith.constant 250 : i32
    %scan3A_12 = arith.addi %scan3A_10, %scan3A_11 : i32
    %scan3A_13 = arith.constant 1 : i32
    scf.for %scan3A_26 = %scan3A_10 to %scan3A_12 step %scan3A_13  : i32 {
      %mul3A_27 = arith.constant 80 : i32
      %mul3A_28 = arith.muli %scan3A_26, %mul3A_27 : i32
      %add3A = arith.addi %mul3A_2, %mul3A_28 : i32
      "tpu.region"() ({
        %run_scoped3A = tpu.sem_alloc : memref<!tpu.dma_semaphore, #tpu.memory_space<semaphore_mem>>
        %dma_start3A_43 = tpu.memref_slice %arg4[%add3A] : memref<320000xi32, #tpu.memory_space<hbm>> -> memref<80xi32, #tpu.memory_space<hbm>>
        %dma_start3A_44 = tpu.memref_slice %arg4[%add3A] : memref<320000xi32, #tpu.memory_space<hbm>> -> memref<80xi32, #tpu.memory_space<hbm>>
        tpu.enqueue_dma source(%dma_start3A_44 : memref<80xi32, #tpu.memory_space<hbm>>) target(%arg8 : memref<80xi32, #tpu.memory_space<vmem>>) target_semaphore(%run_scoped3A : memref<!tpu.dma_semaphore, #tpu.memory_space<semaphore_mem>>)
        %dma_wait3A_45 = tpu.memref_slice %arg4[%add3A] : memref<320000xi32, #tpu.memory_space<hbm>> -> memref<80xi32, #tpu.memory_space<hbm>>
        %dma_wait3A_46 = tpu.memref_slice %arg4[%add3A] : memref<320000xi32, #tpu.memory_space<hbm>> -> memref<80xi32, #tpu.memory_space<hbm>>
        tpu.wait_dma2 semaphore(%run_scoped3A : memref<!tpu.dma_semaphore, #tpu.memory_space<semaphore_mem>>) src(%dma_wait3A_46 : memref<80xi32, #tpu.memory_space<hbm>>) dst(%arg8 : memref<80xi32, #tpu.memory_space<vmem>>)
        tpu.yield
      }) : () -> ()
      "tpu.region"() ({
        %run_scoped3A = tpu.sem_alloc : memref<!tpu.dma_semaphore, #tpu.memory_space<semaphore_mem>>
        %dma_start3A_43 = tpu.memref_slice %arg5[%add3A] : memref<320000xi32, #tpu.memory_space<hbm>> -> memref<80xi32, #tpu.memory_space<hbm>>
        %dma_start3A_44 = tpu.memref_slice %arg5[%add3A] : memref<320000xi32, #tpu.memory_space<hbm>> -> memref<80xi32, #tpu.memory_space<hbm>>
        tpu.enqueue_dma source(%dma_start3A_44 : memref<80xi32, #tpu.memory_space<hbm>>) target(%arg9 : memref<80xi32, #tpu.memory_space<vmem>>) target_semaphore(%run_scoped3A : memref<!tpu.dma_semaphore, #tpu.memory_space<semaphore_mem>>)
        %dma_wait3A_45 = tpu.memref_slice %arg5[%add3A] : memref<320000xi32, #tpu.memory_space<hbm>> -> memref<80xi32, #tpu.memory_space<hbm>>
        %dma_wait3A_46 = tpu.memref_slice %arg5[%add3A] : memref<320000xi32, #tpu.memory_space<hbm>> -> memref<80xi32, #tpu.memory_space<hbm>>
        tpu.wait_dma2 semaphore(%run_scoped3A : memref<!tpu.dma_semaphore, #tpu.memory_space<semaphore_mem>>) src(%dma_wait3A_46 : memref<80xi32, #tpu.memory_space<hbm>>) dst(%arg9 : memref<80xi32, #tpu.memory_space<vmem>>)
        tpu.yield
      }) : () -> ()
      %eq3A_29 = arith.constant 0 : i32
      %eq3A_30 = arith.cmpi eq, %arg0, %eq3A_29 : i32
      %convert_element_type3A_31 = arith.extui %eq3A_30 : i1 to i32
      %cond3A_32 = arith.constant 0 : i32
      %cond3A_33 = arith.cmpi ne, %convert_element_type3A_31, %cond3A_32 : i32
      scf.if %cond3A_33 {
        %dma_start3A_43 = arith.constant 0 : i32
        %dma_start3A_44 = arith.constant 0 : i32
        %dma_start3A_45 = tpu.memref_slice %arg2[%dma_start3A_43, %dma_start3A_44] : memref<10240x128xf32, #tpu.memory_space<hbm>> -> memref<10240x128xf32, #tpu.memory_space<hbm>>
        tpu.enqueue_indirect_dma source(%dma_start3A_45 : memref<10240x128xf32, #tpu.memory_space<hbm>>) target(%arg10 : memref<80x128xf32, #tpu.memory_space<vmem>>) offsets(%arg8 : memref<80xi32, #tpu.memory_space<vmem>>) semaphore(%arg12 : memref<!tpu.dma_semaphore, #tpu.memory_space<semaphore_mem>>)
        %dma_wait3A_46 = arith.constant 0 : i32
        %dma_wait3A_47 = arith.constant 0 : i32
        %dma_wait3A_48 = tpu.memref_slice %arg2[%dma_wait3A_46, %dma_wait3A_47] : memref<10240x128xf32, #tpu.memory_space<hbm>> -> memref<10240x128xf32, #tpu.memory_space<hbm>>
        tpu.wait_indirect_dma semaphore(%arg12 : memref<!tpu.dma_semaphore, #tpu.memory_space<semaphore_mem>>) src(%dma_wait3A_48 : memref<10240x128xf32, #tpu.memory_space<hbm>>) dst(%arg10 : memref<80x128xf32, #tpu.memory_space<vmem>>)
      } else {
      }
      %eq3A_34 = arith.constant 1 : i32
      %eq3A_35 = arith.cmpi eq, %arg0, %eq3A_34 : i32
      %convert_element_type3A_36 = arith.extui %eq3A_35 : i1 to i32
      %cond3A_37 = arith.constant 0 : i32
      %cond3A_38 = arith.cmpi ne, %convert_element_type3A_36, %cond3A_37 : i32
      scf.if %cond3A_38 {
        %dma_start3A_43 = arith.constant 0 : i32
        %dma_start3A_44 = arith.constant 0 : i32
        %dma_start3A_45 = tpu.memref_slice %arg3[%dma_start3A_43, %dma_start3A_44] : memref<10240x128xf32, #tpu.memory_space<hbm>> -> memref<10240x128xf32, #tpu.memory_space<hbm>>
        tpu.enqueue_indirect_dma source(%dma_start3A_45 : memref<10240x128xf32, #tpu.memory_space<hbm>>) target(%arg10 : memref<80x128xf32, #tpu.memory_space<vmem>>) offsets(%arg8 : memref<80xi32, #tpu.memory_space<vmem>>) semaphore(%arg12 : memref<!tpu.dma_semaphore, #tpu.memory_space<semaphore_mem>>)
        %dma_wait3A_46 = arith.constant 0 : i32
        %dma_wait3A_47 = arith.constant 0 : i32
        %dma_wait3A_48 = tpu.memref_slice %arg3[%dma_wait3A_46, %dma_wait3A_47] : memref<10240x128xf32, #tpu.memory_space<hbm>> -> memref<10240x128xf32, #tpu.memory_space<hbm>>
        tpu.wait_indirect_dma semaphore(%arg12 : memref<!tpu.dma_semaphore, #tpu.memory_space<semaphore_mem>>) src(%dma_wait3A_48 : memref<10240x128xf32, #tpu.memory_space<hbm>>) dst(%arg10 : memref<80x128xf32, #tpu.memory_space<vmem>>)
      } else {
      }
      %dma_start3A = arith.constant 0 : i32
      %dma_start3A_39 = arith.constant 0 : i32
      %dma_start3A_40 = tpu.memref_slice %arg11[%dma_start3A, %dma_start3A_39] : memref<10240x128xf32, #tpu.memory_space<vmem_shared>> -> memref<10240x128xf32, #tpu.memory_space<vmem_shared>>
      tpu.enqueue_indirect_dma source(%arg10 : memref<80x128xf32, #tpu.memory_space<vmem>>) target(%dma_start3A_40 : memref<10240x128xf32, #tpu.memory_space<vmem_shared>>) offsets(%arg9 : memref<80xi32, #tpu.memory_space<vmem>>) semaphore(%arg12 : memref<!tpu.dma_semaphore, #tpu.memory_space<semaphore_mem>>) {add = true}
      %dma_wait3A = arith.constant 0 : i32
      %dma_wait3A_41 = arith.constant 0 : i32
      %dma_wait3A_42 = tpu.memref_slice %arg11[%dma_wait3A, %dma_wait3A_41] : memref<10240x128xf32, #tpu.memory_space<vmem_shared>> -> memref<10240x128xf32, #tpu.memory_space<vmem_shared>>
      tpu.wait_indirect_dma semaphore(%arg12 : memref<!tpu.dma_semaphore, #tpu.memory_space<semaphore_mem>>) src(%arg10 : memref<80x128xf32, #tpu.memory_space<vmem>>) dst(%dma_wait3A_42 : memref<10240x128xf32, #tpu.memory_space<vmem_shared>>)
    }
    %scan3A_14 = arith.constant 250 : i32
    %barrier3A_15 = arith.constant 0 : index
    tpu.barrier barrier_id(%barrier3A_15)
    %eq3A_16 = arith.constant 0 : i32
    %eq3A_17 = arith.cmpi eq, %arg0, %eq3A_16 : i32
    %convert_element_type3A_18 = arith.extui %eq3A_17 : i1 to i32
    %cond3A_19 = arith.constant 0 : i32
    %cond3A_20 = arith.cmpi ne, %convert_element_type3A_18, %cond3A_19 : i32
    scf.if %cond3A_20 {
      "tpu.region"() ({
        %run_scoped3A = tpu.sem_alloc : memref<!tpu.dma_semaphore, #tpu.memory_space<semaphore_mem>>
        %dma_start3A = arith.constant 0 : i32
        %dma_start3A_26 = tpu.memref_slice %arg6[%mul3A_0, %dma_start3A] : memref<10240x128xf32, #tpu.memory_space<hbm>> -> memref<640x128xf32, #tpu.memory_space<hbm>>
        %dma_start3A_27 = arith.constant 0 : i32
        %dma_start3A_28 = tpu.memref_slice %arg11[%mul3A_0, %dma_start3A_27] : memref<10240x128xf32, #tpu.memory_space<vmem_shared>> -> memref<640x128xf32, #tpu.memory_space<vmem_shared>>
        tpu.enqueue_dma source(%dma_start3A_28 : memref<640x128xf32, #tpu.memory_space<vmem_shared>>) target(%dma_start3A_26 : memref<640x128xf32, #tpu.memory_space<hbm>>) target_semaphore(%run_scoped3A : memref<!tpu.dma_semaphore, #tpu.memory_space<semaphore_mem>>)
        %dma_wait3A = arith.constant 0 : i32
        %dma_wait3A_29 = tpu.memref_slice %arg6[%mul3A_0, %dma_wait3A] : memref<10240x128xf32, #tpu.memory_space<hbm>> -> memref<640x128xf32, #tpu.memory_space<hbm>>
        %dma_wait3A_30 = arith.constant 0 : i32
        %dma_wait3A_31 = tpu.memref_slice %arg11[%mul3A_0, %dma_wait3A_30] : memref<10240x128xf32, #tpu.memory_space<vmem_shared>> -> memref<640x128xf32, #tpu.memory_space<vmem_shared>>
        tpu.wait_dma2 semaphore(%run_scoped3A : memref<!tpu.dma_semaphore, #tpu.memory_space<semaphore_mem>>) src(%dma_wait3A_31 : memref<640x128xf32, #tpu.memory_space<vmem_shared>>) dst(%dma_wait3A_29 : memref<640x128xf32, #tpu.memory_space<hbm>>)
        tpu.yield
      }) : () -> ()
    } else {
    }
    %eq3A_21 = arith.constant 1 : i32
    %eq3A_22 = arith.cmpi eq, %arg0, %eq3A_21 : i32
    %convert_element_type3A_23 = arith.extui %eq3A_22 : i1 to i32
    %cond3A_24 = arith.constant 0 : i32
    %cond3A_25 = arith.cmpi ne, %convert_element_type3A_23, %cond3A_24 : i32
    scf.if %cond3A_25 {
      "tpu.region"() ({
        %run_scoped3A = tpu.sem_alloc : memref<!tpu.dma_semaphore, #tpu.memory_space<semaphore_mem>>
        %dma_start3A = arith.constant 0 : i32
        %dma_start3A_26 = tpu.memref_slice %arg7[%mul3A_0, %dma_start3A] : memref<10240x128xf32, #tpu.memory_space<hbm>> -> memref<640x128xf32, #tpu.memory_space<hbm>>
        %dma_start3A_27 = arith.constant 0 : i32
        %dma_start3A_28 = tpu.memref_slice %arg11[%mul3A_0, %dma_start3A_27] : memref<10240x128xf32, #tpu.memory_space<vmem_shared>> -> memref<640x128xf32, #tpu.memory_space<vmem_shared>>
        tpu.enqueue_dma source(%dma_start3A_28 : memref<640x128xf32, #tpu.memory_space<vmem_shared>>) target(%dma_start3A_26 : memref<640x128xf32, #tpu.memory_space<hbm>>) target_semaphore(%run_scoped3A : memref<!tpu.dma_semaphore, #tpu.memory_space<semaphore_mem>>)
        %dma_wait3A = arith.constant 0 : i32
        %dma_wait3A_29 = tpu.memref_slice %arg7[%mul3A_0, %dma_wait3A] : memref<10240x128xf32, #tpu.memory_space<hbm>> -> memref<640x128xf32, #tpu.memory_space<hbm>>
        %dma_wait3A_30 = arith.constant 0 : i32
        %dma_wait3A_31 = tpu.memref_slice %arg11[%mul3A_0, %dma_wait3A_30] : memref<10240x128xf32, #tpu.memory_space<vmem_shared>> -> memref<640x128xf32, #tpu.memory_space<vmem_shared>>
        tpu.wait_dma2 semaphore(%run_scoped3A : memref<!tpu.dma_semaphore, #tpu.memory_space<semaphore_mem>>) src(%dma_wait3A_31 : memref<640x128xf32, #tpu.memory_space<vmem_shared>>) dst(%dma_wait3A_29 : memref<640x128xf32, #tpu.memory_space<hbm>>)
        tpu.yield
      }) : () -> ()
    } else {
    }
    return
  }
}

#map = affine_map<(d0, d1) -> (0, 0)>
#map1 = affine_map<(d0, d1) -> (0)>
module attributes {stable_mosaic.version = 14 : i64} {
  func.func @prop_kernel(%arg0: i32, %arg1: i32, %arg2: memref<10240x128xf32, #tpu.memory_space<hbm>>, %arg3: memref<10240x128xf32, #tpu.memory_space<hbm>>, %arg4: memref<320000xi32, #tpu.memory_space<hbm>>, %arg5: memref<320000xi32, #tpu.memory_space<hbm>>, %arg6: memref<10240x128xf32, #tpu.memory_space<hbm>>, %arg7: memref<10240x128xf32, #tpu.memory_space<hbm>>, %arg8: memref<80xi32, #tpu.memory_space<vmem>>, %arg9: memref<80xi32, #tpu.memory_space<vmem>>, %arg10: memref<80x128xf32, #tpu.memory_space<vmem>>, %arg11: memref<10240x128xf32, #tpu.memory_space<vmem_shared>>, %arg12: memref<!tpu.dma_semaphore, #tpu.memory_space<semaphore_mem>>) attributes {dimension_semantics = [#tpu.dimension_semantics<core_parallel>, #tpu.dimension_semantics<subcore_parallel>], iteration_bounds = array<i64: 2, 16>, scalar_prefetch = 0 : i64, scratch_operands = 5 : i64, tpu.core_type = #tpu.core_type<sc_vector_subcore>, window_params = [{transform_indices = #map}, {transform_indices = #map}, {transform_indices = #map1}, {transform_indices = #map1}, {transform_indices = #map}, {transform_indices = #map}]} {
    %mul3A = arith.constant 640 : i32
    %mul3A_0 = arith.muli %arg1, %mul3A : i32
    %mul3A_1 = arith.constant 20000 : i32
    %mul3A_2 = arith.muli %arg1, %mul3A_1 : i32
    %eq3A = arith.constant 0 : i32
    %eq3A_3 = arith.cmpi eq, %arg0, %eq3A : i32
    %convert_element_type3A = arith.extui %eq3A_3 : i1 to i32
    %cond3A = arith.constant 0 : i32
    %cond3A_4 = arith.cmpi ne, %convert_element_type3A, %cond3A : i32
    scf.if %cond3A_4 {
      "tpu.region"() ({
        %run_scoped3A = tpu.sem_alloc : memref<!tpu.dma_semaphore, #tpu.memory_space<semaphore_mem>>
        %dma_start3A = arith.constant 0 : i32
        %dma_start3A_26 = tpu.memref_slice %arg11[%mul3A_0, %dma_start3A] : memref<10240x128xf32, #tpu.memory_space<vmem_shared>> -> memref<640x128xf32, #tpu.memory_space<vmem_shared>>
        %dma_start3A_27 = arith.constant 0 : i32
        %dma_start3A_28 = tpu.memref_slice %arg2[%mul3A_0, %dma_start3A_27] : memref<10240x128xf32, #tpu.memory_space<hbm>> -> memref<640x128xf32, #tpu.memory_space<hbm>>
        tpu.enqueue_dma source(%dma_start3A_28 : memref<640x128xf32, #tpu.memory_space<hbm>>) target(%dma_start3A_26 : memref<640x128xf32, #tpu.memory_space<vmem_shared>>) target_semaphore(%run_scoped3A : memref<!tpu.dma_semaphore, #tpu.memory_space<semaphore_mem>>)
        %dma_wait3A = arith.constant 0 : i32
        %dma_wait3A_29 = tpu.memref_slice %arg11[%mul3A_0, %dma_wait3A] : memref<10240x128xf32, #tpu.memory_space<vmem_shared>> -> memref<640x128xf32, #tpu.memory_space<vmem_shared>>
        %dma_wait3A_30 = arith.constant 0 : i32
        %dma_wait3A_31 = tpu.memref_slice %arg2[%mul3A_0, %dma_wait3A_30] : memref<10240x128xf32, #tpu.memory_space<hbm>> -> memref<640x128xf32, #tpu.memory_space<hbm>>
        tpu.wait_dma2 semaphore(%run_scoped3A : memref<!tpu.dma_semaphore, #tpu.memory_space<semaphore_mem>>) src(%dma_wait3A_31 : memref<640x128xf32, #tpu.memory_space<hbm>>) dst(%dma_wait3A_29 : memref<640x128xf32, #tpu.memory_space<vmem_shared>>)
        tpu.yield
      }) : () -> ()
    } else {
    }
    %eq3A_5 = arith.constant 1 : i32
    %eq3A_6 = arith.cmpi eq, %arg0, %eq3A_5 : i32
    %convert_element_type3A_7 = arith.extui %eq3A_6 : i1 to i32
    %cond3A_8 = arith.constant 0 : i32
    %cond3A_9 = arith.cmpi ne, %convert_element_type3A_7, %cond3A_8 : i32
    scf.if %cond3A_9 {
      "tpu.region"() ({
        %run_scoped3A = tpu.sem_alloc : memref<!tpu.dma_semaphore, #tpu.memory_space<semaphore_mem>>
        %dma_start3A = arith.constant 0 : i32
        %dma_start3A_26 = tpu.memref_slice %arg11[%mul3A_0, %dma_start3A] : memref<10240x128xf32, #tpu.memory_space<vmem_shared>> -> memref<640x128xf32, #tpu.memory_space<vmem_shared>>
        %dma_start3A_27 = arith.constant 0 : i32
        %dma_start3A_28 = tpu.memref_slice %arg3[%mul3A_0, %dma_start3A_27] : memref<10240x128xf32, #tpu.memory_space<hbm>> -> memref<640x128xf32, #tpu.memory_space<hbm>>
        tpu.enqueue_dma source(%dma_start3A_28 : memref<640x128xf32, #tpu.memory_space<hbm>>) target(%dma_start3A_26 : memref<640x128xf32, #tpu.memory_space<vmem_shared>>) target_semaphore(%run_scoped3A : memref<!tpu.dma_semaphore, #tpu.memory_space<semaphore_mem>>)
        %dma_wait3A = arith.constant 0 : i32
        %dma_wait3A_29 = tpu.memref_slice %arg11[%mul3A_0, %dma_wait3A] : memref<10240x128xf32, #tpu.memory_space<vmem_shared>> -> memref<640x128xf32, #tpu.memory_space<vmem_shared>>
        %dma_wait3A_30 = arith.constant 0 : i32
        %dma_wait3A_31 = tpu.memref_slice %arg3[%mul3A_0, %dma_wait3A_30] : memref<10240x128xf32, #tpu.memory_space<hbm>> -> memref<640x128xf32, #tpu.memory_space<hbm>>
        tpu.wait_dma2 semaphore(%run_scoped3A : memref<!tpu.dma_semaphore, #tpu.memory_space<semaphore_mem>>) src(%dma_wait3A_31 : memref<640x128xf32, #tpu.memory_space<hbm>>) dst(%dma_wait3A_29 : memref<640x128xf32, #tpu.memory_space<vmem_shared>>)
        tpu.yield
      }) : () -> ()
    } else {
    }
    %barrier3A = arith.constant 0 : index
    tpu.barrier barrier_id(%barrier3A)
    %scan3A = arith.constant 0 : i32
    %scan3A_10 = arith.constant 0 : i32
    %scan3A_11 = arith.constant 250 : i32
    %scan3A_12 = arith.addi %scan3A_10, %scan3A_11 : i32
    %scan3A_13 = arith.constant 1 : i32
    scf.for %scan3A_26 = %scan3A_10 to %scan3A_12 step %scan3A_13  : i32 {
      %mul3A_27 = arith.constant 80 : i32
      %mul3A_28 = arith.muli %scan3A_26, %mul3A_27 : i32
      %add3A = arith.addi %mul3A_2, %mul3A_28 : i32
      "tpu.region"() ({
        %run_scoped3A = tpu.sem_alloc : memref<!tpu.dma_semaphore, #tpu.memory_space<semaphore_mem>>
        %dma_start3A_43 = tpu.memref_slice %arg4[%add3A] : memref<320000xi32, #tpu.memory_space<hbm>> -> memref<80xi32, #tpu.memory_space<hbm>>
        %dma_start3A_44 = tpu.memref_slice %arg4[%add3A] : memref<320000xi32, #tpu.memory_space<hbm>> -> memref<80xi32, #tpu.memory_space<hbm>>
        tpu.enqueue_dma source(%dma_start3A_44 : memref<80xi32, #tpu.memory_space<hbm>>) target(%arg8 : memref<80xi32, #tpu.memory_space<vmem>>) target_semaphore(%run_scoped3A : memref<!tpu.dma_semaphore, #tpu.memory_space<semaphore_mem>>)
        %dma_wait3A_45 = tpu.memref_slice %arg4[%add3A] : memref<320000xi32, #tpu.memory_space<hbm>> -> memref<80xi32, #tpu.memory_space<hbm>>
        %dma_wait3A_46 = tpu.memref_slice %arg4[%add3A] : memref<320000xi32, #tpu.memory_space<hbm>> -> memref<80xi32, #tpu.memory_space<hbm>>
        tpu.wait_dma2 semaphore(%run_scoped3A : memref<!tpu.dma_semaphore, #tpu.memory_space<semaphore_mem>>) src(%dma_wait3A_46 : memref<80xi32, #tpu.memory_space<hbm>>) dst(%arg8 : memref<80xi32, #tpu.memory_space<vmem>>)
        tpu.yield
      }) : () -> ()
      "tpu.region"() ({
        %run_scoped3A = tpu.sem_alloc : memref<!tpu.dma_semaphore, #tpu.memory_space<semaphore_mem>>
        %dma_start3A_43 = tpu.memref_slice %arg5[%add3A] : memref<320000xi32, #tpu.memory_space<hbm>> -> memref<80xi32, #tpu.memory_space<hbm>>
        %dma_start3A_44 = tpu.memref_slice %arg5[%add3A] : memref<320000xi32, #tpu.memory_space<hbm>> -> memref<80xi32, #tpu.memory_space<hbm>>
        tpu.enqueue_dma source(%dma_start3A_44 : memref<80xi32, #tpu.memory_space<hbm>>) target(%arg9 : memref<80xi32, #tpu.memory_space<vmem>>) target_semaphore(%run_scoped3A : memref<!tpu.dma_semaphore, #tpu.memory_space<semaphore_mem>>)
        %dma_wait3A_45 = tpu.memref_slice %arg5[%add3A] : memref<320000xi32, #tpu.memory_space<hbm>> -> memref<80xi32, #tpu.memory_space<hbm>>
        %dma_wait3A_46 = tpu.memref_slice %arg5[%add3A] : memref<320000xi32, #tpu.memory_space<hbm>> -> memref<80xi32, #tpu.memory_space<hbm>>
        tpu.wait_dma2 semaphore(%run_scoped3A : memref<!tpu.dma_semaphore, #tpu.memory_space<semaphore_mem>>) src(%dma_wait3A_46 : memref<80xi32, #tpu.memory_space<hbm>>) dst(%arg9 : memref<80xi32, #tpu.memory_space<vmem>>)
        tpu.yield
      }) : () -> ()
      %eq3A_29 = arith.constant 0 : i32
      %eq3A_30 = arith.cmpi eq, %arg0, %eq3A_29 : i32
      %convert_element_type3A_31 = arith.extui %eq3A_30 : i1 to i32
      %cond3A_32 = arith.constant 0 : i32
      %cond3A_33 = arith.cmpi ne, %convert_element_type3A_31, %cond3A_32 : i32
      scf.if %cond3A_33 {
        %dma_start3A_43 = arith.constant 0 : i32
        %dma_start3A_44 = arith.constant 0 : i32
        %dma_start3A_45 = tpu.memref_slice %arg2[%dma_start3A_43, %dma_start3A_44] : memref<10240x128xf32, #tpu.memory_space<hbm>> -> memref<10240x128xf32, #tpu.memory_space<hbm>>
        tpu.enqueue_indirect_dma source(%dma_start3A_45 : memref<10240x128xf32, #tpu.memory_space<hbm>>) target(%arg10 : memref<80x128xf32, #tpu.memory_space<vmem>>) offsets(%arg8 : memref<80xi32, #tpu.memory_space<vmem>>) semaphore(%arg12 : memref<!tpu.dma_semaphore, #tpu.memory_space<semaphore_mem>>)
        %dma_wait3A_46 = arith.constant 0 : i32
        %dma_wait3A_47 = arith.constant 0 : i32
        %dma_wait3A_48 = tpu.memref_slice %arg2[%dma_wait3A_46, %dma_wait3A_47] : memref<10240x128xf32, #tpu.memory_space<hbm>> -> memref<10240x128xf32, #tpu.memory_space<hbm>>
        tpu.wait_indirect_dma semaphore(%arg12 : memref<!tpu.dma_semaphore, #tpu.memory_space<semaphore_mem>>) src(%dma_wait3A_48 : memref<10240x128xf32, #tpu.memory_space<hbm>>) dst(%arg10 : memref<80x128xf32, #tpu.memory_space<vmem>>)
      } else {
      }
      %eq3A_34 = arith.constant 1 : i32
      %eq3A_35 = arith.cmpi eq, %arg0, %eq3A_34 : i32
      %convert_element_type3A_36 = arith.extui %eq3A_35 : i1 to i32
      %cond3A_37 = arith.constant 0 : i32
      %cond3A_38 = arith.cmpi ne, %convert_element_type3A_36, %cond3A_37 : i32
      scf.if %cond3A_38 {
        %dma_start3A_43 = arith.constant 0 : i32
        %dma_start3A_44 = arith.constant 0 : i32
        %dma_start3A_45 = tpu.memref_slice %arg3[%dma_start3A_43, %dma_start3A_44] : memref<10240x128xf32, #tpu.memory_space<hbm>> -> memref<10240x128xf32, #tpu.memory_space<hbm>>
        tpu.enqueue_indirect_dma source(%dma_start3A_45 : memref<10240x128xf32, #tpu.memory_space<hbm>>) target(%arg10 : memref<80x128xf32, #tpu.memory_space<vmem>>) offsets(%arg8 : memref<80xi32, #tpu.memory_space<vmem>>) semaphore(%arg12 : memref<!tpu.dma_semaphore, #tpu.memory_space<semaphore_mem>>)
        %dma_wait3A_46 = arith.constant 0 : i32
        %dma_wait3A_47 = arith.constant 0 : i32
        %dma_wait3A_48 = tpu.memref_slice %arg3[%dma_wait3A_46, %dma_wait3A_47] : memref<10240x128xf32, #tpu.memory_space<hbm>> -> memref<10240x128xf32, #tpu.memory_space<hbm>>
        tpu.wait_indirect_dma semaphore(%arg12 : memref<!tpu.dma_semaphore, #tpu.memory_space<semaphore_mem>>) src(%dma_wait3A_48 : memref<10240x128xf32, #tpu.memory_space<hbm>>) dst(%arg10 : memref<80x128xf32, #tpu.memory_space<vmem>>)
      } else {
      }
      %dma_start3A = arith.constant 0 : i32
      %dma_start3A_39 = arith.constant 0 : i32
      %dma_start3A_40 = tpu.memref_slice %arg11[%dma_start3A, %dma_start3A_39] : memref<10240x128xf32, #tpu.memory_space<vmem_shared>> -> memref<10240x128xf32, #tpu.memory_space<vmem_shared>>
      tpu.enqueue_indirect_dma source(%arg10 : memref<80x128xf32, #tpu.memory_space<vmem>>) target(%dma_start3A_40 : memref<10240x128xf32, #tpu.memory_space<vmem_shared>>) offsets(%arg9 : memref<80xi32, #tpu.memory_space<vmem>>) semaphore(%arg12 : memref<!tpu.dma_semaphore, #tpu.memory_space<semaphore_mem>>) {add = true}
      %dma_wait3A = arith.constant 0 : i32
      %dma_wait3A_41 = arith.constant 0 : i32
      %dma_wait3A_42 = tpu.memref_slice %arg11[%dma_wait3A, %dma_wait3A_41] : memref<10240x128xf32, #tpu.memory_space<vmem_shared>> -> memref<10240x128xf32, #tpu.memory_space<vmem_shared>>
      tpu.wait_indirect_dma semaphore(%arg12 : memref<!tpu.dma_semaphore, #tpu.memory_space<semaphore_mem>>) src(%arg10 : memref<80x128xf32, #tpu.memory_space<vmem>>) dst(%dma_wait3A_42 : memref<10240x128xf32, #tpu.memory_space<vmem_shared>>)
    }
    %scan3A_14 = arith.constant 250 : i32
    %barrier3A_15 = arith.constant 0 : index
    tpu.barrier barrier_id(%barrier3A_15)
    %eq3A_16 = arith.constant 0 : i32
    %eq3A_17 = arith.cmpi eq, %arg0, %eq3A_16 : i32
    %convert_element_type3A_18 = arith.extui %eq3A_17 : i1 to i32
    %cond3A_19 = arith.constant 0 : i32
    %cond3A_20 = arith.cmpi ne, %convert_element_type3A_18, %cond3A_19 : i32
    scf.if %cond3A_20 {
      "tpu.region"() ({
        %run_scoped3A = tpu.sem_alloc : memref<!tpu.dma_semaphore, #tpu.memory_space<semaphore_mem>>
        %dma_start3A = arith.constant 0 : i32
        %dma_start3A_26 = tpu.memref_slice %arg6[%mul3A_0, %dma_start3A] : memref<10240x128xf32, #tpu.memory_space<hbm>> -> memref<640x128xf32, #tpu.memory_space<hbm>>
        %dma_start3A_27 = arith.constant 0 : i32
        %dma_start3A_28 = tpu.memref_slice %arg11[%mul3A_0, %dma_start3A_27] : memref<10240x128xf32, #tpu.memory_space<vmem_shared>> -> memref<640x128xf32, #tpu.memory_space<vmem_shared>>
        tpu.enqueue_dma source(%dma_start3A_28 : memref<640x128xf32, #tpu.memory_space<vmem_shared>>) target(%dma_start3A_26 : memref<640x128xf32, #tpu.memory_space<hbm>>) target_semaphore(%run_scoped3A : memref<!tpu.dma_semaphore, #tpu.memory_space<semaphore_mem>>)
        %dma_wait3A = arith.constant 0 : i32
        %dma_wait3A_29 = tpu.memref_slice %arg6[%mul3A_0, %dma_wait3A] : memref<10240x128xf32, #tpu.memory_space<hbm>> -> memref<640x128xf32, #tpu.memory_space<hbm>>
        %dma_wait3A_30 = arith.constant 0 : i32
        %dma_wait3A_31 = tpu.memref_slice %arg11[%mul3A_0, %dma_wait3A_30] : memref<10240x128xf32, #tpu.memory_space<vmem_shared>> -> memref<640x128xf32, #tpu.memory_space<vmem_shared>>
        tpu.wait_dma2 semaphore(%run_scoped3A : memref<!tpu.dma_semaphore, #tpu.memory_space<semaphore_mem>>) src(%dma_wait3A_31 : memref<640x128xf32, #tpu.memory_space<vmem_shared>>) dst(%dma_wait3A_29 : memref<640x128xf32, #tpu.memory_space<hbm>>)
        tpu.yield
      }) : () -> ()
    } else {
    }
    %eq3A_21 = arith.constant 1 : i32
    %eq3A_22 = arith.cmpi eq, %arg0, %eq3A_21 : i32
    %convert_element_type3A_23 = arith.extui %eq3A_22 : i1 to i32
    %cond3A_24 = arith.constant 0 : i32
    %cond3A_25 = arith.cmpi ne, %convert_element_type3A_23, %cond3A_24 : i32
    scf.if %cond3A_25 {
      "tpu.region"() ({
        %run_scoped3A = tpu.sem_alloc : memref<!tpu.dma_semaphore, #tpu.memory_space<semaphore_mem>>
        %dma_start3A = arith.constant 0 : i32
        %dma_start3A_26 = tpu.memref_slice %arg7[%mul3A_0, %dma_start3A] : memref<10240x128xf32, #tpu.memory_space<hbm>> -> memref<640x128xf32, #tpu.memory_space<hbm>>
        %dma_start3A_27 = arith.constant 0 : i32
        %dma_start3A_28 = tpu.memref_slice %arg11[%mul3A_0, %dma_start3A_27] : memref<10240x128xf32, #tpu.memory_space<vmem_shared>> -> memref<640x128xf32, #tpu.memory_space<vmem_shared>>
        tpu.enqueue_dma source(%dma_start3A_28 : memref<640x128xf32, #tpu.memory_space<vmem_shared>>) target(%dma_start3A_26 : memref<640x128xf32, #tpu.memory_space<hbm>>) target_semaphore(%run_scoped3A : memref<!tpu.dma_semaphore, #tpu.memory_space<semaphore_mem>>)
        %dma_wait3A = arith.constant 0 : i32
        %dma_wait3A_29 = tpu.memref_slice %arg7[%mul3A_0, %dma_wait3A] : memref<10240x128xf32, #tpu.memory_space<hbm>> -> memref<640x128xf32, #tpu.memory_space<hbm>>
        %dma_wait3A_30 = arith.constant 0 : i32
        %dma_wait3A_31 = tpu.memref_slice %arg11[%mul3A_0, %dma_wait3A_30] : memref<10240x128xf32, #tpu.memory_space<vmem_shared>> -> memref<640x128xf32, #tpu.memory_space<vmem_shared>>
        tpu.wait_dma2 semaphore(%run_scoped3A : memref<!tpu.dma_semaphore, #tpu.memory_space<semaphore_mem>>) src(%dma_wait3A_31 : memref<640x128xf32, #tpu.memory_space<vmem_shared>>) dst(%dma_wait3A_29 : memref<640x128xf32, #tpu.memory_space<hbm>>)
        tpu.yield
      }) : () -> ()
    } else {
    }
    return
  }
}

#map = affine_map<(d0, d1) -> (0, 0)>
#map1 = affine_map<(d0, d1) -> (0)>
module attributes {stable_mosaic.version = 14 : i64} {
  func.func @prop_kernel(%arg0: i32, %arg1: i32, %arg2: memref<10240x128xf32, #tpu.memory_space<hbm>>, %arg3: memref<10240x128xf32, #tpu.memory_space<hbm>>, %arg4: memref<320000xi32, #tpu.memory_space<hbm>>, %arg5: memref<320000xi32, #tpu.memory_space<hbm>>, %arg6: memref<10240x128xf32, #tpu.memory_space<hbm>>, %arg7: memref<10240x128xf32, #tpu.memory_space<hbm>>, %arg8: memref<80xi32, #tpu.memory_space<vmem>>, %arg9: memref<80xi32, #tpu.memory_space<vmem>>, %arg10: memref<80x128xf32, #tpu.memory_space<vmem>>, %arg11: memref<10240x128xf32, #tpu.memory_space<vmem_shared>>, %arg12: memref<!tpu.dma_semaphore, #tpu.memory_space<semaphore_mem>>) attributes {dimension_semantics = [#tpu.dimension_semantics<core_parallel>, #tpu.dimension_semantics<subcore_parallel>], iteration_bounds = array<i64: 2, 16>, scalar_prefetch = 0 : i64, scratch_operands = 5 : i64, tpu.core_type = #tpu.core_type<sc_vector_subcore>, window_params = [{transform_indices = #map}, {transform_indices = #map}, {transform_indices = #map1}, {transform_indices = #map1}, {transform_indices = #map}, {transform_indices = #map}]} {
    %mul3A = arith.constant 640 : i32
    %mul3A_0 = arith.muli %arg1, %mul3A : i32
    %mul3A_1 = arith.constant 20000 : i32
    %mul3A_2 = arith.muli %arg1, %mul3A_1 : i32
    %eq3A = arith.constant 0 : i32
    %eq3A_3 = arith.cmpi eq, %arg0, %eq3A : i32
    %convert_element_type3A = arith.extui %eq3A_3 : i1 to i32
    %cond3A = arith.constant 0 : i32
    %cond3A_4 = arith.cmpi ne, %convert_element_type3A, %cond3A : i32
    scf.if %cond3A_4 {
      "tpu.region"() ({
        %run_scoped3A = tpu.sem_alloc : memref<!tpu.dma_semaphore, #tpu.memory_space<semaphore_mem>>
        %dma_start3A = arith.constant 0 : i32
        %dma_start3A_26 = tpu.memref_slice %arg11[%mul3A_0, %dma_start3A] : memref<10240x128xf32, #tpu.memory_space<vmem_shared>> -> memref<640x128xf32, #tpu.memory_space<vmem_shared>>
        %dma_start3A_27 = arith.constant 0 : i32
        %dma_start3A_28 = tpu.memref_slice %arg2[%mul3A_0, %dma_start3A_27] : memref<10240x128xf32, #tpu.memory_space<hbm>> -> memref<640x128xf32, #tpu.memory_space<hbm>>
        tpu.enqueue_dma source(%dma_start3A_28 : memref<640x128xf32, #tpu.memory_space<hbm>>) target(%dma_start3A_26 : memref<640x128xf32, #tpu.memory_space<vmem_shared>>) target_semaphore(%run_scoped3A : memref<!tpu.dma_semaphore, #tpu.memory_space<semaphore_mem>>)
        %dma_wait3A = arith.constant 0 : i32
        %dma_wait3A_29 = tpu.memref_slice %arg11[%mul3A_0, %dma_wait3A] : memref<10240x128xf32, #tpu.memory_space<vmem_shared>> -> memref<640x128xf32, #tpu.memory_space<vmem_shared>>
        %dma_wait3A_30 = arith.constant 0 : i32
        %dma_wait3A_31 = tpu.memref_slice %arg2[%mul3A_0, %dma_wait3A_30] : memref<10240x128xf32, #tpu.memory_space<hbm>> -> memref<640x128xf32, #tpu.memory_space<hbm>>
        tpu.wait_dma2 semaphore(%run_scoped3A : memref<!tpu.dma_semaphore, #tpu.memory_space<semaphore_mem>>) src(%dma_wait3A_31 : memref<640x128xf32, #tpu.memory_space<hbm>>) dst(%dma_wait3A_29 : memref<640x128xf32, #tpu.memory_space<vmem_shared>>)
        tpu.yield
      }) : () -> ()
    } else {
    }
    %eq3A_5 = arith.constant 1 : i32
    %eq3A_6 = arith.cmpi eq, %arg0, %eq3A_5 : i32
    %convert_element_type3A_7 = arith.extui %eq3A_6 : i1 to i32
    %cond3A_8 = arith.constant 0 : i32
    %cond3A_9 = arith.cmpi ne, %convert_element_type3A_7, %cond3A_8 : i32
    scf.if %cond3A_9 {
      "tpu.region"() ({
        %run_scoped3A = tpu.sem_alloc : memref<!tpu.dma_semaphore, #tpu.memory_space<semaphore_mem>>
        %dma_start3A = arith.constant 0 : i32
        %dma_start3A_26 = tpu.memref_slice %arg11[%mul3A_0, %dma_start3A] : memref<10240x128xf32, #tpu.memory_space<vmem_shared>> -> memref<640x128xf32, #tpu.memory_space<vmem_shared>>
        %dma_start3A_27 = arith.constant 0 : i32
        %dma_start3A_28 = tpu.memref_slice %arg3[%mul3A_0, %dma_start3A_27] : memref<10240x128xf32, #tpu.memory_space<hbm>> -> memref<640x128xf32, #tpu.memory_space<hbm>>
        tpu.enqueue_dma source(%dma_start3A_28 : memref<640x128xf32, #tpu.memory_space<hbm>>) target(%dma_start3A_26 : memref<640x128xf32, #tpu.memory_space<vmem_shared>>) target_semaphore(%run_scoped3A : memref<!tpu.dma_semaphore, #tpu.memory_space<semaphore_mem>>)
        %dma_wait3A = arith.constant 0 : i32
        %dma_wait3A_29 = tpu.memref_slice %arg11[%mul3A_0, %dma_wait3A] : memref<10240x128xf32, #tpu.memory_space<vmem_shared>> -> memref<640x128xf32, #tpu.memory_space<vmem_shared>>
        %dma_wait3A_30 = arith.constant 0 : i32
        %dma_wait3A_31 = tpu.memref_slice %arg3[%mul3A_0, %dma_wait3A_30] : memref<10240x128xf32, #tpu.memory_space<hbm>> -> memref<640x128xf32, #tpu.memory_space<hbm>>
        tpu.wait_dma2 semaphore(%run_scoped3A : memref<!tpu.dma_semaphore, #tpu.memory_space<semaphore_mem>>) src(%dma_wait3A_31 : memref<640x128xf32, #tpu.memory_space<hbm>>) dst(%dma_wait3A_29 : memref<640x128xf32, #tpu.memory_space<vmem_shared>>)
        tpu.yield
      }) : () -> ()
    } else {
    }
    %barrier3A = arith.constant 0 : index
    tpu.barrier barrier_id(%barrier3A)
    %scan3A = arith.constant 0 : i32
    %scan3A_10 = arith.constant 0 : i32
    %scan3A_11 = arith.constant 250 : i32
    %scan3A_12 = arith.addi %scan3A_10, %scan3A_11 : i32
    %scan3A_13 = arith.constant 1 : i32
    scf.for %scan3A_26 = %scan3A_10 to %scan3A_12 step %scan3A_13  : i32 {
      %mul3A_27 = arith.constant 80 : i32
      %mul3A_28 = arith.muli %scan3A_26, %mul3A_27 : i32
      %add3A = arith.addi %mul3A_2, %mul3A_28 : i32
      "tpu.region"() ({
        %run_scoped3A = tpu.sem_alloc : memref<!tpu.dma_semaphore, #tpu.memory_space<semaphore_mem>>
        %dma_start3A_43 = tpu.memref_slice %arg4[%add3A] : memref<320000xi32, #tpu.memory_space<hbm>> -> memref<80xi32, #tpu.memory_space<hbm>>
        %dma_start3A_44 = tpu.memref_slice %arg4[%add3A] : memref<320000xi32, #tpu.memory_space<hbm>> -> memref<80xi32, #tpu.memory_space<hbm>>
        tpu.enqueue_dma source(%dma_start3A_44 : memref<80xi32, #tpu.memory_space<hbm>>) target(%arg8 : memref<80xi32, #tpu.memory_space<vmem>>) target_semaphore(%run_scoped3A : memref<!tpu.dma_semaphore, #tpu.memory_space<semaphore_mem>>)
        %dma_wait3A_45 = tpu.memref_slice %arg4[%add3A] : memref<320000xi32, #tpu.memory_space<hbm>> -> memref<80xi32, #tpu.memory_space<hbm>>
        %dma_wait3A_46 = tpu.memref_slice %arg4[%add3A] : memref<320000xi32, #tpu.memory_space<hbm>> -> memref<80xi32, #tpu.memory_space<hbm>>
        tpu.wait_dma2 semaphore(%run_scoped3A : memref<!tpu.dma_semaphore, #tpu.memory_space<semaphore_mem>>) src(%dma_wait3A_46 : memref<80xi32, #tpu.memory_space<hbm>>) dst(%arg8 : memref<80xi32, #tpu.memory_space<vmem>>)
        tpu.yield
      }) : () -> ()
      "tpu.region"() ({
        %run_scoped3A = tpu.sem_alloc : memref<!tpu.dma_semaphore, #tpu.memory_space<semaphore_mem>>
        %dma_start3A_43 = tpu.memref_slice %arg5[%add3A] : memref<320000xi32, #tpu.memory_space<hbm>> -> memref<80xi32, #tpu.memory_space<hbm>>
        %dma_start3A_44 = tpu.memref_slice %arg5[%add3A] : memref<320000xi32, #tpu.memory_space<hbm>> -> memref<80xi32, #tpu.memory_space<hbm>>
        tpu.enqueue_dma source(%dma_start3A_44 : memref<80xi32, #tpu.memory_space<hbm>>) target(%arg9 : memref<80xi32, #tpu.memory_space<vmem>>) target_semaphore(%run_scoped3A : memref<!tpu.dma_semaphore, #tpu.memory_space<semaphore_mem>>)
        %dma_wait3A_45 = tpu.memref_slice %arg5[%add3A] : memref<320000xi32, #tpu.memory_space<hbm>> -> memref<80xi32, #tpu.memory_space<hbm>>
        %dma_wait3A_46 = tpu.memref_slice %arg5[%add3A] : memref<320000xi32, #tpu.memory_space<hbm>> -> memref<80xi32, #tpu.memory_space<hbm>>
        tpu.wait_dma2 semaphore(%run_scoped3A : memref<!tpu.dma_semaphore, #tpu.memory_space<semaphore_mem>>) src(%dma_wait3A_46 : memref<80xi32, #tpu.memory_space<hbm>>) dst(%arg9 : memref<80xi32, #tpu.memory_space<vmem>>)
        tpu.yield
      }) : () -> ()
      %eq3A_29 = arith.constant 0 : i32
      %eq3A_30 = arith.cmpi eq, %arg0, %eq3A_29 : i32
      %convert_element_type3A_31 = arith.extui %eq3A_30 : i1 to i32
      %cond3A_32 = arith.constant 0 : i32
      %cond3A_33 = arith.cmpi ne, %convert_element_type3A_31, %cond3A_32 : i32
      scf.if %cond3A_33 {
        %dma_start3A_43 = arith.constant 0 : i32
        %dma_start3A_44 = arith.constant 0 : i32
        %dma_start3A_45 = tpu.memref_slice %arg2[%dma_start3A_43, %dma_start3A_44] : memref<10240x128xf32, #tpu.memory_space<hbm>> -> memref<10240x128xf32, #tpu.memory_space<hbm>>
        tpu.enqueue_indirect_dma source(%dma_start3A_45 : memref<10240x128xf32, #tpu.memory_space<hbm>>) target(%arg10 : memref<80x128xf32, #tpu.memory_space<vmem>>) offsets(%arg8 : memref<80xi32, #tpu.memory_space<vmem>>) semaphore(%arg12 : memref<!tpu.dma_semaphore, #tpu.memory_space<semaphore_mem>>)
        %dma_wait3A_46 = arith.constant 0 : i32
        %dma_wait3A_47 = arith.constant 0 : i32
        %dma_wait3A_48 = tpu.memref_slice %arg2[%dma_wait3A_46, %dma_wait3A_47] : memref<10240x128xf32, #tpu.memory_space<hbm>> -> memref<10240x128xf32, #tpu.memory_space<hbm>>
        tpu.wait_indirect_dma semaphore(%arg12 : memref<!tpu.dma_semaphore, #tpu.memory_space<semaphore_mem>>) src(%dma_wait3A_48 : memref<10240x128xf32, #tpu.memory_space<hbm>>) dst(%arg10 : memref<80x128xf32, #tpu.memory_space<vmem>>)
      } else {
      }
      %eq3A_34 = arith.constant 1 : i32
      %eq3A_35 = arith.cmpi eq, %arg0, %eq3A_34 : i32
      %convert_element_type3A_36 = arith.extui %eq3A_35 : i1 to i32
      %cond3A_37 = arith.constant 0 : i32
      %cond3A_38 = arith.cmpi ne, %convert_element_type3A_36, %cond3A_37 : i32
      scf.if %cond3A_38 {
        %dma_start3A_43 = arith.constant 0 : i32
        %dma_start3A_44 = arith.constant 0 : i32
        %dma_start3A_45 = tpu.memref_slice %arg3[%dma_start3A_43, %dma_start3A_44] : memref<10240x128xf32, #tpu.memory_space<hbm>> -> memref<10240x128xf32, #tpu.memory_space<hbm>>
        tpu.enqueue_indirect_dma source(%dma_start3A_45 : memref<10240x128xf32, #tpu.memory_space<hbm>>) target(%arg10 : memref<80x128xf32, #tpu.memory_space<vmem>>) offsets(%arg8 : memref<80xi32, #tpu.memory_space<vmem>>) semaphore(%arg12 : memref<!tpu.dma_semaphore, #tpu.memory_space<semaphore_mem>>)
        %dma_wait3A_46 = arith.constant 0 : i32
        %dma_wait3A_47 = arith.constant 0 : i32
        %dma_wait3A_48 = tpu.memref_slice %arg3[%dma_wait3A_46, %dma_wait3A_47] : memref<10240x128xf32, #tpu.memory_space<hbm>> -> memref<10240x128xf32, #tpu.memory_space<hbm>>
        tpu.wait_indirect_dma semaphore(%arg12 : memref<!tpu.dma_semaphore, #tpu.memory_space<semaphore_mem>>) src(%dma_wait3A_48 : memref<10240x128xf32, #tpu.memory_space<hbm>>) dst(%arg10 : memref<80x128xf32, #tpu.memory_space<vmem>>)
      } else {
      }
      %dma_start3A = arith.constant 0 : i32
      %dma_start3A_39 = arith.constant 0 : i32
      %dma_start3A_40 = tpu.memref_slice %arg11[%dma_start3A, %dma_start3A_39] : memref<10240x128xf32, #tpu.memory_space<vmem_shared>> -> memref<10240x128xf32, #tpu.memory_space<vmem_shared>>
      tpu.enqueue_indirect_dma source(%arg10 : memref<80x128xf32, #tpu.memory_space<vmem>>) target(%dma_start3A_40 : memref<10240x128xf32, #tpu.memory_space<vmem_shared>>) offsets(%arg9 : memref<80xi32, #tpu.memory_space<vmem>>) semaphore(%arg12 : memref<!tpu.dma_semaphore, #tpu.memory_space<semaphore_mem>>) {add = true}
      %dma_wait3A = arith.constant 0 : i32
      %dma_wait3A_41 = arith.constant 0 : i32
      %dma_wait3A_42 = tpu.memref_slice %arg11[%dma_wait3A, %dma_wait3A_41] : memref<10240x128xf32, #tpu.memory_space<vmem_shared>> -> memref<10240x128xf32, #tpu.memory_space<vmem_shared>>
      tpu.wait_indirect_dma semaphore(%arg12 : memref<!tpu.dma_semaphore, #tpu.memory_space<semaphore_mem>>) src(%arg10 : memref<80x128xf32, #tpu.memory_space<vmem>>) dst(%dma_wait3A_42 : memref<10240x128xf32, #tpu.memory_space<vmem_shared>>)
    }
    %scan3A_14 = arith.constant 250 : i32
    %barrier3A_15 = arith.constant 0 : index
    tpu.barrier barrier_id(%barrier3A_15)
    %eq3A_16 = arith.constant 0 : i32
    %eq3A_17 = arith.cmpi eq, %arg0, %eq3A_16 : i32
    %convert_element_type3A_18 = arith.extui %eq3A_17 : i1 to i32
    %cond3A_19 = arith.constant 0 : i32
    %cond3A_20 = arith.cmpi ne, %convert_element_type3A_18, %cond3A_19 : i32
    scf.if %cond3A_20 {
      "tpu.region"() ({
        %run_scoped3A = tpu.sem_alloc : memref<!tpu.dma_semaphore, #tpu.memory_space<semaphore_mem>>
        %dma_start3A = arith.constant 0 : i32
        %dma_start3A_26 = tpu.memref_slice %arg6[%mul3A_0, %dma_start3A] : memref<10240x128xf32, #tpu.memory_space<hbm>> -> memref<640x128xf32, #tpu.memory_space<hbm>>
        %dma_start3A_27 = arith.constant 0 : i32
        %dma_start3A_28 = tpu.memref_slice %arg11[%mul3A_0, %dma_start3A_27] : memref<10240x128xf32, #tpu.memory_space<vmem_shared>> -> memref<640x128xf32, #tpu.memory_space<vmem_shared>>
        tpu.enqueue_dma source(%dma_start3A_28 : memref<640x128xf32, #tpu.memory_space<vmem_shared>>) target(%dma_start3A_26 : memref<640x128xf32, #tpu.memory_space<hbm>>) target_semaphore(%run_scoped3A : memref<!tpu.dma_semaphore, #tpu.memory_space<semaphore_mem>>)
        %dma_wait3A = arith.constant 0 : i32
        %dma_wait3A_29 = tpu.memref_slice %arg6[%mul3A_0, %dma_wait3A] : memref<10240x128xf32, #tpu.memory_space<hbm>> -> memref<640x128xf32, #tpu.memory_space<hbm>>
        %dma_wait3A_30 = arith.constant 0 : i32
        %dma_wait3A_31 = tpu.memref_slice %arg11[%mul3A_0, %dma_wait3A_30] : memref<10240x128xf32, #tpu.memory_space<vmem_shared>> -> memref<640x128xf32, #tpu.memory_space<vmem_shared>>
        tpu.wait_dma2 semaphore(%run_scoped3A : memref<!tpu.dma_semaphore, #tpu.memory_space<semaphore_mem>>) src(%dma_wait3A_31 : memref<640x128xf32, #tpu.memory_space<vmem_shared>>) dst(%dma_wait3A_29 : memref<640x128xf32, #tpu.memory_space<hbm>>)
        tpu.yield
      }) : () -> ()
    } else {
    }
    %eq3A_21 = arith.constant 1 : i32
    %eq3A_22 = arith.cmpi eq, %arg0, %eq3A_21 : i32
    %convert_element_type3A_23 = arith.extui %eq3A_22 : i1 to i32
    %cond3A_24 = arith.constant 0 : i32
    %cond3A_25 = arith.cmpi ne, %convert_element_type3A_23, %cond3A_24 : i32
    scf.if %cond3A_25 {
      "tpu.region"() ({
        %run_scoped3A = tpu.sem_alloc : memref<!tpu.dma_semaphore, #tpu.memory_space<semaphore_mem>>
        %dma_start3A = arith.constant 0 : i32
        %dma_start3A_26 = tpu.memref_slice %arg7[%mul3A_0, %dma_start3A] : memref<10240x128xf32, #tpu.memory_space<hbm>> -> memref<640x128xf32, #tpu.memory_space<hbm>>
        %dma_start3A_27 = arith.constant 0 : i32
        %dma_start3A_28 = tpu.memref_slice %arg11[%mul3A_0, %dma_start3A_27] : memref<10240x128xf32, #tpu.memory_space<vmem_shared>> -> memref<640x128xf32, #tpu.memory_space<vmem_shared>>
        tpu.enqueue_dma source(%dma_start3A_28 : memref<640x128xf32, #tpu.memory_space<vmem_shared>>) target(%dma_start3A_26 : memref<640x128xf32, #tpu.memory_space<hbm>>) target_semaphore(%run_scoped3A : memref<!tpu.dma_semaphore, #tpu.memory_space<semaphore_mem>>)
        %dma_wait3A = arith.constant 0 : i32
        %dma_wait3A_29 = tpu.memref_slice %arg7[%mul3A_0, %dma_wait3A] : memref<10240x128xf32, #tpu.memory_space<hbm>> -> memref<640x128xf32, #tpu.memory_space<hbm>>
        %dma_wait3A_30 = arith.constant 0 : i32
        %dma_wait3A_31 = tpu.memref_slice %arg11[%mul3A_0, %dma_wait3A_30] : memref<10240x128xf32, #tpu.memory_space<vmem_shared>> -> memref<640x128xf32, #tpu.memory_space<vmem_shared>>
        tpu.wait_dma2 semaphore(%run_scoped3A : memref<!tpu.dma_semaphore, #tpu.memory_space<semaphore_mem>>) src(%dma_wait3A_31 : memref<640x128xf32, #tpu.memory_space<vmem_shared>>) dst(%dma_wait3A_29 : memref<640x128xf32, #tpu.memory_space<hbm>>)
        tpu.yield
      }) : () -> ()
    } else {
    }
    return
  }
}

#map = affine_map<(d0, d1) -> (0, 0)>
#map1 = affine_map<(d0, d1) -> (0)>
module attributes {stable_mosaic.version = 14 : i64} {
  func.func @prop_kernel(%arg0: i32, %arg1: i32, %arg2: memref<10240x128xf32, #tpu.memory_space<hbm>>, %arg3: memref<10240x128xf32, #tpu.memory_space<hbm>>, %arg4: memref<320000xi32, #tpu.memory_space<hbm>>, %arg5: memref<320000xi32, #tpu.memory_space<hbm>>, %arg6: memref<10240x128xf32, #tpu.memory_space<hbm>>, %arg7: memref<10240x128xf32, #tpu.memory_space<hbm>>, %arg8: memref<80xi32, #tpu.memory_space<vmem>>, %arg9: memref<80xi32, #tpu.memory_space<vmem>>, %arg10: memref<80x128xf32, #tpu.memory_space<vmem>>, %arg11: memref<10240x128xf32, #tpu.memory_space<vmem_shared>>, %arg12: memref<!tpu.dma_semaphore, #tpu.memory_space<semaphore_mem>>) attributes {dimension_semantics = [#tpu.dimension_semantics<core_parallel>, #tpu.dimension_semantics<subcore_parallel>], iteration_bounds = array<i64: 2, 16>, scalar_prefetch = 0 : i64, scratch_operands = 5 : i64, tpu.core_type = #tpu.core_type<sc_vector_subcore>, window_params = [{transform_indices = #map}, {transform_indices = #map}, {transform_indices = #map1}, {transform_indices = #map1}, {transform_indices = #map}, {transform_indices = #map}]} {
    %mul3A = arith.constant 640 : i32
    %mul3A_0 = arith.muli %arg1, %mul3A : i32
    %mul3A_1 = arith.constant 20000 : i32
    %mul3A_2 = arith.muli %arg1, %mul3A_1 : i32
    %eq3A = arith.constant 0 : i32
    %eq3A_3 = arith.cmpi eq, %arg0, %eq3A : i32
    %convert_element_type3A = arith.extui %eq3A_3 : i1 to i32
    %cond3A = arith.constant 0 : i32
    %cond3A_4 = arith.cmpi ne, %convert_element_type3A, %cond3A : i32
    scf.if %cond3A_4 {
      "tpu.region"() ({
        %run_scoped3A = tpu.sem_alloc : memref<!tpu.dma_semaphore, #tpu.memory_space<semaphore_mem>>
        %dma_start3A = arith.constant 0 : i32
        %dma_start3A_26 = tpu.memref_slice %arg11[%mul3A_0, %dma_start3A] : memref<10240x128xf32, #tpu.memory_space<vmem_shared>> -> memref<640x128xf32, #tpu.memory_space<vmem_shared>>
        %dma_start3A_27 = arith.constant 0 : i32
        %dma_start3A_28 = tpu.memref_slice %arg2[%mul3A_0, %dma_start3A_27] : memref<10240x128xf32, #tpu.memory_space<hbm>> -> memref<640x128xf32, #tpu.memory_space<hbm>>
        tpu.enqueue_dma source(%dma_start3A_28 : memref<640x128xf32, #tpu.memory_space<hbm>>) target(%dma_start3A_26 : memref<640x128xf32, #tpu.memory_space<vmem_shared>>) target_semaphore(%run_scoped3A : memref<!tpu.dma_semaphore, #tpu.memory_space<semaphore_mem>>)
        %dma_wait3A = arith.constant 0 : i32
        %dma_wait3A_29 = tpu.memref_slice %arg11[%mul3A_0, %dma_wait3A] : memref<10240x128xf32, #tpu.memory_space<vmem_shared>> -> memref<640x128xf32, #tpu.memory_space<vmem_shared>>
        %dma_wait3A_30 = arith.constant 0 : i32
        %dma_wait3A_31 = tpu.memref_slice %arg2[%mul3A_0, %dma_wait3A_30] : memref<10240x128xf32, #tpu.memory_space<hbm>> -> memref<640x128xf32, #tpu.memory_space<hbm>>
        tpu.wait_dma2 semaphore(%run_scoped3A : memref<!tpu.dma_semaphore, #tpu.memory_space<semaphore_mem>>) src(%dma_wait3A_31 : memref<640x128xf32, #tpu.memory_space<hbm>>) dst(%dma_wait3A_29 : memref<640x128xf32, #tpu.memory_space<vmem_shared>>)
        tpu.yield
      }) : () -> ()
    } else {
    }
    %eq3A_5 = arith.constant 1 : i32
    %eq3A_6 = arith.cmpi eq, %arg0, %eq3A_5 : i32
    %convert_element_type3A_7 = arith.extui %eq3A_6 : i1 to i32
    %cond3A_8 = arith.constant 0 : i32
    %cond3A_9 = arith.cmpi ne, %convert_element_type3A_7, %cond3A_8 : i32
    scf.if %cond3A_9 {
      "tpu.region"() ({
        %run_scoped3A = tpu.sem_alloc : memref<!tpu.dma_semaphore, #tpu.memory_space<semaphore_mem>>
        %dma_start3A = arith.constant 0 : i32
        %dma_start3A_26 = tpu.memref_slice %arg11[%mul3A_0, %dma_start3A] : memref<10240x128xf32, #tpu.memory_space<vmem_shared>> -> memref<640x128xf32, #tpu.memory_space<vmem_shared>>
        %dma_start3A_27 = arith.constant 0 : i32
        %dma_start3A_28 = tpu.memref_slice %arg3[%mul3A_0, %dma_start3A_27] : memref<10240x128xf32, #tpu.memory_space<hbm>> -> memref<640x128xf32, #tpu.memory_space<hbm>>
        tpu.enqueue_dma source(%dma_start3A_28 : memref<640x128xf32, #tpu.memory_space<hbm>>) target(%dma_start3A_26 : memref<640x128xf32, #tpu.memory_space<vmem_shared>>) target_semaphore(%run_scoped3A : memref<!tpu.dma_semaphore, #tpu.memory_space<semaphore_mem>>)
        %dma_wait3A = arith.constant 0 : i32
        %dma_wait3A_29 = tpu.memref_slice %arg11[%mul3A_0, %dma_wait3A] : memref<10240x128xf32, #tpu.memory_space<vmem_shared>> -> memref<640x128xf32, #tpu.memory_space<vmem_shared>>
        %dma_wait3A_30 = arith.constant 0 : i32
        %dma_wait3A_31 = tpu.memref_slice %arg3[%mul3A_0, %dma_wait3A_30] : memref<10240x128xf32, #tpu.memory_space<hbm>> -> memref<640x128xf32, #tpu.memory_space<hbm>>
        tpu.wait_dma2 semaphore(%run_scoped3A : memref<!tpu.dma_semaphore, #tpu.memory_space<semaphore_mem>>) src(%dma_wait3A_31 : memref<640x128xf32, #tpu.memory_space<hbm>>) dst(%dma_wait3A_29 : memref<640x128xf32, #tpu.memory_space<vmem_shared>>)
        tpu.yield
      }) : () -> ()
    } else {
    }
    %barrier3A = arith.constant 0 : index
    tpu.barrier barrier_id(%barrier3A)
    %scan3A = arith.constant 0 : i32
    %scan3A_10 = arith.constant 0 : i32
    %scan3A_11 = arith.constant 250 : i32
    %scan3A_12 = arith.addi %scan3A_10, %scan3A_11 : i32
    %scan3A_13 = arith.constant 1 : i32
    scf.for %scan3A_26 = %scan3A_10 to %scan3A_12 step %scan3A_13  : i32 {
      %mul3A_27 = arith.constant 80 : i32
      %mul3A_28 = arith.muli %scan3A_26, %mul3A_27 : i32
      %add3A = arith.addi %mul3A_2, %mul3A_28 : i32
      "tpu.region"() ({
        %run_scoped3A = tpu.sem_alloc : memref<!tpu.dma_semaphore, #tpu.memory_space<semaphore_mem>>
        %dma_start3A_43 = tpu.memref_slice %arg4[%add3A] : memref<320000xi32, #tpu.memory_space<hbm>> -> memref<80xi32, #tpu.memory_space<hbm>>
        %dma_start3A_44 = tpu.memref_slice %arg4[%add3A] : memref<320000xi32, #tpu.memory_space<hbm>> -> memref<80xi32, #tpu.memory_space<hbm>>
        tpu.enqueue_dma source(%dma_start3A_44 : memref<80xi32, #tpu.memory_space<hbm>>) target(%arg8 : memref<80xi32, #tpu.memory_space<vmem>>) target_semaphore(%run_scoped3A : memref<!tpu.dma_semaphore, #tpu.memory_space<semaphore_mem>>)
        %dma_wait3A_45 = tpu.memref_slice %arg4[%add3A] : memref<320000xi32, #tpu.memory_space<hbm>> -> memref<80xi32, #tpu.memory_space<hbm>>
        %dma_wait3A_46 = tpu.memref_slice %arg4[%add3A] : memref<320000xi32, #tpu.memory_space<hbm>> -> memref<80xi32, #tpu.memory_space<hbm>>
        tpu.wait_dma2 semaphore(%run_scoped3A : memref<!tpu.dma_semaphore, #tpu.memory_space<semaphore_mem>>) src(%dma_wait3A_46 : memref<80xi32, #tpu.memory_space<hbm>>) dst(%arg8 : memref<80xi32, #tpu.memory_space<vmem>>)
        tpu.yield
      }) : () -> ()
      "tpu.region"() ({
        %run_scoped3A = tpu.sem_alloc : memref<!tpu.dma_semaphore, #tpu.memory_space<semaphore_mem>>
        %dma_start3A_43 = tpu.memref_slice %arg5[%add3A] : memref<320000xi32, #tpu.memory_space<hbm>> -> memref<80xi32, #tpu.memory_space<hbm>>
        %dma_start3A_44 = tpu.memref_slice %arg5[%add3A] : memref<320000xi32, #tpu.memory_space<hbm>> -> memref<80xi32, #tpu.memory_space<hbm>>
        tpu.enqueue_dma source(%dma_start3A_44 : memref<80xi32, #tpu.memory_space<hbm>>) target(%arg9 : memref<80xi32, #tpu.memory_space<vmem>>) target_semaphore(%run_scoped3A : memref<!tpu.dma_semaphore, #tpu.memory_space<semaphore_mem>>)
        %dma_wait3A_45 = tpu.memref_slice %arg5[%add3A] : memref<320000xi32, #tpu.memory_space<hbm>> -> memref<80xi32, #tpu.memory_space<hbm>>
        %dma_wait3A_46 = tpu.memref_slice %arg5[%add3A] : memref<320000xi32, #tpu.memory_space<hbm>> -> memref<80xi32, #tpu.memory_space<hbm>>
        tpu.wait_dma2 semaphore(%run_scoped3A : memref<!tpu.dma_semaphore, #tpu.memory_space<semaphore_mem>>) src(%dma_wait3A_46 : memref<80xi32, #tpu.memory_space<hbm>>) dst(%arg9 : memref<80xi32, #tpu.memory_space<vmem>>)
        tpu.yield
      }) : () -> ()
      %eq3A_29 = arith.constant 0 : i32
      %eq3A_30 = arith.cmpi eq, %arg0, %eq3A_29 : i32
      %convert_element_type3A_31 = arith.extui %eq3A_30 : i1 to i32
      %cond3A_32 = arith.constant 0 : i32
      %cond3A_33 = arith.cmpi ne, %convert_element_type3A_31, %cond3A_32 : i32
      scf.if %cond3A_33 {
        %dma_start3A_43 = arith.constant 0 : i32
        %dma_start3A_44 = arith.constant 0 : i32
        %dma_start3A_45 = tpu.memref_slice %arg2[%dma_start3A_43, %dma_start3A_44] : memref<10240x128xf32, #tpu.memory_space<hbm>> -> memref<10240x128xf32, #tpu.memory_space<hbm>>
        tpu.enqueue_indirect_dma source(%dma_start3A_45 : memref<10240x128xf32, #tpu.memory_space<hbm>>) target(%arg10 : memref<80x128xf32, #tpu.memory_space<vmem>>) offsets(%arg8 : memref<80xi32, #tpu.memory_space<vmem>>) semaphore(%arg12 : memref<!tpu.dma_semaphore, #tpu.memory_space<semaphore_mem>>)
        %dma_wait3A_46 = arith.constant 0 : i32
        %dma_wait3A_47 = arith.constant 0 : i32
        %dma_wait3A_48 = tpu.memref_slice %arg2[%dma_wait3A_46, %dma_wait3A_47] : memref<10240x128xf32, #tpu.memory_space<hbm>> -> memref<10240x128xf32, #tpu.memory_space<hbm>>
        tpu.wait_indirect_dma semaphore(%arg12 : memref<!tpu.dma_semaphore, #tpu.memory_space<semaphore_mem>>) src(%dma_wait3A_48 : memref<10240x128xf32, #tpu.memory_space<hbm>>) dst(%arg10 : memref<80x128xf32, #tpu.memory_space<vmem>>)
      } else {
      }
      %eq3A_34 = arith.constant 1 : i32
      %eq3A_35 = arith.cmpi eq, %arg0, %eq3A_34 : i32
      %convert_element_type3A_36 = arith.extui %eq3A_35 : i1 to i32
      %cond3A_37 = arith.constant 0 : i32
      %cond3A_38 = arith.cmpi ne, %convert_element_type3A_36, %cond3A_37 : i32
      scf.if %cond3A_38 {
        %dma_start3A_43 = arith.constant 0 : i32
        %dma_start3A_44 = arith.constant 0 : i32
        %dma_start3A_45 = tpu.memref_slice %arg3[%dma_start3A_43, %dma_start3A_44] : memref<10240x128xf32, #tpu.memory_space<hbm>> -> memref<10240x128xf32, #tpu.memory_space<hbm>>
        tpu.enqueue_indirect_dma source(%dma_start3A_45 : memref<10240x128xf32, #tpu.memory_space<hbm>>) target(%arg10 : memref<80x128xf32, #tpu.memory_space<vmem>>) offsets(%arg8 : memref<80xi32, #tpu.memory_space<vmem>>) semaphore(%arg12 : memref<!tpu.dma_semaphore, #tpu.memory_space<semaphore_mem>>)
        %dma_wait3A_46 = arith.constant 0 : i32
        %dma_wait3A_47 = arith.constant 0 : i32
        %dma_wait3A_48 = tpu.memref_slice %arg3[%dma_wait3A_46, %dma_wait3A_47] : memref<10240x128xf32, #tpu.memory_space<hbm>> -> memref<10240x128xf32, #tpu.memory_space<hbm>>
        tpu.wait_indirect_dma semaphore(%arg12 : memref<!tpu.dma_semaphore, #tpu.memory_space<semaphore_mem>>) src(%dma_wait3A_48 : memref<10240x128xf32, #tpu.memory_space<hbm>>) dst(%arg10 : memref<80x128xf32, #tpu.memory_space<vmem>>)
      } else {
      }
      %dma_start3A = arith.constant 0 : i32
      %dma_start3A_39 = arith.constant 0 : i32
      %dma_start3A_40 = tpu.memref_slice %arg11[%dma_start3A, %dma_start3A_39] : memref<10240x128xf32, #tpu.memory_space<vmem_shared>> -> memref<10240x128xf32, #tpu.memory_space<vmem_shared>>
      tpu.enqueue_indirect_dma source(%arg10 : memref<80x128xf32, #tpu.memory_space<vmem>>) target(%dma_start3A_40 : memref<10240x128xf32, #tpu.memory_space<vmem_shared>>) offsets(%arg9 : memref<80xi32, #tpu.memory_space<vmem>>) semaphore(%arg12 : memref<!tpu.dma_semaphore, #tpu.memory_space<semaphore_mem>>) {add = true}
      %dma_wait3A = arith.constant 0 : i32
      %dma_wait3A_41 = arith.constant 0 : i32
      %dma_wait3A_42 = tpu.memref_slice %arg11[%dma_wait3A, %dma_wait3A_41] : memref<10240x128xf32, #tpu.memory_space<vmem_shared>> -> memref<10240x128xf32, #tpu.memory_space<vmem_shared>>
      tpu.wait_indirect_dma semaphore(%arg12 : memref<!tpu.dma_semaphore, #tpu.memory_space<semaphore_mem>>) src(%arg10 : memref<80x128xf32, #tpu.memory_space<vmem>>) dst(%dma_wait3A_42 : memref<10240x128xf32, #tpu.memory_space<vmem_shared>>)
    }
    %scan3A_14 = arith.constant 250 : i32
    %barrier3A_15 = arith.constant 0 : index
    tpu.barrier barrier_id(%barrier3A_15)
    %eq3A_16 = arith.constant 0 : i32
    %eq3A_17 = arith.cmpi eq, %arg0, %eq3A_16 : i32
    %convert_element_type3A_18 = arith.extui %eq3A_17 : i1 to i32
    %cond3A_19 = arith.constant 0 : i32
    %cond3A_20 = arith.cmpi ne, %convert_element_type3A_18, %cond3A_19 : i32
    scf.if %cond3A_20 {
      "tpu.region"() ({
        %run_scoped3A = tpu.sem_alloc : memref<!tpu.dma_semaphore, #tpu.memory_space<semaphore_mem>>
        %dma_start3A = arith.constant 0 : i32
        %dma_start3A_26 = tpu.memref_slice %arg6[%mul3A_0, %dma_start3A] : memref<10240x128xf32, #tpu.memory_space<hbm>> -> memref<640x128xf32, #tpu.memory_space<hbm>>
        %dma_start3A_27 = arith.constant 0 : i32
        %dma_start3A_28 = tpu.memref_slice %arg11[%mul3A_0, %dma_start3A_27] : memref<10240x128xf32, #tpu.memory_space<vmem_shared>> -> memref<640x128xf32, #tpu.memory_space<vmem_shared>>
        tpu.enqueue_dma source(%dma_start3A_28 : memref<640x128xf32, #tpu.memory_space<vmem_shared>>) target(%dma_start3A_26 : memref<640x128xf32, #tpu.memory_space<hbm>>) target_semaphore(%run_scoped3A : memref<!tpu.dma_semaphore, #tpu.memory_space<semaphore_mem>>)
        %dma_wait3A = arith.constant 0 : i32
        %dma_wait3A_29 = tpu.memref_slice %arg6[%mul3A_0, %dma_wait3A] : memref<10240x128xf32, #tpu.memory_space<hbm>> -> memref<640x128xf32, #tpu.memory_space<hbm>>
        %dma_wait3A_30 = arith.constant 0 : i32
        %dma_wait3A_31 = tpu.memref_slice %arg11[%mul3A_0, %dma_wait3A_30] : memref<10240x128xf32, #tpu.memory_space<vmem_shared>> -> memref<640x128xf32, #tpu.memory_space<vmem_shared>>
        tpu.wait_dma2 semaphore(%run_scoped3A : memref<!tpu.dma_semaphore, #tpu.memory_space<semaphore_mem>>) src(%dma_wait3A_31 : memref<640x128xf32, #tpu.memory_space<vmem_shared>>) dst(%dma_wait3A_29 : memref<640x128xf32, #tpu.memory_space<hbm>>)
        tpu.yield
      }) : () -> ()
    } else {
    }
    %eq3A_21 = arith.constant 1 : i32
    %eq3A_22 = arith.cmpi eq, %arg0, %eq3A_21 : i32
    %convert_element_type3A_23 = arith.extui %eq3A_22 : i1 to i32
    %cond3A_24 = arith.constant 0 : i32
    %cond3A_25 = arith.cmpi ne, %convert_element_type3A_23, %cond3A_24 : i32
    scf.if %cond3A_25 {
      "tpu.region"() ({
        %run_scoped3A = tpu.sem_alloc : memref<!tpu.dma_semaphore, #tpu.memory_space<semaphore_mem>>
        %dma_start3A = arith.constant 0 : i32
        %dma_start3A_26 = tpu.memref_slice %arg7[%mul3A_0, %dma_start3A] : memref<10240x128xf32, #tpu.memory_space<hbm>> -> memref<640x128xf32, #tpu.memory_space<hbm>>
        %dma_start3A_27 = arith.constant 0 : i32
        %dma_start3A_28 = tpu.memref_slice %arg11[%mul3A_0, %dma_start3A_27] : memref<10240x128xf32, #tpu.memory_space<vmem_shared>> -> memref<640x128xf32, #tpu.memory_space<vmem_shared>>
        tpu.enqueue_dma source(%dma_start3A_28 : memref<640x128xf32, #tpu.memory_space<vmem_shared>>) target(%dma_start3A_26 : memref<640x128xf32, #tpu.memory_space<hbm>>) target_semaphore(%run_scoped3A : memref<!tpu.dma_semaphore, #tpu.memory_space<semaphore_mem>>)
        %dma_wait3A = arith.constant 0 : i32
        %dma_wait3A_29 = tpu.memref_slice %arg7[%mul3A_0, %dma_wait3A] : memref<10240x128xf32, #tpu.memory_space<hbm>> -> memref<640x128xf32, #tpu.memory_space<hbm>>
        %dma_wait3A_30 = arith.constant 0 : i32
        %dma_wait3A_31 = tpu.memref_slice %arg11[%mul3A_0, %dma_wait3A_30] : memref<10240x128xf32, #tpu.memory_space<vmem_shared>> -> memref<640x128xf32, #tpu.memory_space<vmem_shared>>
        tpu.wait_dma2 semaphore(%run_scoped3A : memref<!tpu.dma_semaphore, #tpu.memory_space<semaphore_mem>>) src(%dma_wait3A_31 : memref<640x128xf32, #tpu.memory_space<vmem_shared>>) dst(%dma_wait3A_29 : memref<640x128xf32, #tpu.memory_space<hbm>>)
        tpu.yield
      }) : () -> ()
    } else {
    }
    return
  }
}

module attributes {stable_mosaic.version = 14 : i64} {
  func.func @body(%arg0: i32, %arg1: memref<640x128xf32, #tpu.memory_space<vmem>>, %arg2: memref<640x128xf32, #tpu.memory_space<vmem>>, %arg3: memref<128x256xf32, #tpu.memory_space<vmem>>, %arg4: memref<1x256xf32, #tpu.memory_space<vmem>>, %arg5: memref<256x256xf32, #tpu.memory_space<vmem>>, %arg6: memref<640x128xf32, #tpu.memory_space<vmem>>, %arg7: memref<640x128xf32, #tpu.memory_space<vmem>>, %arg8: memref<640x16xf32, #tpu.memory_space<vmem>>) attributes {dimension_semantics = [#tpu.dimension_semantics<arbitrary>], iteration_bounds = array<i64: 16>, scalar_prefetch = 0 : i64, scratch_operands = 0 : i64, tpu.core_type = #tpu.core_type<tc>, window_params = [{transform_indices = @transform_0, window_bounds = array<i64: 640, 128>}, {transform_indices = @transform_1, window_bounds = array<i64: 640, 128>}, {pipeline_mode = #tpu.pipeline_mode<synchronous>, transform_indices = @transform_2, window_bounds = array<i64: 128, 256>}, {pipeline_mode = #tpu.pipeline_mode<synchronous>, transform_indices = @transform_3, window_bounds = array<i64: 1, 256>}, {pipeline_mode = #tpu.pipeline_mode<synchronous>, transform_indices = @transform_4, window_bounds = array<i64: 256, 256>}, {transform_indices = @transform_5, window_bounds = array<i64: 640, 128>}, {transform_indices = @transform_6, window_bounds = array<i64: 640, 128>}, {transform_indices = @transform_7, window_bounds = array<i64: 640, 16>}]} {
    %get3A = arith.constant 0 : index
    %get3A_0 = arith.constant 0 : index
    %get3A_1 = vector.load %arg1[%get3A, %get3A_0] : memref<640x128xf32, #tpu.memory_space<vmem>>, vector<640x128xf32>
    %get3A_2 = arith.constant 0 : index
    %get3A_3 = arith.constant 0 : index
    %get3A_4 = vector.load %arg3[%get3A_2, %get3A_3] : memref<128x256xf32, #tpu.memory_space<vmem>>, vector<128x256xf32>
    %dot_general3A = arith.constant dense<0.000000e+00> : vector<640x256xf32>
    %dot_general3A_5 = tpu.matmul %get3A_1, %get3A_4, %dot_general3A {dimension_numbers = #tpu.dot_dimension_numbers<[1], [0], [0], [1], [0, 0, 1, 1], [], []>, transpose_lhs_hint = false} : vector<640x128xf32>, vector<128x256xf32>, vector<640x256xf32> -> vector<640x256xf32>
    %get3A_6 = arith.constant 0 : index
    %get3A_7 = arith.constant 0 : index
    %get3A_8 = vector.load %arg4[%get3A_6, %get3A_7] : memref<1x256xf32, #tpu.memory_space<vmem>>, vector<1x256xf32>
    %add3A = vector.broadcast %get3A_8 : vector<1x256xf32> to vector<640x256xf32>
    %add3A_9 = arith.addf %dot_general3A_5, %add3A : vector<640x256xf32>
    %max3A = arith.constant 0.000000e+00 : f32
    %max3A_10 = vector.broadcast %max3A : f32 to vector<640x256xf32>
    %max3A_11 = arith.maximumf %add3A_9, %max3A_10 : vector<640x256xf32>
    %get3A_12 = arith.constant 0 : index
    %get3A_13 = arith.constant 0 : index
    %get3A_14 = vector.load %arg2[%get3A_12, %get3A_13] : memref<640x128xf32, #tpu.memory_space<vmem>>, vector<640x128xf32>
    %slice3A = vector.extract_strided_slice %get3A_14 {offsets = [0, 0], sizes = [640, 1], strides = [1, 1]} : vector<640x128xf32> to vector<640x1xf32>
    %rsqrt3A = math.rsqrt %slice3A : vector<640x1xf32>
    %get3A_15 = arith.constant 0 : index
    %get3A_16 = arith.constant 0 : index
    %get3A_17 = vector.load %arg5[%get3A_15, %get3A_16] : memref<256x256xf32, #tpu.memory_space<vmem>>, vector<256x256xf32>
    %dot_general3A_18 = arith.constant dense<0.000000e+00> : vector<640x256xf32>
    %dot_general3A_19 = tpu.matmul %max3A_11, %get3A_17, %dot_general3A_18 {dimension_numbers = #tpu.dot_dimension_numbers<[1], [0], [0], [1], [0, 0, 1, 1], [], []>, transpose_lhs_hint = false} : vector<640x256xf32>, vector<256x256xf32>, vector<640x256xf32> -> vector<640x256xf32>
    %mul3A = vector.broadcast %rsqrt3A : vector<640x1xf32> to vector<640x256xf32>
    %mul3A_20 = arith.mulf %dot_general3A_19, %mul3A : vector<640x256xf32>
    %slice3A_21 = vector.extract_strided_slice %mul3A_20 {offsets = [0, 0], sizes = [640, 128], strides = [1, 1]} : vector<640x256xf32> to vector<640x128xf32>
    %swap3A = arith.constant 0 : index
    %swap3A_22 = arith.constant 0 : index
    %swap3A_23 = vector.load %arg6[%swap3A, %swap3A_22] : memref<640x128xf32, #tpu.memory_space<vmem>>, vector<640x128xf32>
    tpu.vector_store %arg6[%swap3A, %swap3A_22], %slice3A_21 {strides = array<i32>} : memref<640x128xf32, #tpu.memory_space<vmem>>, vector<640x128xf32>,
    %slice3A_24 = vector.extract_strided_slice %mul3A_20 {offsets = [0, 128], sizes = [640, 128], strides = [1, 1]} : vector<640x256xf32> to vector<640x128xf32>
    %swap3A_25 = arith.constant 0 : index
    %swap3A_26 = arith.constant 0 : index
    %swap3A_27 = vector.load %arg7[%swap3A_25, %swap3A_26] : memref<640x128xf32, #tpu.memory_space<vmem>>, vector<640x128xf32>
    tpu.vector_store %arg7[%swap3A_25, %swap3A_26], %slice3A_24 {strides = array<i32>} : memref<640x128xf32, #tpu.memory_space<vmem>>, vector<640x128xf32>,
    %broadcast_in_dim3A = vector.shape_cast %rsqrt3A : vector<640x1xf32> to vector<640x1xf32>
    %broadcast_in_dim3A_28 = vector.broadcast %broadcast_in_dim3A : vector<640x1xf32> to vector<640x16xf32>
    %swap3A_29 = arith.constant 0 : index
    %swap3A_30 = arith.constant 0 : index
    %swap3A_31 = vector.load %arg8[%swap3A_29, %swap3A_30] : memref<640x16xf32, #tpu.memory_space<vmem>>, vector<640x16xf32>
    tpu.vector_store %arg8[%swap3A_29, %swap3A_30], %broadcast_in_dim3A_28 {strides = array<i32>} : memref<640x16xf32, #tpu.memory_space<vmem>>, vector<640x16xf32>,
    return
  }
  func.func @transform_0(%arg0: i32) -> (i32, i32) {
    %c0_i32 = arith.constant 0 : i32
    %c0_i32_0 = arith.constant 0 : i32
    return %arg0, %c0_i32 : i32, i32
  }
  func.func @transform_1(%arg0: i32) -> (i32, i32) {
    %c0_i32 = arith.constant 0 : i32
    %c0_i32_0 = arith.constant 0 : i32
    return %arg0, %c0_i32 : i32, i32
  }
  func.func @transform_2(%arg0: i32) -> (i32, i32) {
    %c0_i32 = arith.constant 0 : i32
    %c0_i32_0 = arith.constant 0 : i32
    %c0_i32_1 = arith.constant 0 : i32
    return %c0_i32, %c0_i32_0 : i32, i32
  }
  func.func @transform_3(%arg0: i32) -> (i32, i32) {
    %c0_i32 = arith.constant 0 : i32
    %c0_i32_0 = arith.constant 0 : i32
    %c0_i32_1 = arith.constant 0 : i32
    return %c0_i32, %c0_i32_0 : i32, i32
  }
  func.func @transform_4(%arg0: i32) -> (i32, i32) {
    %c0_i32 = arith.constant 0 : i32
    %c0_i32_0 = arith.constant 0 : i32
    %c0_i32_1 = arith.constant 0 : i32
    return %c0_i32, %c0_i32_0 : i32, i32
  }
  func.func @transform_5(%arg0: i32) -> (i32, i32) {
    %c0_i32 = arith.constant 0 : i32
    %c0_i32_0 = arith.constant 0 : i32
    return %arg0, %c0_i32 : i32, i32
  }
  func.func @transform_6(%arg0: i32) -> (i32, i32) {
    %c0_i32 = arith.constant 0 : i32
    %c0_i32_0 = arith.constant 0 : i32
    return %arg0, %c0_i32 : i32, i32
  }
  func.func @transform_7(%arg0: i32) -> (i32, i32) {
    %c0_i32 = arith.constant 0 : i32
    %c0_i32_0 = arith.constant 0 : i32
    return %arg0, %c0_i32 : i32, i32
  }
}

module attributes {stable_mosaic.version = 14 : i64} {
  func.func @body(%arg0: i32, %arg1: memref<640x128xf32, #tpu.memory_space<vmem>>, %arg2: memref<640x128xf32, #tpu.memory_space<vmem>>, %arg3: memref<640x16xf32, #tpu.memory_space<vmem>>, %arg4: memref<1x256xf32, #tpu.memory_space<vmem>>, %arg5: memref<1x256xf32, #tpu.memory_space<vmem>>, %arg6: memref<1x256xf32, #tpu.memory_space<vmem>>, %arg7: memref<256x256xf32, #tpu.memory_space<vmem>>, %arg8: memref<640x256xf32, #tpu.memory_space<vmem>>, %arg9: memref<640x128xf32, #tpu.memory_space<vmem>>, %arg10: memref<640x128xf32, #tpu.memory_space<vmem>>) attributes {dimension_semantics = [#tpu.dimension_semantics<arbitrary>], iteration_bounds = array<i64: 16>, scalar_prefetch = 0 : i64, scratch_operands = 0 : i64, tpu.core_type = #tpu.core_type<tc>, window_params = [{transform_indices = @transform_0, window_bounds = array<i64: 640, 128>}, {transform_indices = @transform_1, window_bounds = array<i64: 640, 128>}, {transform_indices = @transform_2, window_bounds = array<i64: 640, 16>}, {pipeline_mode = #tpu.pipeline_mode<synchronous>, transform_indices = @transform_3, window_bounds = array<i64: 1, 256>}, {pipeline_mode = #tpu.pipeline_mode<synchronous>, transform_indices = @transform_4, window_bounds = array<i64: 1, 256>}, {pipeline_mode = #tpu.pipeline_mode<synchronous>, transform_indices = @transform_5, window_bounds = array<i64: 1, 256>}, {pipeline_mode = #tpu.pipeline_mode<synchronous>, transform_indices = @transform_6, window_bounds = array<i64: 256, 256>}, {transform_indices = @transform_7, window_bounds = array<i64: 640, 256>}, {transform_indices = @transform_8, window_bounds = array<i64: 640, 128>}, {transform_indices = @transform_9, window_bounds = array<i64: 640, 128>}]} {
    %get3A = arith.constant 0 : index
    %get3A_0 = arith.constant 0 : index
    %get3A_1 = vector.load %arg3[%get3A, %get3A_0] : memref<640x16xf32, #tpu.memory_space<vmem>>, vector<640x16xf32>
    %slice3A = vector.extract_strided_slice %get3A_1 {offsets = [0, 0], sizes = [640, 1], strides = [1, 1]} : vector<640x16xf32> to vector<640x1xf32>
    %get3A_2 = arith.constant 0 : index
    %get3A_3 = arith.constant 0 : index
    %get3A_4 = vector.load %arg1[%get3A_2, %get3A_3] : memref<640x128xf32, #tpu.memory_space<vmem>>, vector<640x128xf32>
    %get3A_5 = arith.constant 0 : index
    %get3A_6 = arith.constant 0 : index
    %get3A_7 = vector.load %arg2[%get3A_5, %get3A_6] : memref<640x128xf32, #tpu.memory_space<vmem>>, vector<640x128xf32>
    %concatenate3A = tpu.concatenate %get3A_4, %get3A_7 in 1 : vector<640x128xf32>, vector<640x128xf32> -> vector<640x256xf32>
    %mul3A = vector.broadcast %slice3A : vector<640x1xf32> to vector<640x256xf32>
    %mul3A_8 = arith.mulf %concatenate3A, %mul3A : vector<640x256xf32>
    %get3A_9 = arith.constant 0 : index
    %get3A_10 = arith.constant 0 : index
    %get3A_11 = vector.load %arg4[%get3A_9, %get3A_10] : memref<1x256xf32, #tpu.memory_space<vmem>>, vector<1x256xf32>
    %add3A = vector.broadcast %get3A_11 : vector<1x256xf32> to vector<640x256xf32>
    %add3A_12 = arith.addf %mul3A_8, %add3A : vector<640x256xf32>
    %get3A_13 = arith.constant 0 : index
    %get3A_14 = arith.constant 0 : index
    %get3A_15 = vector.load %arg5[%get3A_13, %get3A_14] : memref<1x256xf32, #tpu.memory_space<vmem>>, vector<1x256xf32>
    %mul3A_16 = arith.constant 0.999994993 : f32
    %mul3A_17 = vector.broadcast %mul3A_16 : f32 to vector<1x256xf32>
    %mul3A_18 = arith.mulf %get3A_15, %mul3A_17 : vector<1x256xf32>
    %mul3A_19 = vector.broadcast %mul3A_18 : vector<1x256xf32> to vector<640x256xf32>
    %mul3A_20 = arith.mulf %add3A_12, %mul3A_19 : vector<640x256xf32>
    %get3A_21 = arith.constant 0 : index
    %get3A_22 = arith.constant 0 : index
    %get3A_23 = vector.load %arg6[%get3A_21, %get3A_22] : memref<1x256xf32, #tpu.memory_space<vmem>>, vector<1x256xf32>
    %add3A_24 = vector.broadcast %get3A_23 : vector<1x256xf32> to vector<640x256xf32>
    %add3A_25 = arith.addf %mul3A_20, %add3A_24 : vector<640x256xf32>
    %max3A = arith.constant 0.000000e+00 : f32
    %max3A_26 = vector.broadcast %max3A : f32 to vector<640x256xf32>
    %max3A_27 = arith.maximumf %add3A_25, %max3A_26 : vector<640x256xf32>
    %swap3A = arith.constant 0 : index
    %swap3A_28 = arith.constant 0 : index
    %swap3A_29 = vector.load %arg8[%swap3A, %swap3A_28] : memref<640x256xf32, #tpu.memory_space<vmem>>, vector<640x256xf32>
    tpu.vector_store %arg8[%swap3A, %swap3A_28], %max3A_27 {strides = array<i32>} : memref<640x256xf32, #tpu.memory_space<vmem>>, vector<640x256xf32>,
    %get3A_30 = arith.constant 0 : index
    %get3A_31 = arith.constant 0 : index
    %get3A_32 = vector.load %arg7[%get3A_30, %get3A_31] : memref<256x256xf32, #tpu.memory_space<vmem>>, vector<256x256xf32>
    %dot_general3A = arith.constant dense<0.000000e+00> : vector<640x256xf32>
    %dot_general3A_33 = tpu.matmul %max3A_27, %get3A_32, %dot_general3A {dimension_numbers = #tpu.dot_dimension_numbers<[1], [0], [0], [1], [0, 0, 1, 1], [], []>, transpose_lhs_hint = false} : vector<640x256xf32>, vector<256x256xf32>, vector<640x256xf32> -> vector<640x256xf32>
    %mul3A_34 = vector.broadcast %slice3A : vector<640x1xf32> to vector<640x256xf32>
    %mul3A_35 = arith.mulf %dot_general3A_33, %mul3A_34 : vector<640x256xf32>
    %slice3A_36 = vector.extract_strided_slice %mul3A_35 {offsets = [0, 0], sizes = [640, 128], strides = [1, 1]} : vector<640x256xf32> to vector<640x128xf32>
    %swap3A_37 = arith.constant 0 : index
    %swap3A_38 = arith.constant 0 : index
    %swap3A_39 = vector.load %arg9[%swap3A_37, %swap3A_38] : memref<640x128xf32, #tpu.memory_space<vmem>>, vector<640x128xf32>
    tpu.vector_store %arg9[%swap3A_37, %swap3A_38], %slice3A_36 {strides = array<i32>} : memref<640x128xf32, #tpu.memory_space<vmem>>, vector<640x128xf32>,
    %slice3A_40 = vector.extract_strided_slice %mul3A_35 {offsets = [0, 128], sizes = [640, 128], strides = [1, 1]} : vector<640x256xf32> to vector<640x128xf32>
    %swap3A_41 = arith.constant 0 : index
    %swap3A_42 = arith.constant 0 : index
    %swap3A_43 = vector.load %arg10[%swap3A_41, %swap3A_42] : memref<640x128xf32, #tpu.memory_space<vmem>>, vector<640x128xf32>
    tpu.vector_store %arg10[%swap3A_41, %swap3A_42], %slice3A_40 {strides = array<i32>} : memref<640x128xf32, #tpu.memory_space<vmem>>, vector<640x128xf32>,
    return
  }
  func.func @transform_0(%arg0: i32) -> (i32, i32) {
    %c0_i32 = arith.constant 0 : i32
    %c0_i32_0 = arith.constant 0 : i32
    return %arg0, %c0_i32 : i32, i32
  }
  func.func @transform_1(%arg0: i32) -> (i32, i32) {
    %c0_i32 = arith.constant 0 : i32
    %c0_i32_0 = arith.constant 0 : i32
    return %arg0, %c0_i32 : i32, i32
  }
  func.func @transform_2(%arg0: i32) -> (i32, i32) {
    %c0_i32 = arith.constant 0 : i32
    %c0_i32_0 = arith.constant 0 : i32
    return %arg0, %c0_i32 : i32, i32
  }
  func.func @transform_3(%arg0: i32) -> (i32, i32) {
    %c0_i32 = arith.constant 0 : i32
    %c0_i32_0 = arith.constant 0 : i32
    %c0_i32_1 = arith.constant 0 : i32
    return %c0_i32, %c0_i32_0 : i32, i32
  }
  func.func @transform_4(%arg0: i32) -> (i32, i32) {
    %c0_i32 = arith.constant 0 : i32
    %c0_i32_0 = arith.constant 0 : i32
    %c0_i32_1 = arith.constant 0 : i32
    return %c0_i32, %c0_i32_0 : i32, i32
  }
  func.func @transform_5(%arg0: i32) -> (i32, i32) {
    %c0_i32 = arith.constant 0 : i32
    %c0_i32_0 = arith.constant 0 : i32
    %c0_i32_1 = arith.constant 0 : i32
    return %c0_i32, %c0_i32_0 : i32, i32
  }
  func.func @transform_6(%arg0: i32) -> (i32, i32) {
    %c0_i32 = arith.constant 0 : i32
    %c0_i32_0 = arith.constant 0 : i32
    %c0_i32_1 = arith.constant 0 : i32
    return %c0_i32, %c0_i32_0 : i32, i32
  }
  func.func @transform_7(%arg0: i32) -> (i32, i32) {
    %c0_i32 = arith.constant 0 : i32
    %c0_i32_0 = arith.constant 0 : i32
    return %arg0, %c0_i32 : i32, i32
  }
  func.func @transform_8(%arg0: i32) -> (i32, i32) {
    %c0_i32 = arith.constant 0 : i32
    %c0_i32_0 = arith.constant 0 : i32
    return %arg0, %c0_i32 : i32, i32
  }
  func.func @transform_9(%arg0: i32) -> (i32, i32) {
    %c0_i32 = arith.constant 0 : i32
    %c0_i32_0 = arith.constant 0 : i32
    return %arg0, %c0_i32 : i32, i32
  }
}

module attributes {stable_mosaic.version = 14 : i64} {
  func.func @body(%arg0: i32, %arg1: memref<640x128xf32, #tpu.memory_space<vmem>>, %arg2: memref<640x128xf32, #tpu.memory_space<vmem>>, %arg3: memref<640x16xf32, #tpu.memory_space<vmem>>, %arg4: memref<640x256xf32, #tpu.memory_space<vmem>>, %arg5: memref<1x256xf32, #tpu.memory_space<vmem>>, %arg6: memref<1x256xf32, #tpu.memory_space<vmem>>, %arg7: memref<1x256xf32, #tpu.memory_space<vmem>>, %arg8: memref<256x256xf32, #tpu.memory_space<vmem>>, %arg9: memref<640x256xf32, #tpu.memory_space<vmem>>, %arg10: memref<640x128xf32, #tpu.memory_space<vmem>>, %arg11: memref<640x128xf32, #tpu.memory_space<vmem>>) attributes {dimension_semantics = [#tpu.dimension_semantics<arbitrary>], iteration_bounds = array<i64: 16>, scalar_prefetch = 0 : i64, scratch_operands = 0 : i64, tpu.core_type = #tpu.core_type<tc>, window_params = [{transform_indices = @transform_0, window_bounds = array<i64: 640, 128>}, {transform_indices = @transform_1, window_bounds = array<i64: 640, 128>}, {transform_indices = @transform_2, window_bounds = array<i64: 640, 16>}, {transform_indices = @transform_3, window_bounds = array<i64: 640, 256>}, {pipeline_mode = #tpu.pipeline_mode<synchronous>, transform_indices = @transform_4, window_bounds = array<i64: 1, 256>}, {pipeline_mode = #tpu.pipeline_mode<synchronous>, transform_indices = @transform_5, window_bounds = array<i64: 1, 256>}, {pipeline_mode = #tpu.pipeline_mode<synchronous>, transform_indices = @transform_6, window_bounds = array<i64: 1, 256>}, {pipeline_mode = #tpu.pipeline_mode<synchronous>, transform_indices = @transform_7, window_bounds = array<i64: 256, 256>}, {transform_indices = @transform_8, window_bounds = array<i64: 640, 256>}, {transform_indices = @transform_9, window_bounds = array<i64: 640, 128>}, {transform_indices = @transform_10, window_bounds = array<i64: 640, 128>}]} {
    %get3A = arith.constant 0 : index
    %get3A_0 = arith.constant 0 : index
    %get3A_1 = vector.load %arg3[%get3A, %get3A_0] : memref<640x16xf32, #tpu.memory_space<vmem>>, vector<640x16xf32>
    %slice3A = vector.extract_strided_slice %get3A_1 {offsets = [0, 0], sizes = [640, 1], strides = [1, 1]} : vector<640x16xf32> to vector<640x1xf32>
    %get3A_2 = arith.constant 0 : index
    %get3A_3 = arith.constant 0 : index
    %get3A_4 = vector.load %arg1[%get3A_2, %get3A_3] : memref<640x128xf32, #tpu.memory_space<vmem>>, vector<640x128xf32>
    %get3A_5 = arith.constant 0 : index
    %get3A_6 = arith.constant 0 : index
    %get3A_7 = vector.load %arg2[%get3A_5, %get3A_6] : memref<640x128xf32, #tpu.memory_space<vmem>>, vector<640x128xf32>
    %concatenate3A = tpu.concatenate %get3A_4, %get3A_7 in 1 : vector<640x128xf32>, vector<640x128xf32> -> vector<640x256xf32>
    %mul3A = vector.broadcast %slice3A : vector<640x1xf32> to vector<640x256xf32>
    %mul3A_8 = arith.mulf %concatenate3A, %mul3A : vector<640x256xf32>
    %get3A_9 = arith.constant 0 : index
    %get3A_10 = arith.constant 0 : index
    %get3A_11 = vector.load %arg5[%get3A_9, %get3A_10] : memref<1x256xf32, #tpu.memory_space<vmem>>, vector<1x256xf32>
    %add3A = vector.broadcast %get3A_11 : vector<1x256xf32> to vector<640x256xf32>
    %add3A_12 = arith.addf %mul3A_8, %add3A : vector<640x256xf32>
    %get3A_13 = arith.constant 0 : index
    %get3A_14 = arith.constant 0 : index
    %get3A_15 = vector.load %arg6[%get3A_13, %get3A_14] : memref<1x256xf32, #tpu.memory_space<vmem>>, vector<1x256xf32>
    %mul3A_16 = arith.constant 0.999994993 : f32
    %mul3A_17 = vector.broadcast %mul3A_16 : f32 to vector<1x256xf32>
    %mul3A_18 = arith.mulf %get3A_15, %mul3A_17 : vector<1x256xf32>
    %mul3A_19 = vector.broadcast %mul3A_18 : vector<1x256xf32> to vector<640x256xf32>
    %mul3A_20 = arith.mulf %add3A_12, %mul3A_19 : vector<640x256xf32>
    %get3A_21 = arith.constant 0 : index
    %get3A_22 = arith.constant 0 : index
    %get3A_23 = vector.load %arg7[%get3A_21, %get3A_22] : memref<1x256xf32, #tpu.memory_space<vmem>>, vector<1x256xf32>
    %add3A_24 = vector.broadcast %get3A_23 : vector<1x256xf32> to vector<640x256xf32>
    %add3A_25 = arith.addf %mul3A_20, %add3A_24 : vector<640x256xf32>
    %max3A = arith.constant 0.000000e+00 : f32
    %max3A_26 = vector.broadcast %max3A : f32 to vector<640x256xf32>
    %max3A_27 = arith.maximumf %add3A_25, %max3A_26 : vector<640x256xf32>
    %get3A_28 = arith.constant 0 : index
    %get3A_29 = arith.constant 0 : index
    %get3A_30 = vector.load %arg4[%get3A_28, %get3A_29] : memref<640x256xf32, #tpu.memory_space<vmem>>, vector<640x256xf32>
    %add3A_31 = arith.addf %max3A_27, %get3A_30 : vector<640x256xf32>
    %swap3A = arith.constant 0 : index
    %swap3A_32 = arith.constant 0 : index
    %swap3A_33 = vector.load %arg9[%swap3A, %swap3A_32] : memref<640x256xf32, #tpu.memory_space<vmem>>, vector<640x256xf32>
    tpu.vector_store %arg9[%swap3A, %swap3A_32], %add3A_31 {strides = array<i32>} : memref<640x256xf32, #tpu.memory_space<vmem>>, vector<640x256xf32>,
    %get3A_34 = arith.constant 0 : index
    %get3A_35 = arith.constant 0 : index
    %get3A_36 = vector.load %arg8[%get3A_34, %get3A_35] : memref<256x256xf32, #tpu.memory_space<vmem>>, vector<256x256xf32>
    %dot_general3A = arith.constant dense<0.000000e+00> : vector<640x256xf32>
    %dot_general3A_37 = tpu.matmul %add3A_31, %get3A_36, %dot_general3A {dimension_numbers = #tpu.dot_dimension_numbers<[1], [0], [0], [1], [0, 0, 1, 1], [], []>, transpose_lhs_hint = false} : vector<640x256xf32>, vector<256x256xf32>, vector<640x256xf32> -> vector<640x256xf32>
    %mul3A_38 = vector.broadcast %slice3A : vector<640x1xf32> to vector<640x256xf32>
    %mul3A_39 = arith.mulf %dot_general3A_37, %mul3A_38 : vector<640x256xf32>
    %slice3A_40 = vector.extract_strided_slice %mul3A_39 {offsets = [0, 0], sizes = [640, 128], strides = [1, 1]} : vector<640x256xf32> to vector<640x128xf32>
    %swap3A_41 = arith.constant 0 : index
    %swap3A_42 = arith.constant 0 : index
    %swap3A_43 = vector.load %arg10[%swap3A_41, %swap3A_42] : memref<640x128xf32, #tpu.memory_space<vmem>>, vector<640x128xf32>
    tpu.vector_store %arg10[%swap3A_41, %swap3A_42], %slice3A_40 {strides = array<i32>} : memref<640x128xf32, #tpu.memory_space<vmem>>, vector<640x128xf32>,
    %slice3A_44 = vector.extract_strided_slice %mul3A_39 {offsets = [0, 128], sizes = [640, 128], strides = [1, 1]} : vector<640x256xf32> to vector<640x128xf32>
    %swap3A_45 = arith.constant 0 : index
    %swap3A_46 = arith.constant 0 : index
    %swap3A_47 = vector.load %arg11[%swap3A_45, %swap3A_46] : memref<640x128xf32, #tpu.memory_space<vmem>>, vector<640x128xf32>
    tpu.vector_store %arg11[%swap3A_45, %swap3A_46], %slice3A_44 {strides = array<i32>} : memref<640x128xf32, #tpu.memory_space<vmem>>, vector<640x128xf32>,
    return
  }
  func.func @transform_0(%arg0: i32) -> (i32, i32) {
    %c0_i32 = arith.constant 0 : i32
    %c0_i32_0 = arith.constant 0 : i32
    return %arg0, %c0_i32 : i32, i32
  }
  func.func @transform_1(%arg0: i32) -> (i32, i32) {
    %c0_i32 = arith.constant 0 : i32
    %c0_i32_0 = arith.constant 0 : i32
    return %arg0, %c0_i32 : i32, i32
  }
  func.func @transform_2(%arg0: i32) -> (i32, i32) {
    %c0_i32 = arith.constant 0 : i32
    %c0_i32_0 = arith.constant 0 : i32
    return %arg0, %c0_i32 : i32, i32
  }
  func.func @transform_3(%arg0: i32) -> (i32, i32) {
    %c0_i32 = arith.constant 0 : i32
    %c0_i32_0 = arith.constant 0 : i32
    return %arg0, %c0_i32 : i32, i32
  }
  func.func @transform_4(%arg0: i32) -> (i32, i32) {
    %c0_i32 = arith.constant 0 : i32
    %c0_i32_0 = arith.constant 0 : i32
    %c0_i32_1 = arith.constant 0 : i32
    return %c0_i32, %c0_i32_0 : i32, i32
  }
  func.func @transform_5(%arg0: i32) -> (i32, i32) {
    %c0_i32 = arith.constant 0 : i32
    %c0_i32_0 = arith.constant 0 : i32
    %c0_i32_1 = arith.constant 0 : i32
    return %c0_i32, %c0_i32_0 : i32, i32
  }
  func.func @transform_6(%arg0: i32) -> (i32, i32) {
    %c0_i32 = arith.constant 0 : i32
    %c0_i32_0 = arith.constant 0 : i32
    %c0_i32_1 = arith.constant 0 : i32
    return %c0_i32, %c0_i32_0 : i32, i32
  }
  func.func @transform_7(%arg0: i32) -> (i32, i32) {
    %c0_i32 = arith.constant 0 : i32
    %c0_i32_0 = arith.constant 0 : i32
    %c0_i32_1 = arith.constant 0 : i32
    return %c0_i32, %c0_i32_0 : i32, i32
  }
  func.func @transform_8(%arg0: i32) -> (i32, i32) {
    %c0_i32 = arith.constant 0 : i32
    %c0_i32_0 = arith.constant 0 : i32
    return %arg0, %c0_i32 : i32, i32
  }
  func.func @transform_9(%arg0: i32) -> (i32, i32) {
    %c0_i32 = arith.constant 0 : i32
    %c0_i32_0 = arith.constant 0 : i32
    return %arg0, %c0_i32 : i32, i32
  }
  func.func @transform_10(%arg0: i32) -> (i32, i32) {
    %c0_i32 = arith.constant 0 : i32
    %c0_i32_0 = arith.constant 0 : i32
    return %arg0, %c0_i32 : i32, i32
  }
}

module attributes {stable_mosaic.version = 14 : i64} {
  func.func @body(%arg0: i32, %arg1: memref<640x128xf32, #tpu.memory_space<vmem>>, %arg2: memref<640x128xf32, #tpu.memory_space<vmem>>, %arg3: memref<640x16xf32, #tpu.memory_space<vmem>>, %arg4: memref<640x256xf32, #tpu.memory_space<vmem>>, %arg5: memref<640x16xi32, #tpu.memory_space<vmem>>, %arg6: memref<1x256xf32, #tpu.memory_space<vmem>>, %arg7: memref<1x256xf32, #tpu.memory_space<vmem>>, %arg8: memref<1x256xf32, #tpu.memory_space<vmem>>, %arg9: memref<256x256xf32, #tpu.memory_space<vmem>>, %arg10: memref<1x256xf32, #tpu.memory_space<vmem>>, %arg11: memref<256x1xf32, #tpu.memory_space<vmem>>, %arg12: memref<1x1xf32, #tpu.memory_space<vmem>>, %arg13: memref<1024x256xf32, #tpu.memory_space<vmem>>, %arg14: memref<1x256xf32, #tpu.memory_space<vmem>>, %arg15: memref<256x256xf32, #tpu.memory_space<vmem>>, %arg16: memref<1x256xf32, #tpu.memory_space<vmem>>, %arg17: memref<16x256xf32, #tpu.memory_space<vmem>>, %arg18: memref<16x256xf32, #tpu.memory_space<vmem>>, %arg19: memref<16x256xf32, #tpu.memory_space<vmem>>, %arg20: memref<16x256xf32, #tpu.memory_space<vmem>>, %arg21: memref<16x256xf32, #tpu.memory_space<vmem>>, %arg22: memref<16x256xf32, #tpu.memory_space<vmem>>, %arg23: memref<1xf32, #tpu.memory_space<smem>>) attributes {dimension_semantics = [#tpu.dimension_semantics<arbitrary>], iteration_bounds = array<i64: 16>, scalar_prefetch = 0 : i64, scratch_operands = 6 : i64, tpu.core_type = #tpu.core_type<tc>, window_params = [{transform_indices = @transform_0, window_bounds = array<i64: 640, 128>}, {transform_indices = @transform_1, window_bounds = array<i64: 640, 128>}, {transform_indices = @transform_2, window_bounds = array<i64: 640, 16>}, {transform_indices = @transform_3, window_bounds = array<i64: 640, 256>}, {transform_indices = @transform_4, window_bounds = array<i64: 640, 16>}, {pipeline_mode = #tpu.pipeline_mode<synchronous>, transform_indices = @transform_5, window_bounds = array<i64: 1, 256>}, {pipeline_mode = #tpu.pipeline_mode<synchronous>, transform_indices = @transform_6, window_bounds = array<i64: 1, 256>}, {pipeline_mode = #tpu.pipeline_mode<synchronous>, transform_indices = @transform_7, window_bounds = array<i64: 1, 256>}, {pipeline_mode = #tpu.pipeline_mode<synchronous>, transform_indices = @transform_8, window_bounds = array<i64: 256, 256>}, {pipeline_mode = #tpu.pipeline_mode<synchronous>, transform_indices = @transform_9, window_bounds = array<i64: 1, 256>}, {pipeline_mode = #tpu.pipeline_mode<synchronous>, transform_indices = @transform_10, window_bounds = array<i64: 256, 1>}, {pipeline_mode = #tpu.pipeline_mode<synchronous>, transform_indices = @transform_11, window_bounds = array<i64: 1, 1>}, {pipeline_mode = #tpu.pipeline_mode<synchronous>, transform_indices = @transform_12, window_bounds = array<i64: 1024, 256>}, {pipeline_mode = #tpu.pipeline_mode<synchronous>, transform_indices = @transform_13, window_bounds = array<i64: 1, 256>}, {pipeline_mode = #tpu.pipeline_mode<synchronous>, transform_indices = @transform_14, window_bounds = array<i64: 256, 256>}, {pipeline_mode = #tpu.pipeline_mode<synchronous>, transform_indices = @transform_15, window_bounds = array<i64: 1, 256>}, {pipeline_mode = #tpu.pipeline_mode<synchronous>, transform_indices = @transform_16, window_bounds = array<i64: 16, 256>}]} {
    %eq3A = arith.constant 0 : i32
    %eq3A_0 = arith.cmpi eq, %arg0, %eq3A : i32
    %convert_element_type3A = arith.extui %eq3A_0 : i1 to i32
    %cond3A = arith.constant 0 : i32
    %cond3A_1 = arith.cmpi ne, %convert_element_type3A, %cond3A : i32
    scf.if %cond3A_1 {
      %broadcast_in_dim3A_302 = arith.constant 0.000000e+00 : f32
      %broadcast_in_dim3A_303 = vector.broadcast %broadcast_in_dim3A_302 : f32 to vector<16x256xf32>
      %swap3A_304 = arith.constant 0 : index
      %swap3A_305 = arith.constant 0 : index
      %swap3A_306 = vector.load %arg18[%swap3A_304, %swap3A_305] : memref<16x256xf32, #tpu.memory_space<vmem>>, vector<16x256xf32>
      tpu.vector_store %arg18[%swap3A_304, %swap3A_305], %broadcast_in_dim3A_303 {strides = array<i32>} : memref<16x256xf32, #tpu.memory_space<vmem>>, vector<16x256xf32>,
      %broadcast_in_dim3A_307 = arith.constant 0.000000e+00 : f32
      %broadcast_in_dim3A_308 = vector.broadcast %broadcast_in_dim3A_307 : f32 to vector<16x256xf32>
      %swap3A_309 = arith.constant 0 : index
      %swap3A_310 = arith.constant 0 : index
      %swap3A_311 = vector.load %arg19[%swap3A_309, %swap3A_310] : memref<16x256xf32, #tpu.memory_space<vmem>>, vector<16x256xf32>
      tpu.vector_store %arg19[%swap3A_309, %swap3A_310], %broadcast_in_dim3A_308 {strides = array<i32>} : memref<16x256xf32, #tpu.memory_space<vmem>>, vector<16x256xf32>,
      %broadcast_in_dim3A_312 = arith.constant 0.000000e+00 : f32
      %broadcast_in_dim3A_313 = vector.broadcast %broadcast_in_dim3A_312 : f32 to vector<16x256xf32>
      %swap3A_314 = arith.constant 0 : index
      %swap3A_315 = arith.constant 0 : index
      %swap3A_316 = vector.load %arg20[%swap3A_314, %swap3A_315] : memref<16x256xf32, #tpu.memory_space<vmem>>, vector<16x256xf32>
      tpu.vector_store %arg20[%swap3A_314, %swap3A_315], %broadcast_in_dim3A_313 {strides = array<i32>} : memref<16x256xf32, #tpu.memory_space<vmem>>, vector<16x256xf32>,
      %broadcast_in_dim3A_317 = arith.constant 0.000000e+00 : f32
      %broadcast_in_dim3A_318 = vector.broadcast %broadcast_in_dim3A_317 : f32 to vector<16x256xf32>
      %swap3A_319 = arith.constant 0 : index
      %swap3A_320 = arith.constant 0 : index
      %swap3A_321 = vector.load %arg22[%swap3A_319, %swap3A_320] : memref<16x256xf32, #tpu.memory_space<vmem>>, vector<16x256xf32>
      tpu.vector_store %arg22[%swap3A_319, %swap3A_320], %broadcast_in_dim3A_318 {strides = array<i32>} : memref<16x256xf32, #tpu.memory_space<vmem>>, vector<16x256xf32>,
      %broadcast_in_dim3A_322 = arith.constant 0xFF800000 : f32
      %broadcast_in_dim3A_323 = vector.broadcast %broadcast_in_dim3A_322 : f32 to vector<16x256xf32>
      %swap3A_324 = arith.constant 0 : index
      %swap3A_325 = arith.constant 0 : index
      %swap3A_326 = vector.load %arg21[%swap3A_324, %swap3A_325] : memref<16x256xf32, #tpu.memory_space<vmem>>, vector<16x256xf32>
      tpu.vector_store %arg21[%swap3A_324, %swap3A_325], %broadcast_in_dim3A_323 {strides = array<i32>} : memref<16x256xf32, #tpu.memory_space<vmem>>, vector<16x256xf32>,
      %swap3A_327 = arith.constant 0.000000e+00 : f32
      %swap3A_328 = arith.constant 0 : index
      %swap3A_329 = memref.load %arg23[%swap3A_328] : memref<1xf32, #tpu.memory_space<smem>>
      memref.store %swap3A_327, %arg23[%swap3A_328] : memref<1xf32, #tpu.memory_space<smem>>
    } else {
    }
    %get3A = arith.constant 0 : index
    %get3A_2 = arith.constant 0 : index
    %get3A_3 = vector.load %arg3[%get3A, %get3A_2] : memref<640x16xf32, #tpu.memory_space<vmem>>, vector<640x16xf32>
    %slice3A = vector.extract_strided_slice %get3A_3 {offsets = [0, 0], sizes = [640, 1], strides = [1, 1]} : vector<640x16xf32> to vector<640x1xf32>
    %get3A_4 = arith.constant 0 : index
    %get3A_5 = arith.constant 0 : index
    %get3A_6 = vector.load %arg1[%get3A_4, %get3A_5] : memref<640x128xf32, #tpu.memory_space<vmem>>, vector<640x128xf32>
    %get3A_7 = arith.constant 0 : index
    %get3A_8 = arith.constant 0 : index
    %get3A_9 = vector.load %arg2[%get3A_7, %get3A_8] : memref<640x128xf32, #tpu.memory_space<vmem>>, vector<640x128xf32>
    %concatenate3A = tpu.concatenate %get3A_6, %get3A_9 in 1 : vector<640x128xf32>, vector<640x128xf32> -> vector<640x256xf32>
    %mul3A = vector.broadcast %slice3A : vector<640x1xf32> to vector<640x256xf32>
    %mul3A_10 = arith.mulf %concatenate3A, %mul3A : vector<640x256xf32>
    %get3A_11 = arith.constant 0 : index
    %get3A_12 = arith.constant 0 : index
    %get3A_13 = vector.load %arg6[%get3A_11, %get3A_12] : memref<1x256xf32, #tpu.memory_space<vmem>>, vector<1x256xf32>
    %add3A = vector.broadcast %get3A_13 : vector<1x256xf32> to vector<640x256xf32>
    %add3A_14 = arith.addf %mul3A_10, %add3A : vector<640x256xf32>
    %get3A_15 = arith.constant 0 : index
    %get3A_16 = arith.constant 0 : index
    %get3A_17 = vector.load %arg7[%get3A_15, %get3A_16] : memref<1x256xf32, #tpu.memory_space<vmem>>, vector<1x256xf32>
    %mul3A_18 = arith.constant 0.999994993 : f32
    %mul3A_19 = vector.broadcast %mul3A_18 : f32 to vector<1x256xf32>
    %mul3A_20 = arith.mulf %get3A_17, %mul3A_19 : vector<1x256xf32>
    %mul3A_21 = vector.broadcast %mul3A_20 : vector<1x256xf32> to vector<640x256xf32>
    %mul3A_22 = arith.mulf %add3A_14, %mul3A_21 : vector<640x256xf32>
    %get3A_23 = arith.constant 0 : index
    %get3A_24 = arith.constant 0 : index
    %get3A_25 = vector.load %arg8[%get3A_23, %get3A_24] : memref<1x256xf32, #tpu.memory_space<vmem>>, vector<1x256xf32>
    %add3A_26 = vector.broadcast %get3A_25 : vector<1x256xf32> to vector<640x256xf32>
    %add3A_27 = arith.addf %mul3A_22, %add3A_26 : vector<640x256xf32>
    %max3A = arith.constant 0.000000e+00 : f32
    %max3A_28 = vector.broadcast %max3A : f32 to vector<640x256xf32>
    %max3A_29 = arith.maximumf %add3A_27, %max3A_28 : vector<640x256xf32>
    %get3A_30 = arith.constant 0 : index
    %get3A_31 = arith.constant 0 : index
    %get3A_32 = vector.load %arg4[%get3A_30, %get3A_31] : memref<640x256xf32, #tpu.memory_space<vmem>>, vector<640x256xf32>
    %add3A_33 = arith.addf %max3A_29, %get3A_32 : vector<640x256xf32>
    %get3A_34 = arith.constant 0 : index
    %get3A_35 = arith.constant 0 : index
    %get3A_36 = vector.load %arg4[%get3A_34, %get3A_35] : memref<640x256xf32, #tpu.memory_space<vmem>>, vector<640x256xf32>
    %get3A_37 = arith.constant 0 : index
    %get3A_38 = arith.constant 0 : index
    %get3A_39 = vector.load %arg5[%get3A_37, %get3A_38] : memref<640x16xi32, #tpu.memory_space<vmem>>, vector<640x16xi32>
    %slice3A_40 = vector.extract_strided_slice %get3A_39 {offsets = [0, 0], sizes = [640, 1], strides = [1, 1]} : vector<640x16xi32> to vector<640x1xi32>
    %lt3A = arith.constant 16 : i32
    %lt3A_41 = vector.broadcast %lt3A : i32 to vector<640x1xi32>
    %lt3A_42 = arith.cmpi slt, %slice3A_40, %lt3A_41 : vector<640x1xi32>
    %convert_element_type3A_43 = arith.extui %lt3A_42 : vector<640x1xi1> to vector<640x1xi32>
    %convert_element_type3A_44 = arith.sitofp %convert_element_type3A_43 : vector<640x1xi32> to vector<640x1xf32>
    %iota3A = tpu.iota {dimensions = array<i32: 1>} : vector<640x16xi32>
    %eq3A_45 = vector.broadcast %slice3A_40 : vector<640x1xi32> to vector<640x16xi32>
    %eq3A_46 = arith.cmpi eq, %iota3A, %eq3A_45 : vector<640x16xi32>
    %convert_element_type3A_47 = arith.extui %eq3A_46 : vector<640x16xi1> to vector<640x16xi32>
    %convert_element_type3A_48 = arith.sitofp %convert_element_type3A_47 : vector<640x16xi32> to vector<640x16xf32>
    %get3A_49 = arith.constant 0 : index
    %get3A_50 = arith.constant 0 : index
    %get3A_51 = vector.load %arg18[%get3A_49, %get3A_50] : memref<16x256xf32, #tpu.memory_space<vmem>>, vector<16x256xf32>
    %dot_general3A = arith.constant dense<0.000000e+00> : vector<16x256xf32>
    %dot_general3A_52 = tpu.matmul %convert_element_type3A_48, %add3A_33, %dot_general3A {dimension_numbers = #tpu.dot_dimension_numbers<[0], [0], [1], [1], [0, 1, 1, 1], [], []>, transpose_lhs_hint = false} : vector<640x16xf32>, vector<640x256xf32>, vector<16x256xf32> -> vector<16x256xf32>
    %add3A_53 = arith.addf %get3A_51, %dot_general3A_52 : vector<16x256xf32>
    %swap3A = arith.constant 0 : index
    %swap3A_54 = arith.constant 0 : index
    %swap3A_55 = vector.load %arg18[%swap3A, %swap3A_54] : memref<16x256xf32, #tpu.memory_space<vmem>>, vector<16x256xf32>
    tpu.vector_store %arg18[%swap3A, %swap3A_54], %add3A_53 {strides = array<i32>} : memref<16x256xf32, #tpu.memory_space<vmem>>, vector<16x256xf32>,
    %get3A_56 = arith.constant 0 : index
    %get3A_57 = arith.constant 0 : index
    %get3A_58 = vector.load %arg19[%get3A_56, %get3A_57] : memref<16x256xf32, #tpu.memory_space<vmem>>, vector<16x256xf32>
    %dot_general3A_59 = arith.constant dense<0.000000e+00> : vector<16x256xf32>
    %dot_general3A_60 = tpu.matmul %convert_element_type3A_48, %get3A_36, %dot_general3A_59 {dimension_numbers = #tpu.dot_dimension_numbers<[0], [0], [1], [1], [0, 1, 1, 1], [], []>, transpose_lhs_hint = false} : vector<640x16xf32>, vector<640x256xf32>, vector<16x256xf32> -> vector<16x256xf32>
    %add3A_61 = arith.addf %get3A_58, %dot_general3A_60 : vector<16x256xf32>
    %swap3A_62 = arith.constant 0 : index
    %swap3A_63 = arith.constant 0 : index
    %swap3A_64 = vector.load %arg19[%swap3A_62, %swap3A_63] : memref<16x256xf32, #tpu.memory_space<vmem>>, vector<16x256xf32>
    tpu.vector_store %arg19[%swap3A_62, %swap3A_63], %add3A_61 {strides = array<i32>} : memref<16x256xf32, #tpu.memory_space<vmem>>, vector<16x256xf32>,
    %get3A_65 = arith.constant 0 : index
    %get3A_66 = arith.constant 0 : index
    %get3A_67 = vector.load %arg9[%get3A_65, %get3A_66] : memref<256x256xf32, #tpu.memory_space<vmem>>, vector<256x256xf32>
    %dot_general3A_68 = arith.constant dense<0.000000e+00> : vector<640x256xf32>
    %dot_general3A_69 = tpu.matmul %add3A_33, %get3A_67, %dot_general3A_68 {dimension_numbers = #tpu.dot_dimension_numbers<[1], [0], [0], [1], [0, 0, 1, 1], [], []>, transpose_lhs_hint = false} : vector<640x256xf32>, vector<256x256xf32>, vector<640x256xf32> -> vector<640x256xf32>
    %get3A_70 = arith.constant 0 : index
    %get3A_71 = arith.constant 0 : index
    %get3A_72 = vector.load %arg10[%get3A_70, %get3A_71] : memref<1x256xf32, #tpu.memory_space<vmem>>, vector<1x256xf32>
    %add3A_73 = vector.broadcast %get3A_72 : vector<1x256xf32> to vector<640x256xf32>
    %add3A_74 = arith.addf %dot_general3A_69, %add3A_73 : vector<640x256xf32>
    %tanh3A = math.tanh %add3A_74 : vector<640x256xf32>
    %get3A_75 = arith.constant 0 : index
    %get3A_76 = arith.constant 0 : index
    %get3A_77 = vector.load %arg11[%get3A_75, %get3A_76] : memref<256x1xf32, #tpu.memory_space<vmem>>, vector<256x1xf32>
    %dot_general3A_78 = arith.constant dense<0.000000e+00> : vector<640x1xf32>
    %dot_general3A_79 = tpu.matmul %tanh3A, %get3A_77, %dot_general3A_78 {dimension_numbers = #tpu.dot_dimension_numbers<[1], [0], [0], [1], [0, 0, 1, 1], [], []>, transpose_lhs_hint = false} : vector<640x256xf32>, vector<256x1xf32>, vector<640x1xf32> -> vector<640x1xf32>
    %get3A_80 = arith.constant 0 : index
    %get3A_81 = arith.constant 0 : index
    %get3A_82 = vector.load %arg12[%get3A_80, %get3A_81] : memref<1x1xf32, #tpu.memory_space<vmem>>, vector<1x1xf32>
    %add3A_83 = vector.broadcast %get3A_82 : vector<1x1xf32> to vector<640x1xf32>
    %add3A_84 = arith.addf %dot_general3A_79, %add3A_83 : vector<640x1xf32>
    %exp3A = math.exp %add3A_84 : vector<640x1xf32>
    %mul3A_85 = arith.mulf %exp3A, %convert_element_type3A_44 : vector<640x1xf32>
    %get3A_86 = arith.constant 0 : index
    %get3A_87 = arith.constant 0 : index
    %get3A_88 = vector.load %arg20[%get3A_86, %get3A_87] : memref<16x256xf32, #tpu.memory_space<vmem>>, vector<16x256xf32>
    %mul3A_89 = vector.broadcast %mul3A_85 : vector<640x1xf32> to vector<640x256xf32>
    %mul3A_90 = arith.mulf %add3A_33, %mul3A_89 : vector<640x256xf32>
    %dot_general3A_91 = arith.constant dense<0.000000e+00> : vector<16x256xf32>
    %dot_general3A_92 = tpu.matmul %convert_element_type3A_48, %mul3A_90, %dot_general3A_91 {dimension_numbers = #tpu.dot_dimension_numbers<[0], [0], [1], [1], [0, 1, 1, 1], [], []>, transpose_lhs_hint = false} : vector<640x16xf32>, vector<640x256xf32>, vector<16x256xf32> -> vector<16x256xf32>
    %add3A_93 = arith.addf %get3A_88, %dot_general3A_92 : vector<16x256xf32>
    %swap3A_94 = arith.constant 0 : index
    %swap3A_95 = arith.constant 0 : index
    %swap3A_96 = vector.load %arg20[%swap3A_94, %swap3A_95] : memref<16x256xf32, #tpu.memory_space<vmem>>, vector<16x256xf32>
    tpu.vector_store %arg20[%swap3A_94, %swap3A_95], %add3A_93 {strides = array<i32>} : memref<16x256xf32, #tpu.memory_space<vmem>>, vector<16x256xf32>,
    %get3A_97 = arith.constant 0 : index
    %get3A_98 = memref.load %arg23[%get3A_97] : memref<1xf32, #tpu.memory_space<smem>>
    %reduce_sum3A = vector.shape_cast %mul3A_85 : vector<640x1xf32> to vector<1x640x1xf32>
    %reduce_sum3A_99 = arith.constant dense<0.000000e+00> : vector<1xf32>
    %reduce_sum3A_100 = vector.multi_reduction <add>, %reduce_sum3A, %reduce_sum3A_99 [1, 2] : vector<1x640x1xf32> to vector<1xf32>
    %reduce_sum3A_101 = vector.shape_cast %reduce_sum3A_100 : vector<1xf32> to vector<1x1x1xf32>
    %reduce_sum3A_102 = vector.extract %reduce_sum3A_101[0, 0, 0] : f32 from vector<1x1x1xf32>
    %add3A_103 = arith.addf %get3A_98, %reduce_sum3A_102 : f32
    %swap3A_104 = arith.constant 0 : index
    %swap3A_105 = memref.load %arg23[%swap3A_104] : memref<1xf32, #tpu.memory_space<smem>>
    memref.store %add3A_103, %arg23[%swap3A_104] : memref<1xf32, #tpu.memory_space<smem>>
    %dot_general3A_106 = arith.constant dense<0.000000e+00> : vector<16x1xf32>
    %dot_general3A_107 = tpu.matmul %convert_element_type3A_48, %convert_element_type3A_44, %dot_general3A_106 {dimension_numbers = #tpu.dot_dimension_numbers<[0], [0], [1], [1], [0, 1, 1, 1], [], []>, transpose_lhs_hint = false} : vector<640x16xf32>, vector<640x1xf32>, vector<16x1xf32> -> vector<16x1xf32>
    %get3A_108 = arith.constant 0 : index
    %get3A_109 = arith.constant 0 : index
    %get3A_110 = vector.load %arg22[%get3A_108, %get3A_109] : memref<16x256xf32, #tpu.memory_space<vmem>>, vector<16x256xf32>
    %broadcast_in_dim3A = vector.shape_cast %dot_general3A_107 : vector<16x1xf32> to vector<16x1xf32>
    %broadcast_in_dim3A_111 = vector.broadcast %broadcast_in_dim3A : vector<16x1xf32> to vector<16x256xf32>
    %add3A_112 = arith.addf %get3A_110, %broadcast_in_dim3A_111 : vector<16x256xf32>
    %swap3A_113 = arith.constant 0 : index
    %swap3A_114 = arith.constant 0 : index
    %swap3A_115 = vector.load %arg22[%swap3A_113, %swap3A_114] : memref<16x256xf32, #tpu.memory_space<vmem>>, vector<16x256xf32>
    tpu.vector_store %arg22[%swap3A_113, %swap3A_114], %add3A_112 {strides = array<i32>} : memref<16x256xf32, #tpu.memory_space<vmem>>, vector<16x256xf32>,
    %eq3A_116 = arith.constant 0 : i32
    %eq3A_117 = vector.broadcast %eq3A_116 : i32 to vector<640x1xi32>
    %eq3A_118 = arith.cmpi eq, %slice3A_40, %eq3A_117 : vector<640x1xi32>
    %jit3A = arith.constant 0xFF800000 : f32
    %broadcast_in_dim3A_119 = vector.shape_cast %eq3A_118 : vector<640x1xi1> to vector<640x1xi1>
    %broadcast_in_dim3A_120 = vector.broadcast %broadcast_in_dim3A_119 : vector<640x1xi1> to vector<640x256xi1>
    %broadcast_in_dim3A_121 = vector.broadcast %jit3A : f32 to vector<640x256xf32>
    %select_n3A = arith.select %broadcast_in_dim3A_120, %add3A_33, %broadcast_in_dim3A_121 : vector<640x256xi1>, vector<640x256xf32>
    %reduce_max3A = arith.constant dense<0xFF800000> : vector<256xf32>
    %reduce_max3A_122 = vector.multi_reduction <maximumf>, %select_n3A, %reduce_max3A [0] : vector<640x256xf32> to vector<256xf32>
    %broadcast_in_dim3A_123 = vector.shape_cast %reduce_max3A_122 : vector<256xf32> to vector<1x256xf32>
    %eq3A_124 = arith.constant 1 : i32
    %eq3A_125 = vector.broadcast %eq3A_124 : i32 to vector<640x1xi32>
    %eq3A_126 = arith.cmpi eq, %slice3A_40, %eq3A_125 : vector<640x1xi32>
    %jit3A_127 = arith.constant 0xFF800000 : f32
    %broadcast_in_dim3A_128 = vector.shape_cast %eq3A_126 : vector<640x1xi1> to vector<640x1xi1>
    %broadcast_in_dim3A_129 = vector.broadcast %broadcast_in_dim3A_128 : vector<640x1xi1> to vector<640x256xi1>
    %broadcast_in_dim3A_130 = vector.broadcast %jit3A_127 : f32 to vector<640x256xf32>
    %select_n3A_131 = arith.select %broadcast_in_dim3A_129, %add3A_33, %broadcast_in_dim3A_130 : vector<640x256xi1>, vector<640x256xf32>
    %reduce_max3A_132 = arith.constant dense<0xFF800000> : vector<256xf32>
    %reduce_max3A_133 = vector.multi_reduction <maximumf>, %select_n3A_131, %reduce_max3A_132 [0] : vector<640x256xf32> to vector<256xf32>
    %broadcast_in_dim3A_134 = vector.shape_cast %reduce_max3A_133 : vector<256xf32> to vector<1x256xf32>
    %eq3A_135 = arith.constant 2 : i32
    %eq3A_136 = vector.broadcast %eq3A_135 : i32 to vector<640x1xi32>
    %eq3A_137 = arith.cmpi eq, %slice3A_40, %eq3A_136 : vector<640x1xi32>
    %jit3A_138 = arith.constant 0xFF800000 : f32
    %broadcast_in_dim3A_139 = vector.shape_cast %eq3A_137 : vector<640x1xi1> to vector<640x1xi1>
    %broadcast_in_dim3A_140 = vector.broadcast %broadcast_in_dim3A_139 : vector<640x1xi1> to vector<640x256xi1>
    %broadcast_in_dim3A_141 = vector.broadcast %jit3A_138 : f32 to vector<640x256xf32>
    %select_n3A_142 = arith.select %broadcast_in_dim3A_140, %add3A_33, %broadcast_in_dim3A_141 : vector<640x256xi1>, vector<640x256xf32>
    %reduce_max3A_143 = arith.constant dense<0xFF800000> : vector<256xf32>
    %reduce_max3A_144 = vector.multi_reduction <maximumf>, %select_n3A_142, %reduce_max3A_143 [0] : vector<640x256xf32> to vector<256xf32>
    %broadcast_in_dim3A_145 = vector.shape_cast %reduce_max3A_144 : vector<256xf32> to vector<1x256xf32>
    %eq3A_146 = arith.constant 3 : i32
    %eq3A_147 = vector.broadcast %eq3A_146 : i32 to vector<640x1xi32>
    %eq3A_148 = arith.cmpi eq, %slice3A_40, %eq3A_147 : vector<640x1xi32>
    %jit3A_149 = arith.constant 0xFF800000 : f32
    %broadcast_in_dim3A_150 = vector.shape_cast %eq3A_148 : vector<640x1xi1> to vector<640x1xi1>
    %broadcast_in_dim3A_151 = vector.broadcast %broadcast_in_dim3A_150 : vector<640x1xi1> to vector<640x256xi1>
    %broadcast_in_dim3A_152 = vector.broadcast %jit3A_149 : f32 to vector<640x256xf32>
    %select_n3A_153 = arith.select %broadcast_in_dim3A_151, %add3A_33, %broadcast_in_dim3A_152 : vector<640x256xi1>, vector<640x256xf32>
    %reduce_max3A_154 = arith.constant dense<0xFF800000> : vector<256xf32>
    %reduce_max3A_155 = vector.multi_reduction <maximumf>, %select_n3A_153, %reduce_max3A_154 [0] : vector<640x256xf32> to vector<256xf32>
    %broadcast_in_dim3A_156 = vector.shape_cast %reduce_max3A_155 : vector<256xf32> to vector<1x256xf32>
    %eq3A_157 = arith.constant 4 : i32
    %eq3A_158 = vector.broadcast %eq3A_157 : i32 to vector<640x1xi32>
    %eq3A_159 = arith.cmpi eq, %slice3A_40, %eq3A_158 : vector<640x1xi32>
    %jit3A_160 = arith.constant 0xFF800000 : f32
    %broadcast_in_dim3A_161 = vector.shape_cast %eq3A_159 : vector<640x1xi1> to vector<640x1xi1>
    %broadcast_in_dim3A_162 = vector.broadcast %broadcast_in_dim3A_161 : vector<640x1xi1> to vector<640x256xi1>
    %broadcast_in_dim3A_163 = vector.broadcast %jit3A_160 : f32 to vector<640x256xf32>
    %select_n3A_164 = arith.select %broadcast_in_dim3A_162, %add3A_33, %broadcast_in_dim3A_163 : vector<640x256xi1>, vector<640x256xf32>
    %reduce_max3A_165 = arith.constant dense<0xFF800000> : vector<256xf32>
    %reduce_max3A_166 = vector.multi_reduction <maximumf>, %select_n3A_164, %reduce_max3A_165 [0] : vector<640x256xf32> to vector<256xf32>
    %broadcast_in_dim3A_167 = vector.shape_cast %reduce_max3A_166 : vector<256xf32> to vector<1x256xf32>
    %eq3A_168 = arith.constant 5 : i32
    %eq3A_169 = vector.broadcast %eq3A_168 : i32 to vector<640x1xi32>
    %eq3A_170 = arith.cmpi eq, %slice3A_40, %eq3A_169 : vector<640x1xi32>
    %jit3A_171 = arith.constant 0xFF800000 : f32
    %broadcast_in_dim3A_172 = vector.shape_cast %eq3A_170 : vector<640x1xi1> to vector<640x1xi1>
    %broadcast_in_dim3A_173 = vector.broadcast %broadcast_in_dim3A_172 : vector<640x1xi1> to vector<640x256xi1>
    %broadcast_in_dim3A_174 = vector.broadcast %jit3A_171 : f32 to vector<640x256xf32>
    %select_n3A_175 = arith.select %broadcast_in_dim3A_173, %add3A_33, %broadcast_in_dim3A_174 : vector<640x256xi1>, vector<640x256xf32>
    %reduce_max3A_176 = arith.constant dense<0xFF800000> : vector<256xf32>
    %reduce_max3A_177 = vector.multi_reduction <maximumf>, %select_n3A_175, %reduce_max3A_176 [0] : vector<640x256xf32> to vector<256xf32>
    %broadcast_in_dim3A_178 = vector.shape_cast %reduce_max3A_177 : vector<256xf32> to vector<1x256xf32>
    %eq3A_179 = arith.constant 6 : i32
    %eq3A_180 = vector.broadcast %eq3A_179 : i32 to vector<640x1xi32>
    %eq3A_181 = arith.cmpi eq, %slice3A_40, %eq3A_180 : vector<640x1xi32>
    %jit3A_182 = arith.constant 0xFF800000 : f32
    %broadcast_in_dim3A_183 = vector.shape_cast %eq3A_181 : vector<640x1xi1> to vector<640x1xi1>
    %broadcast_in_dim3A_184 = vector.broadcast %broadcast_in_dim3A_183 : vector<640x1xi1> to vector<640x256xi1>
    %broadcast_in_dim3A_185 = vector.broadcast %jit3A_182 : f32 to vector<640x256xf32>
    %select_n3A_186 = arith.select %broadcast_in_dim3A_184, %add3A_33, %broadcast_in_dim3A_185 : vector<640x256xi1>, vector<640x256xf32>
    %reduce_max3A_187 = arith.constant dense<0xFF800000> : vector<256xf32>
    %reduce_max3A_188 = vector.multi_reduction <maximumf>, %select_n3A_186, %reduce_max3A_187 [0] : vector<640x256xf32> to vector<256xf32>
    %broadcast_in_dim3A_189 = vector.shape_cast %reduce_max3A_188 : vector<256xf32> to vector<1x256xf32>
    %eq3A_190 = arith.constant 7 : i32
    %eq3A_191 = vector.broadcast %eq3A_190 : i32 to vector<640x1xi32>
    %eq3A_192 = arith.cmpi eq, %slice3A_40, %eq3A_191 : vector<640x1xi32>
    %jit3A_193 = arith.constant 0xFF800000 : f32
    %broadcast_in_dim3A_194 = vector.shape_cast %eq3A_192 : vector<640x1xi1> to vector<640x1xi1>
    %broadcast_in_dim3A_195 = vector.broadcast %broadcast_in_dim3A_194 : vector<640x1xi1> to vector<640x256xi1>
    %broadcast_in_dim3A_196 = vector.broadcast %jit3A_193 : f32 to vector<640x256xf32>
    %select_n3A_197 = arith.select %broadcast_in_dim3A_195, %add3A_33, %broadcast_in_dim3A_196 : vector<640x256xi1>, vector<640x256xf32>
    %reduce_max3A_198 = arith.constant dense<0xFF800000> : vector<256xf32>
    %reduce_max3A_199 = vector.multi_reduction <maximumf>, %select_n3A_197, %reduce_max3A_198 [0] : vector<640x256xf32> to vector<256xf32>
    %broadcast_in_dim3A_200 = vector.shape_cast %reduce_max3A_199 : vector<256xf32> to vector<1x256xf32>
    %eq3A_201 = arith.constant 8 : i32
    %eq3A_202 = vector.broadcast %eq3A_201 : i32 to vector<640x1xi32>
    %eq3A_203 = arith.cmpi eq, %slice3A_40, %eq3A_202 : vector<640x1xi32>
    %jit3A_204 = arith.constant 0xFF800000 : f32
    %broadcast_in_dim3A_205 = vector.shape_cast %eq3A_203 : vector<640x1xi1> to vector<640x1xi1>
    %broadcast_in_dim3A_206 = vector.broadcast %broadcast_in_dim3A_205 : vector<640x1xi1> to vector<640x256xi1>
    %broadcast_in_dim3A_207 = vector.broadcast %jit3A_204 : f32 to vector<640x256xf32>
    %select_n3A_208 = arith.select %broadcast_in_dim3A_206, %add3A_33, %broadcast_in_dim3A_207 : vector<640x256xi1>, vector<640x256xf32>
    %reduce_max3A_209 = arith.constant dense<0xFF800000> : vector<256xf32>
    %reduce_max3A_210 = vector.multi_reduction <maximumf>, %select_n3A_208, %reduce_max3A_209 [0] : vector<640x256xf32> to vector<256xf32>
    %broadcast_in_dim3A_211 = vector.shape_cast %reduce_max3A_210 : vector<256xf32> to vector<1x256xf32>
    %eq3A_212 = arith.constant 9 : i32
    %eq3A_213 = vector.broadcast %eq3A_212 : i32 to vector<640x1xi32>
    %eq3A_214 = arith.cmpi eq, %slice3A_40, %eq3A_213 : vector<640x1xi32>
    %jit3A_215 = arith.constant 0xFF800000 : f32
    %broadcast_in_dim3A_216 = vector.shape_cast %eq3A_214 : vector<640x1xi1> to vector<640x1xi1>
    %broadcast_in_dim3A_217 = vector.broadcast %broadcast_in_dim3A_216 : vector<640x1xi1> to vector<640x256xi1>
    %broadcast_in_dim3A_218 = vector.broadcast %jit3A_215 : f32 to vector<640x256xf32>
    %select_n3A_219 = arith.select %broadcast_in_dim3A_217, %add3A_33, %broadcast_in_dim3A_218 : vector<640x256xi1>, vector<640x256xf32>
    %reduce_max3A_220 = arith.constant dense<0xFF800000> : vector<256xf32>
    %reduce_max3A_221 = vector.multi_reduction <maximumf>, %select_n3A_219, %reduce_max3A_220 [0] : vector<640x256xf32> to vector<256xf32>
    %broadcast_in_dim3A_222 = vector.shape_cast %reduce_max3A_221 : vector<256xf32> to vector<1x256xf32>
    %eq3A_223 = arith.constant 10 : i32
    %eq3A_224 = vector.broadcast %eq3A_223 : i32 to vector<640x1xi32>
    %eq3A_225 = arith.cmpi eq, %slice3A_40, %eq3A_224 : vector<640x1xi32>
    %jit3A_226 = arith.constant 0xFF800000 : f32
    %broadcast_in_dim3A_227 = vector.shape_cast %eq3A_225 : vector<640x1xi1> to vector<640x1xi1>
    %broadcast_in_dim3A_228 = vector.broadcast %broadcast_in_dim3A_227 : vector<640x1xi1> to vector<640x256xi1>
    %broadcast_in_dim3A_229 = vector.broadcast %jit3A_226 : f32 to vector<640x256xf32>
    %select_n3A_230 = arith.select %broadcast_in_dim3A_228, %add3A_33, %broadcast_in_dim3A_229 : vector<640x256xi1>, vector<640x256xf32>
    %reduce_max3A_231 = arith.constant dense<0xFF800000> : vector<256xf32>
    %reduce_max3A_232 = vector.multi_reduction <maximumf>, %select_n3A_230, %reduce_max3A_231 [0] : vector<640x256xf32> to vector<256xf32>
    %broadcast_in_dim3A_233 = vector.shape_cast %reduce_max3A_232 : vector<256xf32> to vector<1x256xf32>
    %eq3A_234 = arith.constant 11 : i32
    %eq3A_235 = vector.broadcast %eq3A_234 : i32 to vector<640x1xi32>
    %eq3A_236 = arith.cmpi eq, %slice3A_40, %eq3A_235 : vector<640x1xi32>
    %jit3A_237 = arith.constant 0xFF800000 : f32
    %broadcast_in_dim3A_238 = vector.shape_cast %eq3A_236 : vector<640x1xi1> to vector<640x1xi1>
    %broadcast_in_dim3A_239 = vector.broadcast %broadcast_in_dim3A_238 : vector<640x1xi1> to vector<640x256xi1>
    %broadcast_in_dim3A_240 = vector.broadcast %jit3A_237 : f32 to vector<640x256xf32>
    %select_n3A_241 = arith.select %broadcast_in_dim3A_239, %add3A_33, %broadcast_in_dim3A_240 : vector<640x256xi1>, vector<640x256xf32>
    %reduce_max3A_242 = arith.constant dense<0xFF800000> : vector<256xf32>
    %reduce_max3A_243 = vector.multi_reduction <maximumf>, %select_n3A_241, %reduce_max3A_242 [0] : vector<640x256xf32> to vector<256xf32>
    %broadcast_in_dim3A_244 = vector.shape_cast %reduce_max3A_243 : vector<256xf32> to vector<1x256xf32>
    %eq3A_245 = arith.constant 12 : i32
    %eq3A_246 = vector.broadcast %eq3A_245 : i32 to vector<640x1xi32>
    %eq3A_247 = arith.cmpi eq, %slice3A_40, %eq3A_246 : vector<640x1xi32>
    %jit3A_248 = arith.constant 0xFF800000 : f32
    %broadcast_in_dim3A_249 = vector.shape_cast %eq3A_247 : vector<640x1xi1> to vector<640x1xi1>
    %broadcast_in_dim3A_250 = vector.broadcast %broadcast_in_dim3A_249 : vector<640x1xi1> to vector<640x256xi1>
    %broadcast_in_dim3A_251 = vector.broadcast %jit3A_248 : f32 to vector<640x256xf32>
    %select_n3A_252 = arith.select %broadcast_in_dim3A_250, %add3A_33, %broadcast_in_dim3A_251 : vector<640x256xi1>, vector<640x256xf32>
    %reduce_max3A_253 = arith.constant dense<0xFF800000> : vector<256xf32>
    %reduce_max3A_254 = vector.multi_reduction <maximumf>, %select_n3A_252, %reduce_max3A_253 [0] : vector<640x256xf32> to vector<256xf32>
    %broadcast_in_dim3A_255 = vector.shape_cast %reduce_max3A_254 : vector<256xf32> to vector<1x256xf32>
    %eq3A_256 = arith.constant 13 : i32
    %eq3A_257 = vector.broadcast %eq3A_256 : i32 to vector<640x1xi32>
    %eq3A_258 = arith.cmpi eq, %slice3A_40, %eq3A_257 : vector<640x1xi32>
    %jit3A_259 = arith.constant 0xFF800000 : f32
    %broadcast_in_dim3A_260 = vector.shape_cast %eq3A_258 : vector<640x1xi1> to vector<640x1xi1>
    %broadcast_in_dim3A_261 = vector.broadcast %broadcast_in_dim3A_260 : vector<640x1xi1> to vector<640x256xi1>
    %broadcast_in_dim3A_262 = vector.broadcast %jit3A_259 : f32 to vector<640x256xf32>
    %select_n3A_263 = arith.select %broadcast_in_dim3A_261, %add3A_33, %broadcast_in_dim3A_262 : vector<640x256xi1>, vector<640x256xf32>
    %reduce_max3A_264 = arith.constant dense<0xFF800000> : vector<256xf32>
    %reduce_max3A_265 = vector.multi_reduction <maximumf>, %select_n3A_263, %reduce_max3A_264 [0] : vector<640x256xf32> to vector<256xf32>
    %broadcast_in_dim3A_266 = vector.shape_cast %reduce_max3A_265 : vector<256xf32> to vector<1x256xf32>
    %eq3A_267 = arith.constant 14 : i32
    %eq3A_268 = vector.broadcast %eq3A_267 : i32 to vector<640x1xi32>
    %eq3A_269 = arith.cmpi eq, %slice3A_40, %eq3A_268 : vector<640x1xi32>
    %jit3A_270 = arith.constant 0xFF800000 : f32
    %broadcast_in_dim3A_271 = vector.shape_cast %eq3A_269 : vector<640x1xi1> to vector<640x1xi1>
    %broadcast_in_dim3A_272 = vector.broadcast %broadcast_in_dim3A_271 : vector<640x1xi1> to vector<640x256xi1>
    %broadcast_in_dim3A_273 = vector.broadcast %jit3A_270 : f32 to vector<640x256xf32>
    %select_n3A_274 = arith.select %broadcast_in_dim3A_272, %add3A_33, %broadcast_in_dim3A_273 : vector<640x256xi1>, vector<640x256xf32>
    %reduce_max3A_275 = arith.constant dense<0xFF800000> : vector<256xf32>
    %reduce_max3A_276 = vector.multi_reduction <maximumf>, %select_n3A_274, %reduce_max3A_275 [0] : vector<640x256xf32> to vector<256xf32>
    %broadcast_in_dim3A_277 = vector.shape_cast %reduce_max3A_276 : vector<256xf32> to vector<1x256xf32>
    %eq3A_278 = arith.constant 15 : i32
    %eq3A_279 = vector.broadcast %eq3A_278 : i32 to vector<640x1xi32>
    %eq3A_280 = arith.cmpi eq, %slice3A_40, %eq3A_279 : vector<640x1xi32>
    %jit3A_281 = arith.constant 0xFF800000 : f32
    %broadcast_in_dim3A_282 = vector.shape_cast %eq3A_280 : vector<640x1xi1> to vector<640x1xi1>
    %broadcast_in_dim3A_283 = vector.broadcast %broadcast_in_dim3A_282 : vector<640x1xi1> to vector<640x256xi1>
    %broadcast_in_dim3A_284 = vector.broadcast %jit3A_281 : f32 to vector<640x256xf32>
    %select_n3A_285 = arith.select %broadcast_in_dim3A_283, %add3A_33, %broadcast_in_dim3A_284 : vector<640x256xi1>, vector<640x256xf32>
    %reduce_max3A_286 = arith.constant dense<0xFF800000> : vector<256xf32>
    %reduce_max3A_287 = vector.multi_reduction <maximumf>, %select_n3A_285, %reduce_max3A_286 [0] : vector<640x256xf32> to vector<256xf32>
    %broadcast_in_dim3A_288 = vector.shape_cast %reduce_max3A_287 : vector<256xf32> to vector<1x256xf32>
    %get3A_289 = arith.constant 0 : index
    %get3A_290 = arith.constant 0 : index
    %get3A_291 = vector.load %arg21[%get3A_289, %get3A_290] : memref<16x256xf32, #tpu.memory_space<vmem>>, vector<16x256xf32>
    %concatenate3A_292 = tpu.concatenate %broadcast_in_dim3A_123, %broadcast_in_dim3A_134, %broadcast_in_dim3A_145, %broadcast_in_dim3A_156, %broadcast_in_dim3A_167, %broadcast_in_dim3A_178, %broadcast_in_dim3A_189, %broadcast_in_dim3A_200, %broadcast_in_dim3A_211, %broadcast_in_dim3A_222, %broadcast_in_dim3A_233, %broadcast_in_dim3A_244, %broadcast_in_dim3A_255, %broadcast_in_dim3A_266, %broadcast_in_dim3A_277, %broadcast_in_dim3A_288 in 0 : vector<1x256xf32>, vector<1x256xf32>, vector<1x256xf32>, vector<1x256xf32>, vector<1x256xf32>, vector<1x256xf32>, vector<1x256xf32>, vector<1x256xf32>, vector<1x256xf32>, vector<1x256xf32>, vector<1x256xf32>, vector<1x256xf32>, vector<1x256xf32>, vector<1x256xf32>, vector<1x256xf32>, vector<1x256xf32> -> vector<16x256xf32>
    %max3A_293 = arith.maximumf %get3A_291, %concatenate3A_292 : vector<16x256xf32>
    %swap3A_294 = arith.constant 0 : index
    %swap3A_295 = arith.constant 0 : index
    %swap3A_296 = vector.load %arg21[%swap3A_294, %swap3A_295] : memref<16x256xf32, #tpu.memory_space<vmem>>, vector<16x256xf32>
    tpu.vector_store %arg21[%swap3A_294, %swap3A_295], %max3A_293 {strides = array<i32>} : memref<16x256xf32, #tpu.memory_space<vmem>>, vector<16x256xf32>,
    %eq3A_297 = arith.constant 15 : i32
    %eq3A_298 = arith.cmpi eq, %arg0, %eq3A_297 : i32
    %convert_element_type3A_299 = arith.extui %eq3A_298 : i1 to i32
    %cond3A_300 = arith.constant 0 : i32
    %cond3A_301 = arith.cmpi ne, %convert_element_type3A_299, %cond3A_300 : i32
    scf.if %cond3A_301 {
      %get3A_302 = arith.constant 0 : index
      %get3A_303 = arith.constant 0 : index
      %get3A_304 = vector.load %arg22[%get3A_302, %get3A_303] : memref<16x256xf32, #tpu.memory_space<vmem>>, vector<16x256xf32>
      %max3A_305 = arith.constant 1.000000e+00 : f32
      %max3A_306 = vector.broadcast %max3A_305 : f32 to vector<16x256xf32>
      %max3A_307 = arith.maximumf %get3A_304, %max3A_306 : vector<16x256xf32>
      %get3A_308 = arith.constant 0 : index
      %get3A_309 = arith.constant 0 : index
      %get3A_310 = vector.load %arg18[%get3A_308, %get3A_309] : memref<16x256xf32, #tpu.memory_space<vmem>>, vector<16x256xf32>
      %div3A = arith.divf %get3A_310, %max3A_307 : vector<16x256xf32>
      %get3A_311 = arith.constant 0 : index
      %get3A_312 = arith.constant 0 : index
      %get3A_313 = vector.load %arg19[%get3A_311, %get3A_312] : memref<16x256xf32, #tpu.memory_space<vmem>>, vector<16x256xf32>
      %div3A_314 = arith.divf %get3A_313, %max3A_307 : vector<16x256xf32>
      %get3A_315 = arith.constant 0 : index
      %get3A_316 = arith.constant 0 : index
      %get3A_317 = vector.load %arg20[%get3A_315, %get3A_316] : memref<16x256xf32, #tpu.memory_space<vmem>>, vector<16x256xf32>
      %get3A_318 = arith.constant 0 : index
      %get3A_319 = memref.load %arg23[%get3A_318] : memref<1xf32, #tpu.memory_space<smem>>
      %div3A_320 = vector.broadcast %get3A_319 : f32 to vector<16x256xf32>
      %div3A_321 = arith.divf %get3A_317, %div3A_320 : vector<16x256xf32>
      %get3A_322 = arith.constant 0 : index
      %get3A_323 = arith.constant 0 : index
      %get3A_324 = vector.load %arg21[%get3A_322, %get3A_323] : memref<16x256xf32, #tpu.memory_space<vmem>>, vector<16x256xf32>
      %concatenate3A_325 = tpu.concatenate %div3A, %get3A_324, %div3A_321, %div3A_314 in 1 : vector<16x256xf32>, vector<16x256xf32>, vector<16x256xf32>, vector<16x256xf32> -> vector<16x1024xf32>
      %get3A_326 = arith.constant 0 : index
      %get3A_327 = arith.constant 0 : index
      %get3A_328 = vector.load %arg13[%get3A_326, %get3A_327] : memref<1024x256xf32, #tpu.memory_space<vmem>>, vector<1024x256xf32>
      %dot_general3A_329 = arith.constant dense<0.000000e+00> : vector<16x256xf32>
      %dot_general3A_330 = tpu.matmul %concatenate3A_325, %get3A_328, %dot_general3A_329 {dimension_numbers = #tpu.dot_dimension_numbers<[1], [0], [0], [1], [0, 0, 1, 1], [], []>, transpose_lhs_hint = false} : vector<16x1024xf32>, vector<1024x256xf32>, vector<16x256xf32> -> vector<16x256xf32>
      %get3A_331 = arith.constant 0 : index
      %get3A_332 = arith.constant 0 : index
      %get3A_333 = vector.load %arg14[%get3A_331, %get3A_332] : memref<1x256xf32, #tpu.memory_space<vmem>>, vector<1x256xf32>
      %add3A_334 = vector.broadcast %get3A_333 : vector<1x256xf32> to vector<16x256xf32>
      %add3A_335 = arith.addf %dot_general3A_330, %add3A_334 : vector<16x256xf32>
      %max3A_336 = arith.constant 0.000000e+00 : f32
      %max3A_337 = vector.broadcast %max3A_336 : f32 to vector<16x256xf32>
      %max3A_338 = arith.maximumf %add3A_335, %max3A_337 : vector<16x256xf32>
      %get3A_339 = arith.constant 0 : index
      %get3A_340 = arith.constant 0 : index
      %get3A_341 = vector.load %arg15[%get3A_339, %get3A_340] : memref<256x256xf32, #tpu.memory_space<vmem>>, vector<256x256xf32>
      %dot_general3A_342 = arith.constant dense<0.000000e+00> : vector<16x256xf32>
      %dot_general3A_343 = tpu.matmul %max3A_338, %get3A_341, %dot_general3A_342 {dimension_numbers = #tpu.dot_dimension_numbers<[1], [0], [0], [1], [0, 0, 1, 1], [], []>, transpose_lhs_hint = false} : vector<16x256xf32>, vector<256x256xf32>, vector<16x256xf32> -> vector<16x256xf32>
      %get3A_344 = arith.constant 0 : index
      %get3A_345 = arith.constant 0 : index
      %get3A_346 = vector.load %arg16[%get3A_344, %get3A_345] : memref<1x256xf32, #tpu.memory_space<vmem>>, vector<1x256xf32>
      %add3A_347 = vector.broadcast %get3A_346 : vector<1x256xf32> to vector<16x256xf32>
      %add3A_348 = arith.addf %dot_general3A_343, %add3A_347 : vector<16x256xf32>
      %swap3A_349 = arith.constant 0 : index
      %swap3A_350 = arith.constant 0 : index
      %swap3A_351 = vector.load %arg17[%swap3A_349, %swap3A_350] : memref<16x256xf32, #tpu.memory_space<vmem>>, vector<16x256xf32>
      tpu.vector_store %arg17[%swap3A_349, %swap3A_350], %add3A_348 {strides = array<i32>} : memref<16x256xf32, #tpu.memory_space<vmem>>, vector<16x256xf32>,
    } else {
    }
    return
  }
  func.func @transform_0(%arg0: i32) -> (i32, i32) {
    %c0_i32 = arith.constant 0 : i32
    %c0_i32_0 = arith.constant 0 : i32
    return %arg0, %c0_i32 : i32, i32
  }
  func.func @transform_1(%arg0: i32) -> (i32, i32) {
    %c0_i32 = arith.constant 0 : i32
    %c0_i32_0 = arith.constant 0 : i32
    return %arg0, %c0_i32 : i32, i32
  }
  func.func @transform_2(%arg0: i32) -> (i32, i32) {
    %c0_i32 = arith.constant 0 : i32
    %c0_i32_0 = arith.constant 0 : i32
    return %arg0, %c0_i32 : i32, i32
  }
  func.func @transform_3(%arg0: i32) -> (i32, i32) {
    %c0_i32 = arith.constant 0 : i32
    %c0_i32_0 = arith.constant 0 : i32
    return %arg0, %c0_i32 : i32, i32
  }
  func.func @transform_4(%arg0: i32) -> (i32, i32) {
    %c0_i32 = arith.constant 0 : i32
    %c0_i32_0 = arith.constant 0 : i32
    return %arg0, %c0_i32 : i32, i32
  }
  func.func @transform_5(%arg0: i32) -> (i32, i32) {
    %c0_i32 = arith.constant 0 : i32
    %c0_i32_0 = arith.constant 0 : i32
    %c0_i32_1 = arith.constant 0 : i32
    return %c0_i32, %c0_i32_0 : i32, i32
  }
  func.func @transform_6(%arg0: i32) -> (i32, i32) {
    %c0_i32 = arith.constant 0 : i32
    %c0_i32_0 = arith.constant 0 : i32
    %c0_i32_1 = arith.constant 0 : i32
    return %c0_i32, %c0_i32_0 : i32, i32
  }
  func.func @transform_7(%arg0: i32) -> (i32, i32) {
    %c0_i32 = arith.constant 0 : i32
    %c0_i32_0 = arith.constant 0 : i32
    %c0_i32_1 = arith.constant 0 : i32
    return %c0_i32, %c0_i32_0 : i32, i32
  }
  func.func @transform_8(%arg0: i32) -> (i32, i32) {
    %c0_i32 = arith.constant 0 : i32
    %c0_i32_0 = arith.constant 0 : i32
    %c0_i32_1 = arith.constant 0 : i32
    return %c0_i32, %c0_i32_0 : i32, i32
  }
  func.func @transform_9(%arg0: i32) -> (i32, i32) {
    %c0_i32 = arith.constant 0 : i32
    %c0_i32_0 = arith.constant 0 : i32
    %c0_i32_1 = arith.constant 0 : i32
    return %c0_i32, %c0_i32_0 : i32, i32
  }
  func.func @transform_10(%arg0: i32) -> (i32, i32) {
    %c0_i32 = arith.constant 0 : i32
    %c0_i32_0 = arith.constant 0 : i32
    %c0_i32_1 = arith.constant 0 : i32
    return %c0_i32, %c0_i32_0 : i32, i32
  }
  func.func @transform_11(%arg0: i32) -> (i32, i32) {
    %c0_i32 = arith.constant 0 : i32
    %c0_i32_0 = arith.constant 0 : i32
    %c0_i32_1 = arith.constant 0 : i32
    return %c0_i32, %c0_i32_0 : i32, i32
  }
  func.func @transform_12(%arg0: i32) -> (i32, i32) {
    %c0_i32 = arith.constant 0 : i32
    %c0_i32_0 = arith.constant 0 : i32
    %c0_i32_1 = arith.constant 0 : i32
    return %c0_i32, %c0_i32_0 : i32, i32
  }
  func.func @transform_13(%arg0: i32) -> (i32, i32) {
    %c0_i32 = arith.constant 0 : i32
    %c0_i32_0 = arith.constant 0 : i32
    %c0_i32_1 = arith.constant 0 : i32
    return %c0_i32, %c0_i32_0 : i32, i32
  }
  func.func @transform_14(%arg0: i32) -> (i32, i32) {
    %c0_i32 = arith.constant 0 : i32
    %c0_i32_0 = arith.constant 0 : i32
    %c0_i32_1 = arith.constant 0 : i32
    return %c0_i32, %c0_i32_0 : i32, i32
  }
  func.func @transform_15(%arg0: i32) -> (i32, i32) {
    %c0_i32 = arith.constant 0 : i32
    %c0_i32_0 = arith.constant 0 : i32
    %c0_i32_1 = arith.constant 0 : i32
    return %c0_i32, %c0_i32_0 : i32, i32
  }
  func.func @transform_16(%arg0: i32) -> (i32, i32) {
    %c0_i32 = arith.constant 0 : i32
    %c0_i32_0 = arith.constant 0 : i32
    %c0_i32_1 = arith.constant 0 : i32
    return %c0_i32, %c0_i32_0 : i32, i32
  }
}

</mosaic_0001>

<sc_bundles>
// kernel: kernel.10.cloned.1.call-start
scs
__scs_entry_jumppad:
0x0: {  	(pc) =	sbr.rel $0x88, $3  }
0x1: {  	(tag) =	ssettag $0x0;
	lr =	simm.s32 $0x1  }
0x2: {  	[smem:$0x3F88] =	sst lr;
	_ =	strace $0xD0000000  }
0x3: {  	_ = 	snop  }
0x4: {  	_ = 	snop  }
0x5: {  	_ = 	snop  }
0x6: {  	_ = 	snop  }
0x7: {  	_ = 	snop  }
__scs_overlays_trampoline_lowered:
0x8: {  	[smem:$0x3F97] =	sst s0  }
0x9: {  	[smem:$0x3F98] =	sst s1  }
0xa: {  	[smem:$0x3F99] =	sst s2  }
0xb: {  	[smem:$0x3F9A] =	sst s3  }
0xc: {  	[smem:$0x3F9B] =	sst s4  }
0xd: {  	[smem:$0x3F9C] =	sst s5  }
0xe: {  	[smem:$0x3F9D] =	sst s6  }
0xf: {  	[smem:$0x3F9E] =	sst s7  }
0x10: {  	[smem:$0x3F9F] =	sst s8  }
0x11: {  	[smem:$0x3FA0] =	sst s9;
	s0 =	simm.s32 @!p0 $0x0  }
0x12: {  	s1 =	sld [smem:$0x3F86];
	s0 =	simm.s32 @p0 $0x1  }
0x13: {  	[smem:$0x3FA1] =	sst s0;
	s0 =	simm.s32 @!p1 $0x0  }
0x14: {  	s2 =	sld [smem:$0x3F85];
	s0 =	simm.s32 @p1 $0x1  }
0x15: {  	[smem:$0x3FA2] =	sst s0;
	s0 =	simm.s32 @!p2 $0x0  }
0x16: {  	s3 =	sld [smem:$0x3FDB];
	s0 =	simm.s32 @p2 $0x1  }
0x17: {  	s4 =	simm.s32 $0x1BF5;
	[smem:$0x3FA4] =	sst s0  }
0x18: {  	s0 =	sld [smem:$0x3F87];
	_ =	swait.ge [sflag:s4], $0x0  }
0x19: {  	s7 =	sld [smem:$0x3F88]  }
0x1a: {  	s8 =	sadd.s32 $0xFFFFE003, lr  }
0x1b: {  	s9 =	sadd.s32 $0xFFFFFEF7, lr;
	s5 =	simm.s32 $0xFFFFFFFF;
	p2 =	slt.u32 s8, $0xFFFFF086  }
0x1c: {  	p1 =	slt.u32 s9, $0xF7A;
	s5 =	simm.s32 @!p2 $0x0  }
0x1d: {  	s5 =	simm.s32 @p1 $0x1;
	p0 =	seq.s32 s7, s2  }
0x1e: {  	s7 =	smul.u32 @!p0 $0xF7A, s2;
	p2 =	seq.s32 @!p0 s5, $0x0  }
0x1f: {  	s9 =	smul.u32 $0xF7A, s1;
	s8 =	simm.s32 @!p0 $0x1BF5;
	p2 =	por !p2, p0  }
0x20: {  	[sflag:s8] =	ssyncset.s32 @!p0 $0xFFFFF086;
	s6 =	sadd.s32 @!p0 s3, s7;
	s7 =	simm.s32 @!p0 $0x108  }
0x21: {  	s3 =	sadd.s32 s3, s9;
	s6 =	sadd.s32 @!p0 $0x88, s6;
	s7 =	simm.s32 @p2 $0x1082  }
0x22: {  	[simem:s7], [sflag:s8] =	dma.local @!p0 [hbm:s6], $0xF7A  }
0x23: {  	s9 =	sor.u32 $0xD0000000, s2;
	s6 =	simm.s32 $0x108;
	_ =	swait.ge @!p0 [sflag:s8], $0x0  }
0x24: {  	s3 =	sadd.s32 $0x88, s3;
	s6 =	simm.s32 @!p1 $0x1082;
	[sflag:s4] =	ssyncset.s32 $0xFFFFF086  }
0x25: {  	[simem:s6], [sflag:s4] =	dma.local [hbm:s3], $0xF7A  }
0x26: {  	[smem:$0x3F88] =	sst s1;
	(tag) =	ssettag s2;
	_ =	strace s9  }
0x27: {  	s1 =	sld [smem:$0x3F98]  }
0x28: {  	s2 =	sld [smem:$0x3F99]  }
0x29: {  	s4 =	sld [smem:$0x3F9B]  }
0x2a: {  	p0 =	seq.s32 s5, $0x0;
	s5 =	sld [smem:$0x3F9C]  }
0x2b: {  	s6 =	sld [smem:$0x3F9D]  }
0x2c: {  	s7 =	sld [smem:$0x3F9E]  }
0x2d: {  	s3 =	simm.s32 $0x108;
	s8 =	sld [smem:$0x3F9F]  }
0x2e: {  	s3 =	simm.s32 @!p0 $0x1082;
	s9 =	sld [smem:$0x3FA0]  }
0x2f: {  	lr =	sadd.s32 s0, s3;
	s0 =	sld [smem:$0x3F97]  }
0x30: {  	s3 =	sld [smem:$0x3F9A]  }
0x31: {  	[smem:$0x3FA3] =	sst s10  }
0x32: {  	s10 =	sld [smem:$0x3FA1];
	_ =	sdelay $0x3  }
0x33: {  	p0 =	seq.s32 s10, $0x1;
	s10 =	sld [smem:$0x3FA3];
	_ =	sdelay $0x3  }
0x34: {  	[smem:$0x3FA3] =	sst s10  }
0x35: {  	s10 =	sld [smem:$0x3FA2];
	_ =	sdelay $0x3  }
0x36: {  	p1 =	seq.s32 s10, $0x1;
	s10 =	sld [smem:$0x3FA3];
	_ =	sdelay $0x3  }
0x37: {  	[smem:$0x3FA3] =	sst s10  }
0x38: {  	s10 =	sld [smem:$0x3FA4]  }
0x39: {  	_ = 	snop;
	(pc) =	sbr.ind lr, $3  }
0x3a: {  	_ = 	snop  }
0x3b: {  	_ = 	snop  }
0x3c: {  	p2 =	seq.s32 s10, $0x1;
	s10 =	sld [smem:$0x3FA3]  }
0x3d: {  	_ =	shalt  }
0x3e: {  	_ =	shalt  }
0x3f: {  	_ =	shalt  }
0x40: {  	_ =	shalt  }
0x41: {  	_ =	shalt  }
0x42: {  	_ =	shalt  }
0x43: {  	_ =	shalt  }
0x44: {  	_ =	shalt  }
0x45: {  	_ =	shalt  }
0x46: {  	_ =	shalt  }
0x47: {  	_ =	shalt  }
0x48: {  	_ =	shalt  }
0x49: {  	_ =	shalt  }
0x4a: {  	_ =	shalt  }
0x4b: {  	_ =	shalt  }
0x4c: {  	_ =	shalt  }
0x4d: {  	_ =	shalt  }
0x4e: {  	_ =	shalt  }
0x4f: {  	_ =	shalt  }
0x50: {  	_ =	shalt  }
0x51: {  	_ =	shalt  }
0x52: {  	_ =	shalt  }
0x53: {  	_ =	shalt  }
0x54: {  	_ =	shalt  }
0x55: {  	_ =	shalt  }
0x56: {  	_ =	shalt  }
0x57: {  	_ =	shalt  }
0x58: {  	_ =	shalt  }
0x59: {  	_ =	shalt  }
0x5a: {  	_ =	shalt  }
0x5b: {  	_ =	shalt  }
0x5c: {  	_ =	shalt  }
0x5d: {  	_ =	shalt  }
0x5e: {  	_ =	shalt  }
0x5f: {  	_ =	shalt  }
0x60: {  	_ =	shalt  }
0x61: {  	_ =	shalt  }
0x62: {  	_ =	shalt  }
0x63: {  	_ =	shalt  }
0x64: {  	_ =	shalt  }
0x65: {  	_ =	shalt  }
0x66: {  	_ =	shalt  }
0x67: {  	_ =	shalt  }
0x68: {  	_ =	shalt  }
0x69: {  	_ =	shalt  }
0x6a: {  	_ =	shalt  }
0x6b: {  	_ =	shalt  }
0x6c: {  	_ =	shalt  }
0x6d: {  	_ =	shalt  }
0x6e: {  	_ =	shalt  }
0x6f: {  	_ =	shalt  }
0x70: {  	_ =	shalt  }
0x71: {  	_ =	shalt  }
0x72: {  	_ =	shalt  }
0x73: {  	_ =	shalt  }
0x74: {  	_ =	shalt  }
0x75: {  	_ =	shalt  }
0x76: {  	_ =	shalt  }
0x77: {  	_ =	shalt  }
0x78: {  	_ =	shalt  }
0x79: {  	_ =	shalt  }
0x7a: {  	_ =	shalt  }
0x7b: {  	_ =	shalt  }
0x7c: {  	_ =	shalt  }
0x7d: {  	_ =	shalt  }
0x7e: {  	_ =	shalt  }
0x7f: {  	_ =	shalt  }
0x80: {  	_ =	shalt  }
0x81: {  	_ =	shalt  }
0x82: {  	_ =	shalt  }
0x83: {  	_ =	shalt  }
0x84: {  	_ =	shalt  }
0x85: {  	_ =	shalt  }
0x86: {  	_ =	shalt  }
0x87: {  	_ =	shalt  }
.Lfunc_end0:
.L_simem_size_0:
called_computation_lowered:
.L_overlay_start_0:
0x88: {  	s2 =	sld [smem:$0x3FD9]  }
0x89: {  	s3 =	sld [smem:$0x3FFE];
	_ =	sdelay $0x1  }
0x8a: {  	s1 =	srdreg.scid  }
0x8b: {  	s0 =	sand.u32 $0x1, s1  }
0x8c: {  	s16 =	sshll.u32 s0, $0xA;
	s2 =	sadd.s32 s3, s2  }
0x8d: {  	s2 =	sadd.s32 s2, s16  }
0x8e: {  	[smem:$0x3FAF] =	sst s2  }
0x8f: {  	_ = 	snop  }
0x90: {  	(tm) =	ssettm $0x1  }
0x91: {  	s17 =	sld [smem:$0x3FFB];
	_ =	sdelay $0x3  }
0x92: {  	_ =	strace s17  }
0x93: {  	s2 =	sld [smem:$0x3FFC];
	_ =	sdelay $0x3  }
0x94: {  	_ =	strace s2  }
0x95: {  	s2 =	sld [smem:$0x3FFD];
	_ =	sdelay $0x3  }
0x96: {  	_ =	strace s2  }
0x97: {  	_ =	strace $0x8FFFFFFF  }
0x98: {  	s18 =	sld [smem:$0x3FDB];
	_ =	sdelay $0x1  }
0x99: {  	s19 =	simm.s32 $_scs_section_size  }
0x9a: {  	s4 =	simm.s32 $_size__tile_overlayer_lowered;
	s5 =	simm.s32 $_tile_overlayer_lowered  }
0x9b: {  	s22 =	simm.s32 $0x1BFF;
	s21 =	sshll.u32 s5, $0x1;
	s2 =	sadd.s32 s19, s18  }
0x9c: {  	s6 =	simm.s32 $0x0;
	s20 =	sshll.u32 s4, $0x1;
	s4 =	sadd.s32 s21, s2  }
0x9d: {  	[timem:s6], [sflag:s22] =	dma.local [hbm:s4], s20  }
0x9e: {  	_ =	swait.ge [sflag:s22], s20  }
0x9f: {  	s3 =	ssub.s32 $0x0, s20;
	[sflag:s22] =	ssyncset.done $0x0  }
0xa0: {  	[sflag:s22] =	ssyncadd.s32 s3;
	_ =	sdelay $0x1  }
0xa1: {  	s23 =	simm.s32 $0x1B8B  }
0xa2: {  	_ =	swait.ge [sflag:s23], $0x1  }
0xa3: {  	[sflag:s23] =	ssyncset.done $0x0  }
0xa4: {  	s25 =	simm.s32 $0x1B8E;
	s24 =	sld [smem:$0x3FFE];
	[sflag:s23] =	ssyncadd.s32 $0xFFFFFFFF  }
0xa5: {  	s26 =	simm.s32 $execute0_lowered;
	[smem:$0x3FD2] =	sst s25  }
0xa6: {  	s4 =	sshll.u32 s26, $0x1;
	_ =	strace $0x80000046;
	[dreg:$0x1] =	wrdreg $0xFFFFFFFF  }
0xa7: {  	s28 =	simm.s32 $_size_execute0_lowered;
	s2 =	sadd.s32 s2, s4;
	[dreg:$0x0] =	wrdreg $0x0  }
0xa8: {  	s4 =	sshll.u32 s28, $0x1;
	[dreg:$0x2] =	wrdreg s2  }
0xa9: {  	[dreg:$0x3] =	wrdreg s4  }
0xaa: {  	[dreg:$0x4] =	wrdreg $0xC0  }
0xab: {  	_ =	task [dreg:s6], $0x5FFFF  }
0xac: {  	[dreg:$0x1] =	wrdreg $0xFFFFFFFF  }
0xad: {  	[dreg:$0x0] =	wrdreg $0x60  }
0xae: {  	[dreg:$0x2] =	wrdreg s24  }
0xaf: {  	[dreg:$0x3] =	wrdreg $0x29000  }
0xb0: {  	[dreg:$0x4] =	wrdreg $0x9  }
0xb1: {  	_ =	task.clear_ibuf [dreg:s6], $0x5FFFF;
	_ =	strace $0x90000046  }
0xb2: {  	s29 =	simm.s32 $0x9;
	_ =	strace $0x80000048  }
0xb3: {  	_ =	swait.ge [sflag:s29], $0x1  }
0xb4: {  	[sflag:s29] =	ssyncadd.s32 $0xFFFFFFFF  }
0xb5: {  	_ =	strace $0x90000048  }
0xb6: {  	_ =	sfence  }
0xb7: {  	s30 =	sld [smem:$0x0];
	_ =	sdelay $0x2  }
0xb8: {  	s31 =	sshll.u32 s1, $0xD;
	s1 =	sshrl.u32 s1, $0x2  }
0xb9: {  	s3 =	sand.u32 $0x4000, s31;
	s1 =	sadd.s32 s1, s30  }
0xba: {  	s0 =	sor.u32 s3, s0;
	s1 =	sshll.u32 s1, $0x11  }
0xbb: {  	s0 =	sor.u32 s1, s0  }
0xbc: {  	s0 =	sadd.s32 $0x8F2B, s0  }
0xbd: {  	[sflag:s0] =	ssyncadd.remote.s32 $0x1  }
0xbe: {  	_ =	sfence.sel $0xFFFF  }
0xbf: {  	[dreg:$0x0] =	wrdreg $0xFFFFFFFF;
	(pc) =	sbr.abs _section_cstart, $3  }
0xc0: {  	[dreg:$0x1] =	wrdreg $0xFFFFFFFF  }
0xc1: {  	_ =	task.clear_ibuf [dreg:s6], $0x2FFFF;
	_ =	strace $0x9FFFFFFF  }
0xc2: {  	(tm) =	ssettm $0x7FFFFFFF  }
0xc3: {  	_ =	shalt  }
tec
execute0_lowered:
.L_overlay_start_1:
0x0: {  	(tag) =	ssettag $0x1  }
0x1: {  	s6 =	rddreg [dreg:$0x0]  }
0x2: {  	s2 =	rddreg [dreg:$0x1]  }
0x3: {  	s0 =	rddreg [dreg:$0x2];
	s3 =	simm.s32 $0x0  }
0x4: {  	s1 =	stileid.u32;
	s4 =	srdreg.scid;
	s11 =	simm.s32 $0x6B000  }
0x5: {  	s13 =	simm.s32 $0x80;
	s14 =	simm.s32 $0x50;
	s15 =	simm.s32 $0x100  }
0x6: {  	s16 =	simm.s32 $0x1;
	s17 =	simm.s32 $0x0;
	s5 =	smul.u32 $0x9C4, s1  }
0x7: {  	[smem:$0x7FF] =	sst s3;
	s7 =	sand.u32 $0x1, s4;
	s9 =	smul.u32 $0x50000, s1  }
0x8: {  	s4 =	sadd.s32 $0x1B000, s6;
	s30 =	smul.u32 $0x2800, s1;
	s31 =	sshll.u32 s1, $0x6  }
0x9: {  	_ =	strace $0x80000047;
	s8 =	ssub.s32 $0x2, s7;
	p0 =	seq.s32 s7, $0x0  }
0xa: {  	s7 =	sor.u32 $0x1C02, s31;
	s10 =	sadd.s32 s5, s6;
	s28 =	sshrl.u32 s8, $0x1  }
0xb: {  	s29 =	sshrl.u32 s9, $0x2;
	s11 =	simm.s32 @!p0 $0x43000;
	s5 =	sadd.s32 s4, s30  }
0xc: {  	s8 =	ssub.s32 s8, s28;
	s12 =	sadd.s32 s29, s2;
	s11 =	sadd.s32 s11, s6  }
0xd: {  	s9 =	sadd.s32 $0x7400, s10;
	s10 =	sadd.s32 $0x11200, s10;
	s6 =	smax.u32 s8, $0x1  }
0xe: {  	s8 =	sadd.s32 s11, s30;
	s11 =	sshrl.u32 s12, $0x3;
	s12 =	simm.s32 $0x2  }
.LBB2_1:
0xf: {  	[spmem:s11], [sflag:s7] =	dma.local [hbm:s5], $0x2800  }
0x10: {  	_ =	swait.ge [sflag:s12], $0x2800  }
0x11: {  	[sflag:s12] =	ssyncset.done $0x0  }
0x12: {  	[sflag:s12] =	ssyncadd.s32 $0xFFFFD800  }
0x13: {  	s18 =	sadd.s32 $0x0, s10;
	[bflag:$0x0] =	sbarrier.arrive $0xFFFF  }
0x14: {  	[tilespmem:s3], [sflag:$0x2] =	stream.linear.gather [hbm4b:s18+s3], $0x50, $0x38;
	[tilespmem:$0x16900] =	vst v63  }
0x15: {  	_ =	swait.ge [sflag:s12], $0x50  }
0x16: {  	[sflag:s12] =	ssyncset.done $0x0  }
0x17: {  	s31 =	sadd.s32 $0x0, s9;
	[sflag:s12] =	ssyncadd.s32 $0xFFFFFFB0  }
0x18: {  	[tilespmem:s13], [sflag:$0x2] =	stream.linear.gather [hbm4b:s31+s3], $0x50, $0x38;
	[tilespmem:$0x16900] =	vst v63  }
0x19: {  	_ =	swait.ge [sflag:s12], $0x50  }
0x1a: {  	[sflag:s12] =	ssyncset.done $0x0  }
0x1b: {  	[sflag:s12] =	ssyncadd.s32 $0xFFFFFFB0  }
0x1c: {  	[tilespmem:s15], [sflag:$0x1] =	stream.indirect.gather [hbm4b:s4+s14], $0x80, s3, s14, $0xb8;
	[tilespmem:$0x16900] =	vst v63  }
0x1d: {  	_ =	swait.ge [sflag:s16], $0x2800  }
0x1e: {  	[sflag:s16] =	ssyncset.done $0x0  }
0x1f: {  	[sflag:s16] =	ssyncadd.s32 $0xFFFFD800  }
0x20: {  	[spmem:s2] =	stream.indirect.scatter.add.f32 [tilespmem:s15], [sflag:$0x1], $0x80, s13, s14, $0xb8;
	[tilespmem:$0x16900] =	vst v63  }
0x21: {  	_ =	swait.ge [sflag:s16], $0x2800  }
0x22: {  	s19 =	simm.s32 $0x14;
	s18 =	simm.s32 $0xA;
	[sflag:s16] =	ssyncset.done $0x0  }
.LBB2_2:
0x23: {  	s20 =	sadd.s32 s18, s10  }
0x24: {  	[sflag:s16] =	ssyncadd.s32 $0xFFFFD800;
	s21 =	smov.u32 s19;
	s22 =	sadd.s32 $0xA, s19  }
0x25: {  	[tilespmem:s3], [sflag:$0x2] =	stream.linear.gather [hbm4b:s20+s3], $0x50, $0x38;
	[tilespmem:$0x16900] =	vst v63  }
0x26: {  	p0 =	sne.s32 s19, $0x9BA;
	_ =	swait.ge [sflag:s12], $0x50  }
0x27: {  	[sflag:s12] =	ssyncset.done $0x0  }
0x28: {  	s19 =	sadd.s32 s18, s9;
	s18 =	smov.u32 s21;
	[sflag:s12] =	ssyncadd.s32 $0xFFFFFFB0  }
0x29: {  	[tilespmem:s13], [sflag:$0x2] =	stream.linear.gather [hbm4b:s19+s3], $0x50, $0x38;
	[tilespmem:$0x16900] =	vst v63  }
0x2a: {  	_ =	swait.ge [sflag:s12], $0x50  }
0x2b: {  	[sflag:s12] =	ssyncset.done $0x0  }
0x2c: {  	[sflag:s12] =	ssyncadd.s32 $0xFFFFFFB0  }
0x2d: {  	[tilespmem:s15], [sflag:$0x1] =	stream.indirect.gather [hbm4b:s4+s14], $0x80, s3, s14, $0xb8;
	[tilespmem:$0x16900] =	vst v63  }
0x2e: {  	_ =	swait.ge [sflag:s16], $0x2800  }
.Ltmp0:
0x2f: {  	[sflag:s16] =	ssyncset.done $0x0;
	(pc) =	sbr.rel @p0 .LBB2_2-.Ltmp0, $4  }
0x30: {  	[sflag:s16] =	ssyncadd.s32 $0xFFFFD800  }
0x31: {  	[spmem:s2] =	stream.indirect.scatter.add.f32 [tilespmem:s15], [sflag:$0x1], $0x80, s13, s14, $0xb8;
	[tilespmem:$0x16900] =	vst v63  }
0x32: {  	_ =	swait.ge [sflag:s16], $0x2800  }
0x33: {  	s19 =	smov.u32 s22;
	[sflag:s16] =	ssyncset.done $0x0  }
0x34: {  	s19 =	sadd.s32 s18, s10;
	[sflag:s16] =	ssyncadd.s32 $0xFFFFD800  }
0x35: {  	[tilespmem:s3], [sflag:$0x2] =	stream.linear.gather [hbm4b:s19+s3], $0x50, $0x38;
	[tilespmem:$0x16900] =	vst v63  }
0x36: {  	_ =	swait.ge [sflag:s12], $0x50  }
0x37: {  	[sflag:s12] =	ssyncset.done $0x0  }
0x38: {  	s31 =	sadd.s32 s18, s9;
	[sflag:s12] =	ssyncadd.s32 $0xFFFFFFB0  }
0x39: {  	[tilespmem:s13], [sflag:$0x2] =	stream.linear.gather [hbm4b:s31+s3], $0x50, $0x38;
	[tilespmem:$0x16900] =	vst v63  }
0x3a: {  	_ =	swait.ge [sflag:s12], $0x50  }
0x3b: {  	[sflag:s12] =	ssyncset.done $0x0  }
0x3c: {  	[sflag:s12] =	ssyncadd.s32 $0xFFFFFFB0  }
0x3d: {  	[tilespmem:s15], [sflag:$0x1] =	stream.indirect.gather [hbm4b:s4+s14], $0x80, s3, s14, $0xb8;
	[tilespmem:$0x16900] =	vst v63  }
0x3e: {  	_ =	swait.ge [sflag:s16], $0x2800  }
0x3f: {  	[sflag:s16] =	ssyncset.done $0x0  }
0x40: {  	[sflag:s16] =	ssyncadd.s32 $0xFFFFD800  }
0x41: {  	[spmem:s2] =	stream.indirect.scatter.add.f32 [tilespmem:s15], [sflag:$0x1], $0x80, s13, s14, $0xb8;
	[tilespmem:$0x16900] =	vst v63  }
0x42: {  	_ =	swait.ge [sflag:s16], $0x2800  }
0x43: {  	s17 =	sadd.s32 $0x1, s17;
	[sflag:s16] =	ssyncset.done $0x0  }
0x44: {  	p0 =	sne.s32 s17, s6;
	[sflag:s16] =	ssyncadd.s32 $0xFFFFD800  }
.Ltmp1:
0x45: {  	[bflag:$0x0] =	sbarrier.arrive $0xFFFF;
	(pc) =	sbr.rel @p0 .LBB2_1-.Ltmp1, $4  }
0x46: {  	[hbm:s8], [sflag:s7] =	dma.local [spmem:s11], $0x2800  }
0x47: {  	_ =	swait.ge [sflag:s12], $0x2800  }
0x48: {  	[sflag:s12] =	ssyncset.done $0x0  }
0x49: {  	[sflag:s12] =	ssyncadd.s32 $0xFFFFD800  }
0x4a: {  	_ =	sfence.sel $0x180000  }
0x4b: {  	[bflag:$0x0] =	sbarrier.arrive $0xFFFF  }
0x4c: {  	p0 =	sne.s32 s1, $0x0;
	_ =	strace $0x90000047  }
0x4d: {  	s0 =	sadd.s32 @!p0 $0x100000, s0;
	[bflag:$0x2] =	sbarrier.arrive $0xFFFF  }
0x4e: {  	[sflag:s0] =	ssyncadd.tile.s32 @!p0 $0x1;
	_ =	shalt  }
.Lfunc_end2:
_tile_overlayer_lowered:
.L_overlay_start_2:
0x4f: {  	(tag) =	ssettag $0x2  }
0x50: {  	s0 =	rddreg [dreg:$0x0];
	s2 =	stileid.u32  }
0x51: {  	s1 =	rddreg [dreg:$0x1];
	p0 =	sne.s32 s2, $0x0  }
0x52: {  	s3 =	rddreg [dreg:$0x2];
	[bflag:$0x3] =	sbarrier.arrive $0xFFFF;
	s2 =	simm.s32 @!p0 $0x1C02  }
0x53: {  	[timem:s3], [sflag:s2] =	dma.local @!p0 [hbm:s0], s1  }
0x54: {  	s0 =	simm.s32 @!p0 $0x2  }
0x55: {  	_ =	swait.ge @!p0 [sflag:s0], s1  }
0x56: {  	s1 =	ssub.s32 @!p0 $0x0, s1;
	[sflag:s0] =	ssyncset.done @!p0 $0x0  }
0x57: {  	[sflag:s0] =	ssyncadd.s32 @!p0 s1  }
0x58: {  	[bflag:$0x3] =	sbarrier.arrive $0xFFFF  }
0x59: {  	_ =	shalt  }

// kernel: kernel.13.cloned.1.call-start
scs
__scs_entry_jumppad:
0x0: {  	(pc) =	sbr.rel $0x88, $3  }
0x1: {  	(tag) =	ssettag $0x0;
	lr =	simm.s32 $0x1  }
0x2: {  	[smem:$0x3F88] =	sst lr;
	_ =	strace $0xD0000000  }
0x3: {  	_ = 	snop  }
0x4: {  	_ = 	snop  }
0x5: {  	_ = 	snop  }
0x6: {  	_ = 	snop  }
0x7: {  	_ = 	snop  }
__scs_overlays_trampoline_lowered:
0x8: {  	[smem:$0x3F97] =	sst s0  }
0x9: {  	[smem:$0x3F98] =	sst s1  }
0xa: {  	[smem:$0x3F99] =	sst s2  }
0xb: {  	[smem:$0x3F9A] =	sst s3  }
0xc: {  	[smem:$0x3F9B] =	sst s4  }
0xd: {  	[smem:$0x3F9C] =	sst s5  }
0xe: {  	[smem:$0x3F9D] =	sst s6  }
0xf: {  	[smem:$0x3F9E] =	sst s7  }
0x10: {  	[smem:$0x3F9F] =	sst s8  }
0x11: {  	[smem:$0x3FA0] =	sst s9;
	s0 =	simm.s32 @!p0 $0x0  }
0x12: {  	s1 =	sld [smem:$0x3F86];
	s0 =	simm.s32 @p0 $0x1  }
0x13: {  	[smem:$0x3FA1] =	sst s0;
	s0 =	simm.s32 @!p1 $0x0  }
0x14: {  	s2 =	sld [smem:$0x3F85];
	s0 =	simm.s32 @p1 $0x1  }
0x15: {  	[smem:$0x3FA2] =	sst s0;
	s0 =	simm.s32 @!p2 $0x0  }
0x16: {  	s3 =	sld [smem:$0x3FDB];
	s0 =	simm.s32 @p2 $0x1  }
0x17: {  	s4 =	simm.s32 $0x1BF5;
	[smem:$0x3FA4] =	sst s0  }
0x18: {  	s0 =	sld [smem:$0x3F87];
	_ =	swait.ge [sflag:s4], $0x0  }
0x19: {  	s7 =	sld [smem:$0x3F88]  }
0x1a: {  	s8 =	sadd.s32 $0xFFFFE003, lr  }
0x1b: {  	s9 =	sadd.s32 $0xFFFFFEF7, lr;
	s5 =	simm.s32 $0xFFFFFFFF;
	p2 =	slt.u32 s8, $0xFFFFF086  }
0x1c: {  	p1 =	slt.u32 s9, $0xF7A;
	s5 =	simm.s32 @!p2 $0x0  }
0x1d: {  	s5 =	simm.s32 @p1 $0x1;
	p0 =	seq.s32 s7, s2  }
0x1e: {  	s7 =	smul.u32 @!p0 $0xF7A, s2;
	p2 =	seq.s32 @!p0 s5, $0x0  }
0x1f: {  	s9 =	smul.u32 $0xF7A, s1;
	s8 =	simm.s32 @!p0 $0x1BF5;
	p2 =	por !p2, p0  }
0x20: {  	[sflag:s8] =	ssyncset.s32 @!p0 $0xFFFFF086;
	s6 =	sadd.s32 @!p0 s3, s7;
	s7 =	simm.s32 @!p0 $0x108  }
0x21: {  	s3 =	sadd.s32 s3, s9;
	s6 =	sadd.s32 @!p0 $0x88, s6;
	s7 =	simm.s32 @p2 $0x1082  }
0x22: {  	[simem:s7], [sflag:s8] =	dma.local @!p0 [hbm:s6], $0xF7A  }
0x23: {  	s9 =	sor.u32 $0xD0000000, s2;
	s6 =	simm.s32 $0x108;
	_ =	swait.ge @!p0 [sflag:s8], $0x0  }
0x24: {  	s3 =	sadd.s32 $0x88, s3;
	s6 =	simm.s32 @!p1 $0x1082;
	[sflag:s4] =	ssyncset.s32 $0xFFFFF086  }
0x25: {  	[simem:s6], [sflag:s4] =	dma.local [hbm:s3], $0xF7A  }
0x26: {  	[smem:$0x3F88] =	sst s1;
	(tag) =	ssettag s2;
	_ =	strace s9  }
0x27: {  	s1 =	sld [smem:$0x3F98]  }
0x28: {  	s2 =	sld [smem:$0x3F99]  }
0x29: {  	s4 =	sld [smem:$0x3F9B]  }
0x2a: {  	p0 =	seq.s32 s5, $0x0;
	s5 =	sld [smem:$0x3F9C]  }
0x2b: {  	s6 =	sld [smem:$0x3F9D]  }
0x2c: {  	s7 =	sld [smem:$0x3F9E]  }
0x2d: {  	s3 =	simm.s32 $0x108;
	s8 =	sld [smem:$0x3F9F]  }
0x2e: {  	s3 =	simm.s32 @!p0 $0x1082;
	s9 =	sld [smem:$0x3FA0]  }
0x2f: {  	lr =	sadd.s32 s0, s3;
	s0 =	sld [smem:$0x3F97]  }
0x30: {  	s3 =	sld [smem:$0x3F9A]  }
0x31: {  	[smem:$0x3FA3] =	sst s10  }
0x32: {  	s10 =	sld [smem:$0x3FA1];
	_ =	sdelay $0x3  }
0x33: {  	p0 =	seq.s32 s10, $0x1;
	s10 =	sld [smem:$0x3FA3];
	_ =	sdelay $0x3  }
0x34: {  	[smem:$0x3FA3] =	sst s10  }
0x35: {  	s10 =	sld [smem:$0x3FA2];
	_ =	sdelay $0x3  }
0x36: {  	p1 =	seq.s32 s10, $0x1;
	s10 =	sld [smem:$0x3FA3];
	_ =	sdelay $0x3  }
0x37: {  	[smem:$0x3FA3] =	sst s10  }
0x38: {  	s10 =	sld [smem:$0x3FA4]  }
0x39: {  	_ = 	snop;
	(pc) =	sbr.ind lr, $3  }
0x3a: {  	_ = 	snop  }
0x3b: {  	_ = 	snop  }
0x3c: {  	p2 =	seq.s32 s10, $0x1;
	s10 =	sld [smem:$0x3FA3]  }
0x3d: {  	_ =	shalt  }
0x3e: {  	_ =	shalt  }
0x3f: {  	_ =	shalt  }
0x40: {  	_ =	shalt  }
0x41: {  	_ =	shalt  }
0x42: {  	_ =	shalt  }
0x43: {  	_ =	shalt  }
0x44: {  	_ =	shalt  }
0x45: {  	_ =	shalt  }
0x46: {  	_ =	shalt  }
0x47: {  	_ =	shalt  }
0x48: {  	_ =	shalt  }
0x49: {  	_ =	shalt  }
0x4a: {  	_ =	shalt  }
0x4b: {  	_ =	shalt  }
0x4c: {  	_ =	shalt  }
0x4d: {  	_ =	shalt  }
0x4e: {  	_ =	shalt  }
0x4f: {  	_ =	shalt  }
0x50: {  	_ =	shalt  }
0x51: {  	_ =	shalt  }
0x52: {  	_ =	shalt  }
0x53: {  	_ =	shalt  }
0x54: {  	_ =	shalt  }
0x55: {  	_ =	shalt  }
0x56: {  	_ =	shalt  }
0x57: {  	_ =	shalt  }
0x58: {  	_ =	shalt  }
0x59: {  	_ =	shalt  }
0x5a: {  	_ =	shalt  }
0x5b: {  	_ =	shalt  }
0x5c: {  	_ =	shalt  }
0x5d: {  	_ =	shalt  }
0x5e: {  	_ =	shalt  }
0x5f: {  	_ =	shalt  }
0x60: {  	_ =	shalt  }
0x61: {  	_ =	shalt  }
0x62: {  	_ =	shalt  }
0x63: {  	_ =	shalt  }
0x64: {  	_ =	shalt  }
0x65: {  	_ =	shalt  }
0x66: {  	_ =	shalt  }
0x67: {  	_ =	shalt  }
0x68: {  	_ =	shalt  }
0x69: {  	_ =	shalt  }
0x6a: {  	_ =	shalt  }
0x6b: {  	_ =	shalt  }
0x6c: {  	_ =	shalt  }
0x6d: {  	_ =	shalt  }
0x6e: {  	_ =	shalt  }
0x6f: {  	_ =	shalt  }
0x70: {  	_ =	shalt  }
0x71: {  	_ =	shalt  }
0x72: {  	_ =	shalt  }
0x73: {  	_ =	shalt  }
0x74: {  	_ =	shalt  }
0x75: {  	_ =	shalt  }
0x76: {  	_ =	shalt  }
0x77: {  	_ =	shalt  }
0x78: {  	_ =	shalt  }
0x79: {  	_ =	shalt  }
0x7a: {  	_ =	shalt  }
0x7b: {  	_ =	shalt  }
0x7c: {  	_ =	shalt  }
0x7d: {  	_ =	shalt  }
0x7e: {  	_ =	shalt  }
0x7f: {  	_ =	shalt  }
0x80: {  	_ =	shalt  }
0x81: {  	_ =	shalt  }
0x82: {  	_ =	shalt  }
0x83: {  	_ =	shalt  }
0x84: {  	_ =	shalt  }
0x85: {  	_ =	shalt  }
0x86: {  	_ =	shalt  }
0x87: {  	_ =	shalt  }
.Lfunc_end0:
.L_simem_size_0:
called_computation.1_lowered:
.L_overlay_start_0:
0x88: {  	s2 =	sld [smem:$0x3FD9]  }
0x89: {  	s3 =	sld [smem:$0x3FFE];
	_ =	sdelay $0x1  }
0x8a: {  	s1 =	srdreg.scid  }
0x8b: {  	s0 =	sand.u32 $0x1, s1  }
0x8c: {  	s16 =	sshll.u32 s0, $0xA;
	s2 =	sadd.s32 s3, s2  }
0x8d: {  	s2 =	sadd.s32 s2, s16  }
0x8e: {  	[smem:$0x3FAF] =	sst s2  }
0x8f: {  	_ = 	snop  }
0x90: {  	(tm) =	ssettm $0x1  }
0x91: {  	s17 =	sld [smem:$0x3FFB];
	_ =	sdelay $0x3  }
0x92: {  	_ =	strace s17  }
0x93: {  	s2 =	sld [smem:$0x3FFC];
	_ =	sdelay $0x3  }
0x94: {  	_ =	strace s2  }
0x95: {  	s2 =	sld [smem:$0x3FFD];
	_ =	sdelay $0x3  }
0x96: {  	_ =	strace s2  }
0x97: {  	_ =	strace $0x8FFFFFFF  }
0x98: {  	s18 =	sld [smem:$0x3FDB];
	_ =	sdelay $0x1  }
0x99: {  	s19 =	simm.s32 $_scs_section_size  }
0x9a: {  	s4 =	simm.s32 $_size__tile_overlayer_lowered;
	s5 =	simm.s32 $_tile_overlayer_lowered  }
0x9b: {  	s22 =	simm.s32 $0x1BFF;
	s21 =	sshll.u32 s5, $0x1;
	s2 =	sadd.s32 s19, s18  }
0x9c: {  	s6 =	simm.s32 $0x0;
	s20 =	sshll.u32 s4, $0x1;
	s4 =	sadd.s32 s21, s2  }
0x9d: {  	[timem:s6], [sflag:s22] =	dma.local [hbm:s4], s20  }
0x9e: {  	_ =	swait.ge [sflag:s22], s20  }
0x9f: {  	s3 =	ssub.s32 $0x0, s20;
	[sflag:s22] =	ssyncset.done $0x0  }
0xa0: {  	[sflag:s22] =	ssyncadd.s32 s3;
	_ =	sdelay $0x1  }
0xa1: {  	s23 =	simm.s32 $0x1B8B  }
0xa2: {  	_ =	swait.ge [sflag:s23], $0x1  }
0xa3: {  	[sflag:s23] =	ssyncset.done $0x0  }
0xa4: {  	s25 =	simm.s32 $0x1B8E;
	s24 =	sld [smem:$0x3FFE];
	[sflag:s23] =	ssyncadd.s32 $0xFFFFFFFF  }
0xa5: {  	s26 =	simm.s32 $execute0_lowered;
	[smem:$0x3FD2] =	sst s25  }
0xa6: {  	s4 =	sshll.u32 s26, $0x1;
	_ =	strace $0x80000049;
	[dreg:$0x1] =	wrdreg $0xFFFFFFFF  }
0xa7: {  	s28 =	simm.s32 $_size_execute0_lowered;
	s2 =	sadd.s32 s2, s4;
	[dreg:$0x0] =	wrdreg $0x0  }
0xa8: {  	s4 =	sshll.u32 s28, $0x1;
	[dreg:$0x2] =	wrdreg s2  }
0xa9: {  	[dreg:$0x3] =	wrdreg s4  }
0xaa: {  	[dreg:$0x4] =	wrdreg $0xC0  }
0xab: {  	_ =	task [dreg:s6], $0x5FFFF  }
0xac: {  	[dreg:$0x1] =	wrdreg $0xFFFFFFFF  }
0xad: {  	[dreg:$0x0] =	wrdreg $0x60  }
0xae: {  	[dreg:$0x2] =	wrdreg s24  }
0xaf: {  	[dreg:$0x3] =	wrdreg $0x29000  }
0xb0: {  	[dreg:$0x4] =	wrdreg $0x9  }
0xb1: {  	_ =	task.clear_ibuf [dreg:s6], $0x5FFFF;
	_ =	strace $0x90000049  }
0xb2: {  	s29 =	simm.s32 $0x9;
	_ =	strace $0x8000004B  }
0xb3: {  	_ =	swait.ge [sflag:s29], $0x1  }
0xb4: {  	[sflag:s29] =	ssyncadd.s32 $0xFFFFFFFF  }
0xb5: {  	_ =	strace $0x9000004B  }
0xb6: {  	_ =	sfence  }
0xb7: {  	s30 =	sld [smem:$0x0];
	_ =	sdelay $0x2  }
0xb8: {  	s31 =	sshll.u32 s1, $0xD;
	s1 =	sshrl.u32 s1, $0x2  }
0xb9: {  	s3 =	sand.u32 $0x4000, s31;
	s1 =	sadd.s32 s1, s30  }
0xba: {  	s0 =	sor.u32 s3, s0;
	s1 =	sshll.u32 s1, $0x11  }
0xbb: {  	s0 =	sor.u32 s1, s0  }
0xbc: {  	s0 =	sadd.s32 $0x8F2B, s0  }
0xbd: {  	[sflag:s0] =	ssyncadd.remote.s32 $0x1  }
0xbe: {  	_ =	sfence.sel $0xFFFF  }
0xbf: {  	[dreg:$0x0] =	wrdreg $0xFFFFFFFF;
	(pc) =	sbr.abs _section_cstart, $3  }
0xc0: {  	[dreg:$0x1] =	wrdreg $0xFFFFFFFF  }
0xc1: {  	_ =	task.clear_ibuf [dreg:s6], $0x2FFFF;
	_ =	strace $0x9FFFFFFF  }
0xc2: {  	(tm) =	ssettm $0x7FFFFFFF  }
0xc3: {  	_ =	shalt  }
tec
execute0_lowered:
.L_overlay_start_1:
0x0: {  	(tag) =	ssettag $0x1  }
0x1: {  	s5 =	rddreg [dreg:$0x0]  }
0x2: {  	s2 =	rddreg [dreg:$0x1]  }
0x3: {  	s0 =	rddreg [dreg:$0x2]  }
0x4: {  	s3 =	simm.s32 $0x0;
	s1 =	stileid.u32;
	s7 =	srdreg.scid  }
0x5: {  	s14 =	simm.s32 $0x50;
	s15 =	simm.s32 $0x100;
	s16 =	simm.s32 $0x1  }
0x6: {  	s17 =	simm.s32 $0x0;
	[smem:$0x7FF] =	sst s3;
	s6 =	smul.u32 $0x9C4, s1  }
0x7: {  	s8 =	sadd.s32 $0x1B000, s5;
	s4 =	sadd.s32 $0x43000, s5;
	s7 =	sand.u32 $0x1, s7  }
0x8: {  	s9 =	smul.u32 $0x50000, s1;
	s11 =	sadd.s32 $0x93000, s5;
	s12 =	sadd.s32 $0xBB000, s5  }
0x9: {  	s30 =	smul.u32 $0x2800, s1;
	s31 =	sshll.u32 s1, $0x6;
	_ =	strace $0x8000004A  }
0xa: {  	s26 =	ssub.s32 $0x2, s7;
	p0 =	seq.s32 s7, $0x0;
	s7 =	sor.u32 $0x1C02, s31  }
0xb: {  	s10 =	sadd.s32 s6, s5;
	s28 =	sshrl.u32 s26, $0x1;
	s29 =	sshrl.u32 s9, $0x2  }
0xc: {  	s4 =	smov.u32 @p0 s8;
	s12 =	smov.u32 @p0 s11;
	s5 =	ssub.s32 s26, s28  }
0xd: {  	s13 =	sadd.s32 s29, s2;
	s6 =	sadd.s32 s4, s30;
	s8 =	sadd.s32 s12, s30  }
0xe: {  	s9 =	sadd.s32 $0x7400, s10;
	s10 =	sadd.s32 $0x11200, s10;
	s12 =	simm.s32 $0x2  }
0xf: {  	s5 =	smax.u32 s5, $0x1;
	s11 =	sshrl.u32 s13, $0x3;
	s13 =	simm.s32 $0x80  }
.LBB2_1:
0x10: {  	[spmem:s11], [sflag:s7] =	dma.local [hbm:s6], $0x2800  }
0x11: {  	_ =	swait.ge [sflag:s12], $0x2800  }
0x12: {  	[sflag:s12] =	ssyncset.done $0x0  }
0x13: {  	[sflag:s12] =	ssyncadd.s32 $0xFFFFD800  }
0x14: {  	s18 =	sadd.s32 $0x0, s10;
	[bflag:$0x0] =	sbarrier.arrive $0xFFFF  }
0x15: {  	[tilespmem:s3], [sflag:$0x2] =	stream.linear.gather [hbm4b:s18+s3], $0x50, $0x38;
	[tilespmem:$0x16900] =	vst v63  }
0x16: {  	_ =	swait.ge [sflag:s12], $0x50  }
0x17: {  	[sflag:s12] =	ssyncset.done $0x0  }
0x18: {  	s31 =	sadd.s32 $0x0, s9;
	[sflag:s12] =	ssyncadd.s32 $0xFFFFFFB0  }
0x19: {  	[tilespmem:s13], [sflag:$0x2] =	stream.linear.gather [hbm4b:s31+s3], $0x50, $0x38;
	[tilespmem:$0x16900] =	vst v63  }
0x1a: {  	_ =	swait.ge [sflag:s12], $0x50  }
0x1b: {  	[sflag:s12] =	ssyncset.done $0x0  }
0x1c: {  	[sflag:s12] =	ssyncadd.s32 $0xFFFFFFB0  }
0x1d: {  	[tilespmem:s15], [sflag:$0x1] =	stream.indirect.gather [hbm4b:s4+s14], $0x80, s3, s14, $0xb8;
	[tilespmem:$0x16900] =	vst v63  }
0x1e: {  	_ =	swait.ge [sflag:s16], $0x2800  }
0x1f: {  	[sflag:s16] =	ssyncset.done $0x0  }
0x20: {  	[sflag:s16] =	ssyncadd.s32 $0xFFFFD800  }
0x21: {  	[spmem:s2] =	stream.indirect.scatter.add.f32 [tilespmem:s15], [sflag:$0x1], $0x80, s13, s14, $0xb8;
	[tilespmem:$0x16900] =	vst v63  }
0x22: {  	_ =	swait.ge [sflag:s16], $0x2800  }
0x23: {  	s19 =	simm.s32 $0x14;
	s18 =	simm.s32 $0xA;
	[sflag:s16] =	ssyncset.done $0x0  }
.LBB2_2:
0x24: {  	s20 =	sadd.s32 s18, s10  }
0x25: {  	[sflag:s16] =	ssyncadd.s32 $0xFFFFD800;
	s21 =	smov.u32 s19;
	s22 =	sadd.s32 $0xA, s19  }
0x26: {  	[tilespmem:s3], [sflag:$0x2] =	stream.linear.gather [hbm4b:s20+s3], $0x50, $0x38;
	[tilespmem:$0x16900] =	vst v63  }
0x27: {  	p0 =	sne.s32 s19, $0x9BA;
	_ =	swait.ge [sflag:s12], $0x50  }
0x28: {  	[sflag:s12] =	ssyncset.done $0x0  }
0x29: {  	s19 =	sadd.s32 s18, s9;
	s18 =	smov.u32 s21;
	[sflag:s12] =	ssyncadd.s32 $0xFFFFFFB0  }
0x2a: {  	[tilespmem:s13], [sflag:$0x2] =	stream.linear.gather [hbm4b:s19+s3], $0x50, $0x38;
	[tilespmem:$0x16900] =	vst v63  }
0x2b: {  	_ =	swait.ge [sflag:s12], $0x50  }
0x2c: {  	[sflag:s12] =	ssyncset.done $0x0  }
0x2d: {  	[sflag:s12] =	ssyncadd.s32 $0xFFFFFFB0  }
0x2e: {  	[tilespmem:s15], [sflag:$0x1] =	stream.indirect.gather [hbm4b:s4+s14], $0x80, s3, s14, $0xb8;
	[tilespmem:$0x16900] =	vst v63  }
0x2f: {  	_ =	swait.ge [sflag:s16], $0x2800  }
.Ltmp0:
0x30: {  	[sflag:s16] =	ssyncset.done $0x0;
	(pc) =	sbr.rel @p0 .LBB2_2-.Ltmp0, $4  }
0x31: {  	[sflag:s16] =	ssyncadd.s32 $0xFFFFD800  }
0x32: {  	[spmem:s2] =	stream.indirect.scatter.add.f32 [tilespmem:s15], [sflag:$0x1], $0x80, s13, s14, $0xb8;
	[tilespmem:$0x16900] =	vst v63  }
0x33: {  	_ =	swait.ge [sflag:s16], $0x2800  }
0x34: {  	s19 =	smov.u32 s22;
	[sflag:s16] =	ssyncset.done $0x0  }
0x35: {  	s19 =	sadd.s32 s18, s10;
	[sflag:s16] =	ssyncadd.s32 $0xFFFFD800  }
0x36: {  	[tilespmem:s3], [sflag:$0x2] =	stream.linear.gather [hbm4b:s19+s3], $0x50, $0x38;
	[tilespmem:$0x16900] =	vst v63  }
0x37: {  	_ =	swait.ge [sflag:s12], $0x50  }
0x38: {  	[sflag:s12] =	ssyncset.done $0x0  }
0x39: {  	s31 =	sadd.s32 s18, s9;
	[sflag:s12] =	ssyncadd.s32 $0xFFFFFFB0  }
0x3a: {  	[tilespmem:s13], [sflag:$0x2] =	stream.linear.gather [hbm4b:s31+s3], $0x50, $0x38;
	[tilespmem:$0x16900] =	vst v63  }
0x3b: {  	_ =	swait.ge [sflag:s12], $0x50  }
0x3c: {  	[sflag:s12] =	ssyncset.done $0x0  }
0x3d: {  	[sflag:s12] =	ssyncadd.s32 $0xFFFFFFB0  }
0x3e: {  	[tilespmem:s15], [sflag:$0x1] =	stream.indirect.gather [hbm4b:s4+s14], $0x80, s3, s14, $0xb8;
	[tilespmem:$0x16900] =	vst v63  }
0x3f: {  	_ =	swait.ge [sflag:s16], $0x2800  }
0x40: {  	[sflag:s16] =	ssyncset.done $0x0  }
0x41: {  	[sflag:s16] =	ssyncadd.s32 $0xFFFFD800  }
0x42: {  	[spmem:s2] =	stream.indirect.scatter.add.f32 [tilespmem:s15], [sflag:$0x1], $0x80, s13, s14, $0xb8;
	[tilespmem:$0x16900] =	vst v63  }
0x43: {  	_ =	swait.ge [sflag:s16], $0x2800  }
0x44: {  	s17 =	sadd.s32 $0x1, s17;
	[sflag:s16] =	ssyncset.done $0x0  }
0x45: {  	p0 =	sne.s32 s17, s5;
	[sflag:s16] =	ssyncadd.s32 $0xFFFFD800  }
.Ltmp1:
0x46: {  	[bflag:$0x0] =	sbarrier.arrive $0xFFFF;
	(pc) =	sbr.rel @p0 .LBB2_1-.Ltmp1, $4  }
0x47: {  	[hbm:s8], [sflag:s7] =	dma.local [spmem:s11], $0x2800  }
0x48: {  	_ =	swait.ge [sflag:s12], $0x2800  }
0x49: {  	[sflag:s12] =	ssyncset.done $0x0  }
0x4a: {  	[sflag:s12] =	ssyncadd.s32 $0xFFFFD800  }
0x4b: {  	_ =	sfence.sel $0x180000  }
0x4c: {  	[bflag:$0x0] =	sbarrier.arrive $0xFFFF  }
0x4d: {  	p0 =	sne.s32 s1, $0x0;
	_ =	strace $0x9000004A  }
0x4e: {  	s0 =	sadd.s32 @!p0 $0x100000, s0;
	[bflag:$0x2] =	sbarrier.arrive $0xFFFF  }
0x4f: {  	[sflag:s0] =	ssyncadd.tile.s32 @!p0 $0x1;
	_ =	shalt  }
.Lfunc_end2:
_tile_overlayer_lowered:
.L_overlay_start_2:
0x50: {  	(tag) =	ssettag $0x2  }
0x51: {  	s0 =	rddreg [dreg:$0x0];
	s2 =	stileid.u32  }
0x52: {  	s1 =	rddreg [dreg:$0x1];
	p0 =	sne.s32 s2, $0x0  }
0x53: {  	s3 =	rddreg [dreg:$0x2];
	[bflag:$0x3] =	sbarrier.arrive $0xFFFF;
	s2 =	simm.s32 @!p0 $0x1C02  }
0x54: {  	[timem:s3], [sflag:s2] =	dma.local @!p0 [hbm:s0], s1  }
0x55: {  	s0 =	simm.s32 @!p0 $0x2  }
0x56: {  	_ =	swait.ge @!p0 [sflag:s0], s1  }
0x57: {  	s1 =	ssub.s32 @!p0 $0x0, s1;
	[sflag:s0] =	ssyncset.done @!p0 $0x0  }
0x58: {  	[sflag:s0] =	ssyncadd.s32 @!p0 s1  }
0x59: {  	[bflag:$0x3] =	sbarrier.arrive $0xFFFF  }
0x5a: {  	_ =	shalt  }

// kernel: kernel.16.cloned.1.call-start
scs
__scs_entry_jumppad:
0x0: {  	(pc) =	sbr.rel $0x88, $3  }
0x1: {  	(tag) =	ssettag $0x0;
	lr =	simm.s32 $0x1  }
0x2: {  	[smem:$0x3F88] =	sst lr;
	_ =	strace $0xD0000000  }
0x3: {  	_ = 	snop  }
0x4: {  	_ = 	snop  }
0x5: {  	_ = 	snop  }
0x6: {  	_ = 	snop  }
0x7: {  	_ = 	snop  }
__scs_overlays_trampoline_lowered:
0x8: {  	[smem:$0x3F97] =	sst s0  }
0x9: {  	[smem:$0x3F98] =	sst s1  }
0xa: {  	[smem:$0x3F99] =	sst s2  }
0xb: {  	[smem:$0x3F9A] =	sst s3  }
0xc: {  	[smem:$0x3F9B] =	sst s4  }
0xd: {  	[smem:$0x3F9C] =	sst s5  }
0xe: {  	[smem:$0x3F9D] =	sst s6  }
0xf: {  	[smem:$0x3F9E] =	sst s7  }
0x10: {  	[smem:$0x3F9F] =	sst s8  }
0x11: {  	[smem:$0x3FA0] =	sst s9;
	s0 =	simm.s32 @!p0 $0x0  }
0x12: {  	s1 =	sld [smem:$0x3F86];
	s0 =	simm.s32 @p0 $0x1  }
0x13: {  	[smem:$0x3FA1] =	sst s0;
	s0 =	simm.s32 @!p1 $0x0  }
0x14: {  	s2 =	sld [smem:$0x3F85];
	s0 =	simm.s32 @p1 $0x1  }
0x15: {  	[smem:$0x3FA2] =	sst s0;
	s0 =	simm.s32 @!p2 $0x0  }
0x16: {  	s3 =	sld [smem:$0x3FDB];
	s0 =	simm.s32 @p2 $0x1  }
0x17: {  	s4 =	simm.s32 $0x1BF5;
	[smem:$0x3FA4] =	sst s0  }
0x18: {  	s0 =	sld [smem:$0x3F87];
	_ =	swait.ge [sflag:s4], $0x0  }
0x19: {  	s7 =	sld [smem:$0x3F88]  }
0x1a: {  	s8 =	sadd.s32 $0xFFFFE003, lr  }
0x1b: {  	s9 =	sadd.s32 $0xFFFFFEF7, lr;
	s5 =	simm.s32 $0xFFFFFFFF;
	p2 =	slt.u32 s8, $0xFFFFF086  }
0x1c: {  	p1 =	slt.u32 s9, $0xF7A;
	s5 =	simm.s32 @!p2 $0x0  }
0x1d: {  	s5 =	simm.s32 @p1 $0x1;
	p0 =	seq.s32 s7, s2  }
0x1e: {  	s7 =	smul.u32 @!p0 $0xF7A, s2;
	p2 =	seq.s32 @!p0 s5, $0x0  }
0x1f: {  	s9 =	smul.u32 $0xF7A, s1;
	s8 =	simm.s32 @!p0 $0x1BF5;
	p2 =	por !p2, p0  }
0x20: {  	[sflag:s8] =	ssyncset.s32 @!p0 $0xFFFFF086;
	s6 =	sadd.s32 @!p0 s3, s7;
	s7 =	simm.s32 @!p0 $0x108  }
0x21: {  	s3 =	sadd.s32 s3, s9;
	s6 =	sadd.s32 @!p0 $0x88, s6;
	s7 =	simm.s32 @p2 $0x1082  }
0x22: {  	[simem:s7], [sflag:s8] =	dma.local @!p0 [hbm:s6], $0xF7A  }
0x23: {  	s9 =	sor.u32 $0xD0000000, s2;
	s6 =	simm.s32 $0x108;
	_ =	swait.ge @!p0 [sflag:s8], $0x0  }
0x24: {  	s3 =	sadd.s32 $0x88, s3;
	s6 =	simm.s32 @!p1 $0x1082;
	[sflag:s4] =	ssyncset.s32 $0xFFFFF086  }
0x25: {  	[simem:s6], [sflag:s4] =	dma.local [hbm:s3], $0xF7A  }
0x26: {  	[smem:$0x3F88] =	sst s1;
	(tag) =	ssettag s2;
	_ =	strace s9  }
0x27: {  	s1 =	sld [smem:$0x3F98]  }
0x28: {  	s2 =	sld [smem:$0x3F99]  }
0x29: {  	s4 =	sld [smem:$0x3F9B]  }
0x2a: {  	p0 =	seq.s32 s5, $0x0;
	s5 =	sld [smem:$0x3F9C]  }
0x2b: {  	s6 =	sld [smem:$0x3F9D]  }
0x2c: {  	s7 =	sld [smem:$0x3F9E]  }
0x2d: {  	s3 =	simm.s32 $0x108;
	s8 =	sld [smem:$0x3F9F]  }
0x2e: {  	s3 =	simm.s32 @!p0 $0x1082;
	s9 =	sld [smem:$0x3FA0]  }
0x2f: {  	lr =	sadd.s32 s0, s3;
	s0 =	sld [smem:$0x3F97]  }
0x30: {  	s3 =	sld [smem:$0x3F9A]  }
0x31: {  	[smem:$0x3FA3] =	sst s10  }
0x32: {  	s10 =	sld [smem:$0x3FA1];
	_ =	sdelay $0x3  }
0x33: {  	p0 =	seq.s32 s10, $0x1;
	s10 =	sld [smem:$0x3FA3];
	_ =	sdelay $0x3  }
0x34: {  	[smem:$0x3FA3] =	sst s10  }
0x35: {  	s10 =	sld [smem:$0x3FA2];
	_ =	sdelay $0x3  }
0x36: {  	p1 =	seq.s32 s10, $0x1;
	s10 =	sld [smem:$0x3FA3];
	_ =	sdelay $0x3  }
0x37: {  	[smem:$0x3FA3] =	sst s10  }
0x38: {  	s10 =	sld [smem:$0x3FA4]  }
0x39: {  	_ = 	snop;
	(pc) =	sbr.ind lr, $3  }
0x3a: {  	_ = 	snop  }
0x3b: {  	_ = 	snop  }
0x3c: {  	p2 =	seq.s32 s10, $0x1;
	s10 =	sld [smem:$0x3FA3]  }
0x3d: {  	_ =	shalt  }
0x3e: {  	_ =	shalt  }
0x3f: {  	_ =	shalt  }
0x40: {  	_ =	shalt  }
0x41: {  	_ =	shalt  }
0x42: {  	_ =	shalt  }
0x43: {  	_ =	shalt  }
0x44: {  	_ =	shalt  }
0x45: {  	_ =	shalt  }
0x46: {  	_ =	shalt  }
0x47: {  	_ =	shalt  }
0x48: {  	_ =	shalt  }
0x49: {  	_ =	shalt  }
0x4a: {  	_ =	shalt  }
0x4b: {  	_ =	shalt  }
0x4c: {  	_ =	shalt  }
0x4d: {  	_ =	shalt  }
0x4e: {  	_ =	shalt  }
0x4f: {  	_ =	shalt  }
0x50: {  	_ =	shalt  }
0x51: {  	_ =	shalt  }
0x52: {  	_ =	shalt  }
0x53: {  	_ =	shalt  }
0x54: {  	_ =	shalt  }
0x55: {  	_ =	shalt  }
0x56: {  	_ =	shalt  }
0x57: {  	_ =	shalt  }
0x58: {  	_ =	shalt  }
0x59: {  	_ =	shalt  }
0x5a: {  	_ =	shalt  }
0x5b: {  	_ =	shalt  }
0x5c: {  	_ =	shalt  }
0x5d: {  	_ =	shalt  }
0x5e: {  	_ =	shalt  }
0x5f: {  	_ =	shalt  }
0x60: {  	_ =	shalt  }
0x61: {  	_ =	shalt  }
0x62: {  	_ =	shalt  }
0x63: {  	_ =	shalt  }
0x64: {  	_ =	shalt  }
0x65: {  	_ =	shalt  }
0x66: {  	_ =	shalt  }
0x67: {  	_ =	shalt  }
0x68: {  	_ =	shalt  }
0x69: {  	_ =	shalt  }
0x6a: {  	_ =	shalt  }
0x6b: {  	_ =	shalt  }
0x6c: {  	_ =	shalt  }
0x6d: {  	_ =	shalt  }
0x6e: {  	_ =	shalt  }
0x6f: {  	_ =	shalt  }
0x70: {  	_ =	shalt  }
0x71: {  	_ =	shalt  }
0x72: {  	_ =	shalt  }
0x73: {  	_ =	shalt  }
0x74: {  	_ =	shalt  }
0x75: {  	_ =	shalt  }
0x76: {  	_ =	shalt  }
0x77: {  	_ =	shalt  }
0x78: {  	_ =	shalt  }
0x79: {  	_ =	shalt  }
0x7a: {  	_ =	shalt  }
0x7b: {  	_ =	shalt  }
0x7c: {  	_ =	shalt  }
0x7d: {  	_ =	shalt  }
0x7e: {  	_ =	shalt  }
0x7f: {  	_ =	shalt  }
0x80: {  	_ =	shalt  }
0x81: {  	_ =	shalt  }
0x82: {  	_ =	shalt  }
0x83: {  	_ =	shalt  }
0x84: {  	_ =	shalt  }
0x85: {  	_ =	shalt  }
0x86: {  	_ =	shalt  }
0x87: {  	_ =	shalt  }
.Lfunc_end0:
.L_simem_size_0:
called_computation.2_lowered:
.L_overlay_start_0:
0x88: {  	s2 =	sld [smem:$0x3FD9]  }
0x89: {  	s3 =	sld [smem:$0x3FFE];
	_ =	sdelay $0x1  }
0x8a: {  	s1 =	srdreg.scid  }
0x8b: {  	s0 =	sand.u32 $0x1, s1  }
0x8c: {  	s16 =	sshll.u32 s0, $0xA;
	s2 =	sadd.s32 s3, s2  }
0x8d: {  	s2 =	sadd.s32 s2, s16  }
0x8e: {  	[smem:$0x3FAF] =	sst s2  }
0x8f: {  	_ = 	snop  }
0x90: {  	(tm) =	ssettm $0x1  }
0x91: {  	s17 =	sld [smem:$0x3FFB];
	_ =	sdelay $0x3  }
0x92: {  	_ =	strace s17  }
0x93: {  	s2 =	sld [smem:$0x3FFC];
	_ =	sdelay $0x3  }
0x94: {  	_ =	strace s2  }
0x95: {  	s2 =	sld [smem:$0x3FFD];
	_ =	sdelay $0x3  }
0x96: {  	_ =	strace s2  }
0x97: {  	_ =	strace $0x8FFFFFFF  }
0x98: {  	s18 =	sld [smem:$0x3FDB];
	_ =	sdelay $0x1  }
0x99: {  	s19 =	simm.s32 $_scs_section_size  }
0x9a: {  	s4 =	simm.s32 $_size__tile_overlayer_lowered;
	s5 =	simm.s32 $_tile_overlayer_lowered  }
0x9b: {  	s22 =	simm.s32 $0x1BFF;
	s21 =	sshll.u32 s5, $0x1;
	s2 =	sadd.s32 s19, s18  }
0x9c: {  	s6 =	simm.s32 $0x0;
	s20 =	sshll.u32 s4, $0x1;
	s4 =	sadd.s32 s21, s2  }
0x9d: {  	[timem:s6], [sflag:s22] =	dma.local [hbm:s4], s20  }
0x9e: {  	_ =	swait.ge [sflag:s22], s20  }
0x9f: {  	s3 =	ssub.s32 $0x0, s20;
	[sflag:s22] =	ssyncset.done $0x0  }
0xa0: {  	[sflag:s22] =	ssyncadd.s32 s3;
	_ =	sdelay $0x1  }
0xa1: {  	s23 =	simm.s32 $0x1B8B  }
0xa2: {  	_ =	swait.ge [sflag:s23], $0x1  }
0xa3: {  	[sflag:s23] =	ssyncset.done $0x0  }
0xa4: {  	s25 =	simm.s32 $0x1B8E;
	s24 =	sld [smem:$0x3FFE];
	[sflag:s23] =	ssyncadd.s32 $0xFFFFFFFF  }
0xa5: {  	s26 =	simm.s32 $execute0_lowered;
	[smem:$0x3FD2] =	sst s25  }
0xa6: {  	s4 =	sshll.u32 s26, $0x1;
	_ =	strace $0x8000004C;
	[dreg:$0x1] =	wrdreg $0xFFFFFFFF  }
0xa7: {  	s28 =	simm.s32 $_size_execute0_lowered;
	s2 =	sadd.s32 s2, s4;
	[dreg:$0x0] =	wrdreg $0x0  }
0xa8: {  	s4 =	sshll.u32 s28, $0x1;
	[dreg:$0x2] =	wrdreg s2  }
0xa9: {  	[dreg:$0x3] =	wrdreg s4  }
0xaa: {  	[dreg:$0x4] =	wrdreg $0xC0  }
0xab: {  	_ =	task [dreg:s6], $0x5FFFF  }
0xac: {  	[dreg:$0x1] =	wrdreg $0xFFFFFFFF  }
0xad: {  	[dreg:$0x0] =	wrdreg $0x60  }
0xae: {  	[dreg:$0x2] =	wrdreg s24  }
0xaf: {  	[dreg:$0x3] =	wrdreg $0x29000  }
0xb0: {  	[dreg:$0x4] =	wrdreg $0x9  }
0xb1: {  	_ =	task.clear_ibuf [dreg:s6], $0x5FFFF;
	_ =	strace $0x9000004C  }
0xb2: {  	s29 =	simm.s32 $0x9;
	_ =	strace $0x8000004E  }
0xb3: {  	_ =	swait.ge [sflag:s29], $0x1  }
0xb4: {  	[sflag:s29] =	ssyncadd.s32 $0xFFFFFFFF  }
0xb5: {  	_ =	strace $0x9000004E  }
0xb6: {  	_ =	sfence  }
0xb7: {  	s30 =	sld [smem:$0x0];
	_ =	sdelay $0x2  }
0xb8: {  	s31 =	sshll.u32 s1, $0xD;
	s1 =	sshrl.u32 s1, $0x2  }
0xb9: {  	s3 =	sand.u32 $0x4000, s31;
	s1 =	sadd.s32 s1, s30  }
0xba: {  	s0 =	sor.u32 s3, s0;
	s1 =	sshll.u32 s1, $0x11  }
0xbb: {  	s0 =	sor.u32 s1, s0  }
0xbc: {  	s0 =	sadd.s32 $0x8F2B, s0  }
0xbd: {  	[sflag:s0] =	ssyncadd.remote.s32 $0x1  }
0xbe: {  	_ =	sfence.sel $0xFFFF  }
0xbf: {  	[dreg:$0x0] =	wrdreg $0xFFFFFFFF;
	(pc) =	sbr.abs _section_cstart, $3  }
0xc0: {  	[dreg:$0x1] =	wrdreg $0xFFFFFFFF  }
0xc1: {  	_ =	task.clear_ibuf [dreg:s6], $0x2FFFF;
	_ =	strace $0x9FFFFFFF  }
0xc2: {  	(tm) =	ssettm $0x7FFFFFFF  }
0xc3: {  	_ =	shalt  }
tec
execute0_lowered:
.L_overlay_start_1:
0x0: {  	(tag) =	ssettag $0x1  }
0x1: {  	s5 =	rddreg [dreg:$0x0]  }
0x2: {  	s2 =	rddreg [dreg:$0x1]  }
0x3: {  	s0 =	rddreg [dreg:$0x2]  }
0x4: {  	s3 =	simm.s32 $0x0;
	s1 =	stileid.u32;
	s7 =	srdreg.scid  }
0x5: {  	s14 =	simm.s32 $0x50;
	s15 =	simm.s32 $0x100;
	s16 =	simm.s32 $0x1  }
0x6: {  	s17 =	simm.s32 $0x0;
	[smem:$0x7FF] =	sst s3;
	s6 =	smul.u32 $0x9C4, s1  }
0x7: {  	s8 =	sadd.s32 $0x93000, s5;
	s4 =	sadd.s32 $0xBB000, s5;
	s7 =	sand.u32 $0x1, s7  }
0x8: {  	s9 =	smul.u32 $0x50000, s1;
	s11 =	sadd.s32 $0xE3000, s5;
	s12 =	sadd.s32 $0x10B000, s5  }
0x9: {  	s30 =	smul.u32 $0x2800, s1;
	s31 =	sshll.u32 s1, $0x6;
	_ =	strace $0x8000004D  }
0xa: {  	s26 =	ssub.s32 $0x2, s7;
	p0 =	seq.s32 s7, $0x0;
	s7 =	sor.u32 $0x1C02, s31  }
0xb: {  	s10 =	sadd.s32 s6, s5;
	s28 =	sshrl.u32 s26, $0x1;
	s29 =	sshrl.u32 s9, $0x2  }
0xc: {  	s4 =	smov.u32 @p0 s8;
	s12 =	smov.u32 @p0 s11;
	s5 =	ssub.s32 s26, s28  }
0xd: {  	s13 =	sadd.s32 s29, s2;
	s6 =	sadd.s32 s4, s30;
	s8 =	sadd.s32 s12, s30  }
0xe: {  	s9 =	sadd.s32 $0x7400, s10;
	s10 =	sadd.s32 $0x11200, s10;
	s12 =	simm.s32 $0x2  }
0xf: {  	s5 =	smax.u32 s5, $0x1;
	s11 =	sshrl.u32 s13, $0x3;
	s13 =	simm.s32 $0x80  }
.LBB2_1:
0x10: {  	[spmem:s11], [sflag:s7] =	dma.local [hbm:s6], $0x2800  }
0x11: {  	_ =	swait.ge [sflag:s12], $0x2800  }
0x12: {  	[sflag:s12] =	ssyncset.done $0x0  }
0x13: {  	[sflag:s12] =	ssyncadd.s32 $0xFFFFD800  }
0x14: {  	s18 =	sadd.s32 $0x0, s10;
	[bflag:$0x0] =	sbarrier.arrive $0xFFFF  }
0x15: {  	[tilespmem:s3], [sflag:$0x2] =	stream.linear.gather [hbm4b:s18+s3], $0x50, $0x38;
	[tilespmem:$0x16900] =	vst v63  }
0x16: {  	_ =	swait.ge [sflag:s12], $0x50  }
0x17: {  	[sflag:s12] =	ssyncset.done $0x0  }
0x18: {  	s31 =	sadd.s32 $0x0, s9;
	[sflag:s12] =	ssyncadd.s32 $0xFFFFFFB0  }
0x19: {  	[tilespmem:s13], [sflag:$0x2] =	stream.linear.gather [hbm4b:s31+s3], $0x50, $0x38;
	[tilespmem:$0x16900] =	vst v63  }
0x1a: {  	_ =	swait.ge [sflag:s12], $0x50  }
0x1b: {  	[sflag:s12] =	ssyncset.done $0x0  }
0x1c: {  	[sflag:s12] =	ssyncadd.s32 $0xFFFFFFB0  }
0x1d: {  	[tilespmem:s15], [sflag:$0x1] =	stream.indirect.gather [hbm4b:s4+s14], $0x80, s3, s14, $0xb8;
	[tilespmem:$0x16900] =	vst v63  }
0x1e: {  	_ =	swait.ge [sflag:s16], $0x2800  }
0x1f: {  	[sflag:s16] =	ssyncset.done $0x0  }
0x20: {  	[sflag:s16] =	ssyncadd.s32 $0xFFFFD800  }
0x21: {  	[spmem:s2] =	stream.indirect.scatter.add.f32 [tilespmem:s15], [sflag:$0x1], $0x80, s13, s14, $0xb8;
	[tilespmem:$0x16900] =	vst v63  }
0x22: {  	_ =	swait.ge [sflag:s16], $0x2800  }
0x23: {  	s19 =	simm.s32 $0x14;
	s18 =	simm.s32 $0xA;
	[sflag:s16] =	ssyncset.done $0x0  }
.LBB2_2:
0x24: {  	s20 =	sadd.s32 s18, s10  }
0x25: {  	[sflag:s16] =	ssyncadd.s32 $0xFFFFD800;
	s21 =	smov.u32 s19;
	s22 =	sadd.s32 $0xA, s19  }
0x26: {  	[tilespmem:s3], [sflag:$0x2] =	stream.linear.gather [hbm4b:s20+s3], $0x50, $0x38;
	[tilespmem:$0x16900] =	vst v63  }
0x27: {  	p0 =	sne.s32 s19, $0x9BA;
	_ =	swait.ge [sflag:s12], $0x50  }
0x28: {  	[sflag:s12] =	ssyncset.done $0x0  }
0x29: {  	s19 =	sadd.s32 s18, s9;
	s18 =	smov.u32 s21;
	[sflag:s12] =	ssyncadd.s32 $0xFFFFFFB0  }
0x2a: {  	[tilespmem:s13], [sflag:$0x2] =	stream.linear.gather [hbm4b:s19+s3], $0x50, $0x38;
	[tilespmem:$0x16900] =	vst v63  }
0x2b: {  	_ =	swait.ge [sflag:s12], $0x50  }
0x2c: {  	[sflag:s12] =	ssyncset.done $0x0  }
0x2d: {  	[sflag:s12] =	ssyncadd.s32 $0xFFFFFFB0  }
0x2e: {  	[tilespmem:s15], [sflag:$0x1] =	stream.indirect.gather [hbm4b:s4+s14], $0x80, s3, s14, $0xb8;
	[tilespmem:$0x16900] =	vst v63  }
0x2f: {  	_ =	swait.ge [sflag:s16], $0x2800  }
.Ltmp0:
0x30: {  	[sflag:s16] =	ssyncset.done $0x0;
	(pc) =	sbr.rel @p0 .LBB2_2-.Ltmp0, $4  }
0x31: {  	[sflag:s16] =	ssyncadd.s32 $0xFFFFD800  }
0x32: {  	[spmem:s2] =	stream.indirect.scatter.add.f32 [tilespmem:s15], [sflag:$0x1], $0x80, s13, s14, $0xb8;
	[tilespmem:$0x16900] =	vst v63  }
0x33: {  	_ =	swait.ge [sflag:s16], $0x2800  }
0x34: {  	s19 =	smov.u32 s22;
	[sflag:s16] =	ssyncset.done $0x0  }
0x35: {  	s19 =	sadd.s32 s18, s10;
	[sflag:s16] =	ssyncadd.s32 $0xFFFFD800  }
0x36: {  	[tilespmem:s3], [sflag:$0x2] =	stream.linear.gather [hbm4b:s19+s3], $0x50, $0x38;
	[tilespmem:$0x16900] =	vst v63  }
0x37: {  	_ =	swait.ge [sflag:s12], $0x50  }
0x38: {  	[sflag:s12] =	ssyncset.done $0x0  }
0x39: {  	s31 =	sadd.s32 s18, s9;
	[sflag:s12] =	ssyncadd.s32 $0xFFFFFFB0  }
0x3a: {  	[tilespmem:s13], [sflag:$0x2] =	stream.linear.gather [hbm4b:s31+s3], $0x50, $0x38;
	[tilespmem:$0x16900] =	vst v63  }
0x3b: {  	_ =	swait.ge [sflag:s12], $0x50  }
0x3c: {  	[sflag:s12] =	ssyncset.done $0x0  }
0x3d: {  	[sflag:s12] =	ssyncadd.s32 $0xFFFFFFB0  }
0x3e: {  	[tilespmem:s15], [sflag:$0x1] =	stream.indirect.gather [hbm4b:s4+s14], $0x80, s3, s14, $0xb8;
	[tilespmem:$0x16900] =	vst v63  }
0x3f: {  	_ =	swait.ge [sflag:s16], $0x2800  }
0x40: {  	[sflag:s16] =	ssyncset.done $0x0  }
0x41: {  	[sflag:s16] =	ssyncadd.s32 $0xFFFFD800  }
0x42: {  	[spmem:s2] =	stream.indirect.scatter.add.f32 [tilespmem:s15], [sflag:$0x1], $0x80, s13, s14, $0xb8;
	[tilespmem:$0x16900] =	vst v63  }
0x43: {  	_ =	swait.ge [sflag:s16], $0x2800  }
0x44: {  	s17 =	sadd.s32 $0x1, s17;
	[sflag:s16] =	ssyncset.done $0x0  }
0x45: {  	p0 =	sne.s32 s17, s5;
	[sflag:s16] =	ssyncadd.s32 $0xFFFFD800  }
.Ltmp1:
0x46: {  	[bflag:$0x0] =	sbarrier.arrive $0xFFFF;
	(pc) =	sbr.rel @p0 .LBB2_1-.Ltmp1, $4  }
0x47: {  	[hbm:s8], [sflag:s7] =	dma.local [spmem:s11], $0x2800  }
0x48: {  	_ =	swait.ge [sflag:s12], $0x2800  }
0x49: {  	[sflag:s12] =	ssyncset.done $0x0  }
0x4a: {  	[sflag:s12] =	ssyncadd.s32 $0xFFFFD800  }
0x4b: {  	_ =	sfence.sel $0x180000  }
0x4c: {  	[bflag:$0x0] =	sbarrier.arrive $0xFFFF  }
0x4d: {  	p0 =	sne.s32 s1, $0x0;
	_ =	strace $0x9000004D  }
0x4e: {  	s0 =	sadd.s32 @!p0 $0x100000, s0;
	[bflag:$0x2] =	sbarrier.arrive $0xFFFF  }
0x4f: {  	[sflag:s0] =	ssyncadd.tile.s32 @!p0 $0x1;
	_ =	shalt  }
.Lfunc_end2:
_tile_overlayer_lowered:
.L_overlay_start_2:
0x50: {  	(tag) =	ssettag $0x2  }
0x51: {  	s0 =	rddreg [dreg:$0x0];
	s2 =	stileid.u32  }
0x52: {  	s1 =	rddreg [dreg:$0x1];
	p0 =	sne.s32 s2, $0x0  }
0x53: {  	s3 =	rddreg [dreg:$0x2];
	[bflag:$0x3] =	sbarrier.arrive $0xFFFF;
	s2 =	simm.s32 @!p0 $0x1C02  }
0x54: {  	[timem:s3], [sflag:s2] =	dma.local @!p0 [hbm:s0], s1  }
0x55: {  	s0 =	simm.s32 @!p0 $0x2  }
0x56: {  	_ =	swait.ge @!p0 [sflag:s0], s1  }
0x57: {  	s1 =	ssub.s32 @!p0 $0x0, s1;
	[sflag:s0] =	ssyncset.done @!p0 $0x0  }
0x58: {  	[sflag:s0] =	ssyncadd.s32 @!p0 s1  }
0x59: {  	[bflag:$0x3] =	sbarrier.arrive $0xFFFF  }
0x5a: {  	_ =	shalt  }

// kernel: kernel.19.cloned.1.call-start
scs
__scs_entry_jumppad:
0x0: {  	(pc) =	sbr.rel $0x88, $3  }
0x1: {  	(tag) =	ssettag $0x0;
	lr =	simm.s32 $0x1  }
0x2: {  	[smem:$0x3F88] =	sst lr;
	_ =	strace $0xD0000000  }
0x3: {  	_ = 	snop  }
0x4: {  	_ = 	snop  }
0x5: {  	_ = 	snop  }
0x6: {  	_ = 	snop  }
0x7: {  	_ = 	snop  }
__scs_overlays_trampoline_lowered:
0x8: {  	[smem:$0x3F97] =	sst s0  }
0x9: {  	[smem:$0x3F98] =	sst s1  }
0xa: {  	[smem:$0x3F99] =	sst s2  }
0xb: {  	[smem:$0x3F9A] =	sst s3  }
0xc: {  	[smem:$0x3F9B] =	sst s4  }
0xd: {  	[smem:$0x3F9C] =	sst s5  }
0xe: {  	[smem:$0x3F9D] =	sst s6  }
0xf: {  	[smem:$0x3F9E] =	sst s7  }
0x10: {  	[smem:$0x3F9F] =	sst s8  }
0x11: {  	[smem:$0x3FA0] =	sst s9;
	s0 =	simm.s32 @!p0 $0x0  }
0x12: {  	s1 =	sld [smem:$0x3F86];
	s0 =	simm.s32 @p0 $0x1  }
0x13: {  	[smem:$0x3FA1] =	sst s0;
	s0 =	simm.s32 @!p1 $0x0  }
0x14: {  	s2 =	sld [smem:$0x3F85];
	s0 =	simm.s32 @p1 $0x1  }
0x15: {  	[smem:$0x3FA2] =	sst s0;
	s0 =	simm.s32 @!p2 $0x0  }
0x16: {  	s3 =	sld [smem:$0x3FDB];
	s0 =	simm.s32 @p2 $0x1  }
0x17: {  	s4 =	simm.s32 $0x1BF5;
	[smem:$0x3FA4] =	sst s0  }
0x18: {  	s0 =	sld [smem:$0x3F87];
	_ =	swait.ge [sflag:s4], $0x0  }
0x19: {  	s7 =	sld [smem:$0x3F88]  }
0x1a: {  	s8 =	sadd.s32 $0xFFFFE003, lr  }
0x1b: {  	s9 =	sadd.s32 $0xFFFFFEF7, lr;
	s5 =	simm.s32 $0xFFFFFFFF;
	p2 =	slt.u32 s8, $0xFFFFF086  }
0x1c: {  	p1 =	slt.u32 s9, $0xF7A;
	s5 =	simm.s32 @!p2 $0x0  }
0x1d: {  	s5 =	simm.s32 @p1 $0x1;
	p0 =	seq.s32 s7, s2  }
0x1e: {  	s7 =	smul.u32 @!p0 $0xF7A, s2;
	p2 =	seq.s32 @!p0 s5, $0x0  }
0x1f: {  	s9 =	smul.u32 $0xF7A, s1;
	s8 =	simm.s32 @!p0 $0x1BF5;
	p2 =	por !p2, p0  }
0x20: {  	[sflag:s8] =	ssyncset.s32 @!p0 $0xFFFFF086;
	s6 =	sadd.s32 @!p0 s3, s7;
	s7 =	simm.s32 @!p0 $0x108  }
0x21: {  	s3 =	sadd.s32 s3, s9;
	s6 =	sadd.s32 @!p0 $0x88, s6;
	s7 =	simm.s32 @p2 $0x1082  }
0x22: {  	[simem:s7], [sflag:s8] =	dma.local @!p0 [hbm:s6], $0xF7A  }
0x23: {  	s9 =	sor.u32 $0xD0000000, s2;
	s6 =	simm.s32 $0x108;
	_ =	swait.ge @!p0 [sflag:s8], $0x0  }
0x24: {  	s3 =	sadd.s32 $0x88, s3;
	s6 =	simm.s32 @!p1 $0x1082;
	[sflag:s4] =	ssyncset.s32 $0xFFFFF086  }
0x25: {  	[simem:s6], [sflag:s4] =	dma.local [hbm:s3], $0xF7A  }
0x26: {  	[smem:$0x3F88] =	sst s1;
	(tag) =	ssettag s2;
	_ =	strace s9  }
0x27: {  	s1 =	sld [smem:$0x3F98]  }
0x28: {  	s2 =	sld [smem:$0x3F99]  }
0x29: {  	s4 =	sld [smem:$0x3F9B]  }
0x2a: {  	p0 =	seq.s32 s5, $0x0;
	s5 =	sld [smem:$0x3F9C]  }
0x2b: {  	s6 =	sld [smem:$0x3F9D]  }
0x2c: {  	s7 =	sld [smem:$0x3F9E]  }
0x2d: {  	s3 =	simm.s32 $0x108;
	s8 =	sld [smem:$0x3F9F]  }
0x2e: {  	s3 =	simm.s32 @!p0 $0x1082;
	s9 =	sld [smem:$0x3FA0]  }
0x2f: {  	lr =	sadd.s32 s0, s3;
	s0 =	sld [smem:$0x3F97]  }
0x30: {  	s3 =	sld [smem:$0x3F9A]  }
0x31: {  	[smem:$0x3FA3] =	sst s10  }
0x32: {  	s10 =	sld [smem:$0x3FA1];
	_ =	sdelay $0x3  }
0x33: {  	p0 =	seq.s32 s10, $0x1;
	s10 =	sld [smem:$0x3FA3];
	_ =	sdelay $0x3  }
0x34: {  	[smem:$0x3FA3] =	sst s10  }
0x35: {  	s10 =	sld [smem:$0x3FA2];
	_ =	sdelay $0x3  }
0x36: {  	p1 =	seq.s32 s10, $0x1;
	s10 =	sld [smem:$0x3FA3];
	_ =	sdelay $0x3  }
0x37: {  	[smem:$0x3FA3] =	sst s10  }
0x38: {  	s10 =	sld [smem:$0x3FA4]  }
0x39: {  	_ = 	snop;
	(pc) =	sbr.ind lr, $3  }
0x3a: {  	_ = 	snop  }
0x3b: {  	_ = 	snop  }
0x3c: {  	p2 =	seq.s32 s10, $0x1;
	s10 =	sld [smem:$0x3FA3]  }
0x3d: {  	_ =	shalt  }
0x3e: {  	_ =	shalt  }
0x3f: {  	_ =	shalt  }
0x40: {  	_ =	shalt  }
0x41: {  	_ =	shalt  }
0x42: {  	_ =	shalt  }
0x43: {  	_ =	shalt  }
0x44: {  	_ =	shalt  }
0x45: {  	_ =	shalt  }
0x46: {  	_ =	shalt  }
0x47: {  	_ =	shalt  }
0x48: {  	_ =	shalt  }
0x49: {  	_ =	shalt  }
0x4a: {  	_ =	shalt  }
0x4b: {  	_ =	shalt  }
0x4c: {  	_ =	shalt  }
0x4d: {  	_ =	shalt  }
0x4e: {  	_ =	shalt  }
0x4f: {  	_ =	shalt  }
0x50: {  	_ =	shalt  }
0x51: {  	_ =	shalt  }
0x52: {  	_ =	shalt  }
0x53: {  	_ =	shalt  }
0x54: {  	_ =	shalt  }
0x55: {  	_ =	shalt  }
0x56: {  	_ =	shalt  }
0x57: {  	_ =	shalt  }
0x58: {  	_ =	shalt  }
0x59: {  	_ =	shalt  }
0x5a: {  	_ =	shalt  }
0x5b: {  	_ =	shalt  }
0x5c: {  	_ =	shalt  }
0x5d: {  	_ =	shalt  }
0x5e: {  	_ =	shalt  }
0x5f: {  	_ =	shalt  }
0x60: {  	_ =	shalt  }
0x61: {  	_ =	shalt  }
0x62: {  	_ =	shalt  }
0x63: {  	_ =	shalt  }
0x64: {  	_ =	shalt  }
0x65: {  	_ =	shalt  }
0x66: {  	_ =	shalt  }
0x67: {  	_ =	shalt  }
0x68: {  	_ =	shalt  }
0x69: {  	_ =	shalt  }
0x6a: {  	_ =	shalt  }
0x6b: {  	_ =	shalt  }
0x6c: {  	_ =	shalt  }
0x6d: {  	_ =	shalt  }
0x6e: {  	_ =	shalt  }
0x6f: {  	_ =	shalt  }
0x70: {  	_ =	shalt  }
0x71: {  	_ =	shalt  }
0x72: {  	_ =	shalt  }
0x73: {  	_ =	shalt  }
0x74: {  	_ =	shalt  }
0x75: {  	_ =	shalt  }
0x76: {  	_ =	shalt  }
0x77: {  	_ =	shalt  }
0x78: {  	_ =	shalt  }
0x79: {  	_ =	shalt  }
0x7a: {  	_ =	shalt  }
0x7b: {  	_ =	shalt  }
0x7c: {  	_ =	shalt  }
0x7d: {  	_ =	shalt  }
0x7e: {  	_ =	shalt  }
0x7f: {  	_ =	shalt  }
0x80: {  	_ =	shalt  }
0x81: {  	_ =	shalt  }
0x82: {  	_ =	shalt  }
0x83: {  	_ =	shalt  }
0x84: {  	_ =	shalt  }
0x85: {  	_ =	shalt  }
0x86: {  	_ =	shalt  }
0x87: {  	_ =	shalt  }
.Lfunc_end0:
.L_simem_size_0:
called_computation.3_lowered:
.L_overlay_start_0:
0x88: {  	s2 =	sld [smem:$0x3FD9]  }
0x89: {  	s3 =	sld [smem:$0x3FFE];
	_ =	sdelay $0x1  }
0x8a: {  	s1 =	srdreg.scid  }
0x8b: {  	s0 =	sand.u32 $0x1, s1  }
0x8c: {  	s16 =	sshll.u32 s0, $0xA;
	s2 =	sadd.s32 s3, s2  }
0x8d: {  	s2 =	sadd.s32 s2, s16  }
0x8e: {  	[smem:$0x3FAF] =	sst s2  }
0x8f: {  	_ = 	snop  }
0x90: {  	(tm) =	ssettm $0x1  }
0x91: {  	s17 =	sld [smem:$0x3FFB];
	_ =	sdelay $0x3  }
0x92: {  	_ =	strace s17  }
0x93: {  	s2 =	sld [smem:$0x3FFC];
	_ =	sdelay $0x3  }
0x94: {  	_ =	strace s2  }
0x95: {  	s2 =	sld [smem:$0x3FFD];
	_ =	sdelay $0x3  }
0x96: {  	_ =	strace s2  }
0x97: {  	_ =	strace $0x8FFFFFFF  }
0x98: {  	s18 =	sld [smem:$0x3FDB];
	_ =	sdelay $0x1  }
0x99: {  	s19 =	simm.s32 $_scs_section_size  }
0x9a: {  	s4 =	simm.s32 $_size__tile_overlayer_lowered;
	s5 =	simm.s32 $_tile_overlayer_lowered  }
0x9b: {  	s22 =	simm.s32 $0x1BFF;
	s21 =	sshll.u32 s5, $0x1;
	s2 =	sadd.s32 s19, s18  }
0x9c: {  	s6 =	simm.s32 $0x0;
	s20 =	sshll.u32 s4, $0x1;
	s4 =	sadd.s32 s21, s2  }
0x9d: {  	[timem:s6], [sflag:s22] =	dma.local [hbm:s4], s20  }
0x9e: {  	_ =	swait.ge [sflag:s22], s20  }
0x9f: {  	s3 =	ssub.s32 $0x0, s20;
	[sflag:s22] =	ssyncset.done $0x0  }
0xa0: {  	[sflag:s22] =	ssyncadd.s32 s3;
	_ =	sdelay $0x1  }
0xa1: {  	s23 =	simm.s32 $0x1B8B  }
0xa2: {  	_ =	swait.ge [sflag:s23], $0x1  }
0xa3: {  	[sflag:s23] =	ssyncset.done $0x0  }
0xa4: {  	s25 =	simm.s32 $0x1B8E;
	s24 =	sld [smem:$0x3FFE];
	[sflag:s23] =	ssyncadd.s32 $0xFFFFFFFF  }
0xa5: {  	s26 =	simm.s32 $execute0_lowered;
	[smem:$0x3FD2] =	sst s25  }
0xa6: {  	s4 =	sshll.u32 s26, $0x1;
	_ =	strace $0x8000004F;
	[dreg:$0x1] =	wrdreg $0xFFFFFFFF  }
0xa7: {  	s28 =	simm.s32 $_size_execute0_lowered;
	s2 =	sadd.s32 s2, s4;
	[dreg:$0x0] =	wrdreg $0x0  }
0xa8: {  	s4 =	sshll.u32 s28, $0x1;
	[dreg:$0x2] =	wrdreg s2  }
0xa9: {  	[dreg:$0x3] =	wrdreg s4  }
0xaa: {  	[dreg:$0x4] =	wrdreg $0xC0  }
0xab: {  	_ =	task [dreg:s6], $0x5FFFF  }
0xac: {  	[dreg:$0x1] =	wrdreg $0xFFFFFFFF  }
0xad: {  	[dreg:$0x0] =	wrdreg $0x60  }
0xae: {  	[dreg:$0x2] =	wrdreg s24  }
0xaf: {  	[dreg:$0x3] =	wrdreg $0x29000  }
0xb0: {  	[dreg:$0x4] =	wrdreg $0x9  }
0xb1: {  	_ =	task.clear_ibuf [dreg:s6], $0x5FFFF;
	_ =	strace $0x9000004F  }
0xb2: {  	s29 =	simm.s32 $0x9;
	_ =	strace $0x80000051  }
0xb3: {  	_ =	swait.ge [sflag:s29], $0x1  }
0xb4: {  	[sflag:s29] =	ssyncadd.s32 $0xFFFFFFFF  }
0xb5: {  	_ =	strace $0x90000051  }
0xb6: {  	_ =	sfence  }
0xb7: {  	s30 =	sld [smem:$0x0];
	_ =	sdelay $0x2  }
0xb8: {  	s31 =	sshll.u32 s1, $0xD;
	s1 =	sshrl.u32 s1, $0x2  }
0xb9: {  	s3 =	sand.u32 $0x4000, s31;
	s1 =	sadd.s32 s1, s30  }
0xba: {  	s0 =	sor.u32 s3, s0;
	s1 =	sshll.u32 s1, $0x11  }
0xbb: {  	s0 =	sor.u32 s1, s0  }
0xbc: {  	s0 =	sadd.s32 $0x8F2B, s0  }
0xbd: {  	[sflag:s0] =	ssyncadd.remote.s32 $0x1  }
0xbe: {  	_ =	sfence.sel $0xFFFF  }
0xbf: {  	[dreg:$0x0] =	wrdreg $0xFFFFFFFF;
	(pc) =	sbr.abs _section_cstart, $3  }
0xc0: {  	[dreg:$0x1] =	wrdreg $0xFFFFFFFF  }
0xc1: {  	_ =	task.clear_ibuf [dreg:s6], $0x2FFFF;
	_ =	strace $0x9FFFFFFF  }
0xc2: {  	(tm) =	ssettm $0x7FFFFFFF  }
0xc3: {  	_ =	shalt  }
tec
execute0_lowered:
.L_overlay_start_1:
0x0: {  	(tag) =	ssettag $0x1  }
0x1: {  	s5 =	rddreg [dreg:$0x0]  }
0x2: {  	s2 =	rddreg [dreg:$0x1]  }
0x3: {  	s0 =	rddreg [dreg:$0x2]  }
0x4: {  	s3 =	simm.s32 $0x0;
	s1 =	stileid.u32;
	s7 =	srdreg.scid  }
0x5: {  	s14 =	simm.s32 $0x50;
	s15 =	simm.s32 $0x100;
	s16 =	simm.s32 $0x1  }
0x6: {  	s17 =	simm.s32 $0x0;
	[smem:$0x7FF] =	sst s3;
	s6 =	smul.u32 $0x9C4, s1  }
0x7: {  	s8 =	sadd.s32 $0x1B000, s5;
	s4 =	sadd.s32 $0x43000, s5;
	s7 =	sand.u32 $0x1, s7  }
0x8: {  	s9 =	smul.u32 $0x50000, s1;
	s11 =	sadd.s32 $0xE3000, s5;
	s12 =	sadd.s32 $0x10B000, s5  }
0x9: {  	s30 =	smul.u32 $0x2800, s1;
	s31 =	sshll.u32 s1, $0x6;
	_ =	strace $0x80000050  }
0xa: {  	s26 =	ssub.s32 $0x2, s7;
	p0 =	seq.s32 s7, $0x0;
	s7 =	sor.u32 $0x1C02, s31  }
0xb: {  	s10 =	sadd.s32 s6, s5;
	s28 =	sshrl.u32 s26, $0x1;
	s29 =	sshrl.u32 s9, $0x2  }
0xc: {  	s4 =	smov.u32 @p0 s8;
	s12 =	smov.u32 @p0 s11;
	s5 =	ssub.s32 s26, s28  }
0xd: {  	s13 =	sadd.s32 s29, s2;
	s6 =	sadd.s32 s4, s30;
	s8 =	sadd.s32 s12, s30  }
0xe: {  	s9 =	sadd.s32 $0x7400, s10;
	s10 =	sadd.s32 $0x11200, s10;
	s12 =	simm.s32 $0x2  }
0xf: {  	s5 =	smax.u32 s5, $0x1;
	s11 =	sshrl.u32 s13, $0x3;
	s13 =	simm.s32 $0x80  }
.LBB2_1:
0x10: {  	[spmem:s11], [sflag:s7] =	dma.local [hbm:s6], $0x2800  }
0x11: {  	_ =	swait.ge [sflag:s12], $0x2800  }
0x12: {  	[sflag:s12] =	ssyncset.done $0x0  }
0x13: {  	[sflag:s12] =	ssyncadd.s32 $0xFFFFD800  }
0x14: {  	s18 =	sadd.s32 $0x0, s10;
	[bflag:$0x0] =	sbarrier.arrive $0xFFFF  }
0x15: {  	[tilespmem:s3], [sflag:$0x2] =	stream.linear.gather [hbm4b:s18+s3], $0x50, $0x38;
	[tilespmem:$0x16900] =	vst v63  }
0x16: {  	_ =	swait.ge [sflag:s12], $0x50  }
0x17: {  	[sflag:s12] =	ssyncset.done $0x0  }
0x18: {  	s31 =	sadd.s32 $0x0, s9;
	[sflag:s12] =	ssyncadd.s32 $0xFFFFFFB0  }
0x19: {  	[tilespmem:s13], [sflag:$0x2] =	stream.linear.gather [hbm4b:s31+s3], $0x50, $0x38;
	[tilespmem:$0x16900] =	vst v63  }
0x1a: {  	_ =	swait.ge [sflag:s12], $0x50  }
0x1b: {  	[sflag:s12] =	ssyncset.done $0x0  }
0x1c: {  	[sflag:s12] =	ssyncadd.s32 $0xFFFFFFB0  }
0x1d: {  	[tilespmem:s15], [sflag:$0x1] =	stream.indirect.gather [hbm4b:s4+s14], $0x80, s3, s14, $0xb8;
	[tilespmem:$0x16900] =	vst v63  }
0x1e: {  	_ =	swait.ge [sflag:s16], $0x2800  }
0x1f: {  	[sflag:s16] =	ssyncset.done $0x0  }
0x20: {  	[sflag:s16] =	ssyncadd.s32 $0xFFFFD800  }
0x21: {  	[spmem:s2] =	stream.indirect.scatter.add.f32 [tilespmem:s15], [sflag:$0x1], $0x80, s13, s14, $0xb8;
	[tilespmem:$0x16900] =	vst v63  }
0x22: {  	_ =	swait.ge [sflag:s16], $0x2800  }
0x23: {  	s19 =	simm.s32 $0x14;
	s18 =	simm.s32 $0xA;
	[sflag:s16] =	ssyncset.done $0x0  }
.LBB2_2:
0x24: {  	s20 =	sadd.s32 s18, s10  }
0x25: {  	[sflag:s16] =	ssyncadd.s32 $0xFFFFD800;
	s21 =	smov.u32 s19;
	s22 =	sadd.s32 $0xA, s19  }
0x26: {  	[tilespmem:s3], [sflag:$0x2] =	stream.linear.gather [hbm4b:s20+s3], $0x50, $0x38;
	[tilespmem:$0x16900] =	vst v63  }
0x27: {  	p0 =	sne.s32 s19, $0x9BA;
	_ =	swait.ge [sflag:s12], $0x50  }
0x28: {  	[sflag:s12] =	ssyncset.done $0x0  }
0x29: {  	s19 =	sadd.s32 s18, s9;
	s18 =	smov.u32 s21;
	[sflag:s12] =	ssyncadd.s32 $0xFFFFFFB0  }
0x2a: {  	[tilespmem:s13], [sflag:$0x2] =	stream.linear.gather [hbm4b:s19+s3], $0x50, $0x38;
	[tilespmem:$0x16900] =	vst v63  }
0x2b: {  	_ =	swait.ge [sflag:s12], $0x50  }
0x2c: {  	[sflag:s12] =	ssyncset.done $0x0  }
0x2d: {  	[sflag:s12] =	ssyncadd.s32 $0xFFFFFFB0  }
0x2e: {  	[tilespmem:s15], [sflag:$0x1] =	stream.indirect.gather [hbm4b:s4+s14], $0x80, s3, s14, $0xb8;
	[tilespmem:$0x16900] =	vst v63  }
0x2f: {  	_ =	swait.ge [sflag:s16], $0x2800  }
.Ltmp0:
0x30: {  	[sflag:s16] =	ssyncset.done $0x0;
	(pc) =	sbr.rel @p0 .LBB2_2-.Ltmp0, $4  }
0x31: {  	[sflag:s16] =	ssyncadd.s32 $0xFFFFD800  }
0x32: {  	[spmem:s2] =	stream.indirect.scatter.add.f32 [tilespmem:s15], [sflag:$0x1], $0x80, s13, s14, $0xb8;
	[tilespmem:$0x16900] =	vst v63  }
0x33: {  	_ =	swait.ge [sflag:s16], $0x2800  }
0x34: {  	s19 =	smov.u32 s22;
	[sflag:s16] =	ssyncset.done $0x0  }
0x35: {  	s19 =	sadd.s32 s18, s10;
	[sflag:s16] =	ssyncadd.s32 $0xFFFFD800  }
0x36: {  	[tilespmem:s3], [sflag:$0x2] =	stream.linear.gather [hbm4b:s19+s3], $0x50, $0x38;
	[tilespmem:$0x16900] =	vst v63  }
0x37: {  	_ =	swait.ge [sflag:s12], $0x50  }
0x38: {  	[sflag:s12] =	ssyncset.done $0x0  }
0x39: {  	s31 =	sadd.s32 s18, s9;
	[sflag:s12] =	ssyncadd.s32 $0xFFFFFFB0  }
0x3a: {  	[tilespmem:s13], [sflag:$0x2] =	stream.linear.gather [hbm4b:s31+s3], $0x50, $0x38;
	[tilespmem:$0x16900] =	vst v63  }
0x3b: {  	_ =	swait.ge [sflag:s12], $0x50  }
0x3c: {  	[sflag:s12] =	ssyncset.done $0x0  }
0x3d: {  	[sflag:s12] =	ssyncadd.s32 $0xFFFFFFB0  }
0x3e: {  	[tilespmem:s15], [sflag:$0x1] =	stream.indirect.gather [hbm4b:s4+s14], $0x80, s3, s14, $0xb8;
	[tilespmem:$0x16900] =	vst v63  }
0x3f: {  	_ =	swait.ge [sflag:s16], $0x2800  }
0x40: {  	[sflag:s16] =	ssyncset.done $0x0  }
0x41: {  	[sflag:s16] =	ssyncadd.s32 $0xFFFFD800  }
0x42: {  	[spmem:s2] =	stream.indirect.scatter.add.f32 [tilespmem:s15], [sflag:$0x1], $0x80, s13, s14, $0xb8;
	[tilespmem:$0x16900] =	vst v63  }
0x43: {  	_ =	swait.ge [sflag:s16], $0x2800  }
0x44: {  	s17 =	sadd.s32 $0x1, s17;
	[sflag:s16] =	ssyncset.done $0x0  }
0x45: {  	p0 =	sne.s32 s17, s5;
	[sflag:s16] =	ssyncadd.s32 $0xFFFFD800  }
.Ltmp1:
0x46: {  	[bflag:$0x0] =	sbarrier.arrive $0xFFFF;
	(pc) =	sbr.rel @p0 .LBB2_1-.Ltmp1, $4  }
0x47: {  	[hbm:s8], [sflag:s7] =	dma.local [spmem:s11], $0x2800  }
0x48: {  	_ =	swait.ge [sflag:s12], $0x2800  }
0x49: {  	[sflag:s12] =	ssyncset.done $0x0  }
0x4a: {  	[sflag:s12] =	ssyncadd.s32 $0xFFFFD800  }
0x4b: {  	_ =	sfence.sel $0x180000  }
0x4c: {  	[bflag:$0x0] =	sbarrier.arrive $0xFFFF  }
0x4d: {  	p0 =	sne.s32 s1, $0x0;
	_ =	strace $0x90000050  }
0x4e: {  	s0 =	sadd.s32 @!p0 $0x100000, s0;
	[bflag:$0x2] =	sbarrier.arrive $0xFFFF  }
0x4f: {  	[sflag:s0] =	ssyncadd.tile.s32 @!p0 $0x1;
	_ =	shalt  }
.Lfunc_end2:
_tile_overlayer_lowered:
.L_overlay_start_2:
0x50: {  	(tag) =	ssettag $0x2  }
0x51: {  	s0 =	rddreg [dreg:$0x0];
	s2 =	stileid.u32  }
0x52: {  	s1 =	rddreg [dreg:$0x1];
	p0 =	sne.s32 s2, $0x0  }
0x53: {  	s3 =	rddreg [dreg:$0x2];
	[bflag:$0x3] =	sbarrier.arrive $0xFFFF;
	s2 =	simm.s32 @!p0 $0x1C02  }
0x54: {  	[timem:s3], [sflag:s2] =	dma.local @!p0 [hbm:s0], s1  }
0x55: {  	s0 =	simm.s32 @!p0 $0x2  }
0x56: {  	_ =	swait.ge @!p0 [sflag:s0], s1  }
0x57: {  	s1 =	ssub.s32 @!p0 $0x0, s1;
	[sflag:s0] =	ssyncset.done @!p0 $0x0  }
0x58: {  	[sflag:s0] =	ssyncadd.s32 @!p0 s1  }
0x59: {  	[bflag:$0x3] =	sbarrier.arrive $0xFFFF  }
0x5a: {  	_ =	shalt  }

</sc_bundles>
